<compile_context>
chip_gen: v7x
topology: tpu7x:2x2x1
jax: 0.10.2.dev20260603
libtpu: 0.0.44.dev20260713+nightly
codegen_flags: <defaults>
</compile_context>

<pallas_src>
import jax
import jax.numpy as jnp
from jax import lax
from jax.experimental import pallas as pl
from jax.experimental.pallas import tpu as pltpu
from jax.experimental.pallas import tpu_sc as plsc

_NC, _NS = 2, 16
_NW = _NC * _NS
_C = 128
_NBUF = 5
_L16 = 16


def _make_body(seq_mod):
    def _gather_body(text_hbm, seq_hbm, table_hbm, out_hbm,
                     idx_v, seq_s, *bufs_and_sems):
        rows = bufs_and_sems[:_NBUF]
        gsem = bufs_and_sems[_NBUF:2 * _NBUF]
        ssem = bufs_and_sems[2 * _NBUF:3 * _NBUF]
        wid = lax.axis_index("s") * _NC + lax.axis_index("c")
        n = text_hbm.shape[0]
        b_per_w = n // _NW
        base = wid * b_per_w
        pltpu.sync_copy(seq_hbm, seq_s)
        pltpu.sync_copy(text_hbm.at[pl.ds(base, b_per_w)], idx_v)
        seq_len = seq_s[...]
        n_chunks = b_per_w // _C
        lane = lax.iota(jnp.int32, _L16)

        def _transform(j):
            off = j * _C
            for i in range(_C // _L16):
                o = off + i * _L16
                pos = base + o + lane
                col = lax.rem(pos, seq_mod)
                raw = idx_v[pl.ds(o, _L16)]
                idx_v[pl.ds(o, _L16)] = jnp.where(col < seq_len, raw + 1, 0)

        def _start_gather(b, j):
            pltpu.async_copy(
                table_hbm.at[idx_v.at[pl.ds(j * _C, _C)]], rows[b], gsem[b])

        def _wait_gather(b, j):
            pltpu.make_async_copy(
                table_hbm.at[idx_v.at[pl.ds(j * _C, _C)]], rows[b],
                gsem[b]).wait()

        def _start_scatter(b, j):
            pltpu.async_copy(
                rows[b], out_hbm.at[pl.ds(base + j * _C, _C)], ssem[b])

        def _wait_scatter(b, j):
            pltpu.make_async_copy(
                rows[b], out_hbm.at[pl.ds(base + j * _C, _C)], ssem[b]).wait()

        for b in range(_NBUF):
            _transform(b)
            _start_gather(b, b)

        @pl.loop(0, n_chunks - _NBUF, step=_NBUF)
        def _grp(j0):
            for b in range(_NBUF):
                j = j0 + b
                _transform(j + _NBUF)
                _wait_gather(b, j)
                _start_scatter(b, j)
                _wait_scatter(b, j)
                _start_gather(b, j + _NBUF)

        for b in range(_NBUF):
            j = n_chunks - _NBUF + b
            _wait_gather(b, j)
            _start_scatter(b, j)
        for b in range(_NBUF):
            j = n_chunks - _NBUF + b
            _wait_scatter(b, j)

    return _gather_body


def _embed_gather(table, text_flat, seq_arr, seq_mod):
    n = text_flat.shape[0]
    d = table.shape[1]
    b_per_w = n // _NW
    k = pl.kernel(
        _make_body(seq_mod),
        out_type=jax.ShapeDtypeStruct((n, d), table.dtype),
        mesh=plsc.VectorSubcoreMesh(
            core_axis_name="c", subcore_axis_name="s",
            num_cores=_NC, num_subcores=_NS),
        scratch_types=(
            [pltpu.VMEM((b_per_w,), jnp.int32),
             pltpu.VMEM((_L16,), jnp.int32)]
            + [pltpu.VMEM((_C, d), jnp.float32) for _ in range(_NBUF)]
            + [pltpu.SemaphoreType.DMA for _ in range(2 * _NBUF)]
        ),
    )
    return k(text_flat, seq_arr, table)


def kernel(text, seq_len, table):
    b, l = text.shape
    seq_arr = jnp.full((16,), seq_len, jnp.int32)
    out = _embed_gather(table, text.reshape(-1), seq_arr, l)
    return out.reshape(b, l, table.shape[1])

# --- scband reference (transcript-rebuilt; emitter-appended) ---
"""Pipeline reference for scband-text-embedding-45681272160517 (READ-ONLY COPY).

The authoritative reference and input builder live on the scoring server;
editing this copy changes nothing except your own understanding.
"""

import jax, jax.numpy as jnp
import numpy as np

TEXT_NUM_EMBEDS = 100000
TEXT_DIM = 128
BATCH = 4096
LEN = 200


def setup_inputs(seed: int = 0) -> dict:
    key = jax.random.key(seed)
    k_text, k_table = jax.random.split(key)
    text = jax.random.randint(k_text, (BATCH, LEN), 0, TEXT_NUM_EMBEDS, dtype=jnp.int64 if jax.config.jax_enable_x64 else jnp.int32).astype(jnp.int32)
    table = jax.random.normal(k_table, (TEXT_NUM_EMBEDS + 1, TEXT_DIM), dtype=jnp.float32)
    seq_len = LEN
    return {"text": text, "seq_len": seq_len, "table": table}


def reference(text, seq_len, table):
    # text = text + 1  (shift so 0 is padding token)
    t = text + 1
    max_seq_len = t.shape[1]
    # slice to max_seq_len then pad with 0 up to max_seq_len, expressed as a
    # fixed-shape masked equivalent: positions >= seq_len become the pad token 0.
    col = jnp.arange(max_seq_len, dtype=jnp.int32)
    t = jnp.where(col[None, :] < seq_len, t, 0)
    # seq_len is a scalar int -> valid_pos_mask is None; drop_text=False
    # mask_padding computes text_mask = (t == 0) but with conv_layers=0 and
    # average_upsampling=False it is unused downstream.
    # embedding lookup
    out = jnp.take(table, t, axis=0)
    return out

if __name__ == "__main__":
    import jax
    _d = setup_inputs()
    print(jax.jit(kernel)(*tuple(_d.values())))

</pallas_src>

<mosaic_0001>
#map = affine_map<(d0, d1) -> (0)>
#map1 = affine_map<(d0, d1) -> (0, 0)>
module attributes {stable_mosaic.version = 14 : i64} {
  func.func @_gather_body(%arg0: i32, %arg1: i32, %arg2: memref<819200xi32, #tpu.memory_space<hbm>>, %arg3: memref<16xi32, #tpu.memory_space<hbm>>, %arg4: memref<100001x128xf32, #tpu.memory_space<hbm>>, %arg5: memref<819200x128xf32, #tpu.memory_space<hbm>>, %arg6: memref<25600xi32, #tpu.memory_space<vmem>>, %arg7: memref<16xi32, #tpu.memory_space<vmem>>, %arg8: memref<128x128xf32, #tpu.memory_space<vmem>>, %arg9: memref<128x128xf32, #tpu.memory_space<vmem>>, %arg10: memref<128x128xf32, #tpu.memory_space<vmem>>, %arg11: memref<128x128xf32, #tpu.memory_space<vmem>>, %arg12: memref<128x128xf32, #tpu.memory_space<vmem>>, %arg13: memref<!tpu.dma_semaphore, #tpu.memory_space<semaphore_mem>>, %arg14: memref<!tpu.dma_semaphore, #tpu.memory_space<semaphore_mem>>, %arg15: memref<!tpu.dma_semaphore, #tpu.memory_space<semaphore_mem>>, %arg16: memref<!tpu.dma_semaphore, #tpu.memory_space<semaphore_mem>>, %arg17: memref<!tpu.dma_semaphore, #tpu.memory_space<semaphore_mem>>, %arg18: memref<!tpu.dma_semaphore, #tpu.memory_space<semaphore_mem>>, %arg19: memref<!tpu.dma_semaphore, #tpu.memory_space<semaphore_mem>>, %arg20: memref<!tpu.dma_semaphore, #tpu.memory_space<semaphore_mem>>, %arg21: memref<!tpu.dma_semaphore, #tpu.memory_space<semaphore_mem>>, %arg22: memref<!tpu.dma_semaphore, #tpu.memory_space<semaphore_mem>>) attributes {dimension_semantics = [#tpu.dimension_semantics<core_parallel>, #tpu.dimension_semantics<subcore_parallel>], iteration_bounds = array<i64: 2, 16>, scalar_prefetch = 0 : i64, scratch_operands = 17 : i64, tpu.core_type = #tpu.core_type<sc_vector_subcore>, window_params = [{transform_indices = #map}, {transform_indices = #map}, {transform_indices = #map1}, {transform_indices = #map1}]} {
    %mul3A = arith.constant 2 : i32
    %mul3A_0 = arith.muli %arg1, %mul3A : i32
    %add3A = arith.addi %mul3A_0, %arg0 : i32
    %mul3A_1 = arith.constant 25600 : i32
    %mul3A_2 = arith.muli %add3A, %mul3A_1 : i32
    "tpu.region"() ({
      %run_scoped3A = tpu.sem_alloc : memref<!tpu.dma_semaphore, #tpu.memory_space<semaphore_mem>>
      tpu.enqueue_dma source(%arg3 : memref<16xi32, #tpu.memory_space<hbm>>) target(%arg7 : memref<16xi32, #tpu.memory_space<vmem>>) target_semaphore(%run_scoped3A : memref<!tpu.dma_semaphore, #tpu.memory_space<semaphore_mem>>)
      tpu.wait_dma2 semaphore(%run_scoped3A : memref<!tpu.dma_semaphore, #tpu.memory_space<semaphore_mem>>) src(%arg3 : memref<16xi32, #tpu.memory_space<hbm>>) dst(%arg7 : memref<16xi32, #tpu.memory_space<vmem>>)
      tpu.yield
    }) : () -> ()
    "tpu.region"() ({
      %run_scoped3A = tpu.sem_alloc : memref<!tpu.dma_semaphore, #tpu.memory_space<semaphore_mem>>
      %dma_start3A_951 = tpu.memref_slice %arg2[%mul3A_2] : memref<819200xi32, #tpu.memory_space<hbm>> -> memref<25600xi32, #tpu.memory_space<hbm>>
      %dma_start3A_952 = tpu.memref_slice %arg2[%mul3A_2] : memref<819200xi32, #tpu.memory_space<hbm>> -> memref<25600xi32, #tpu.memory_space<hbm>>
      tpu.enqueue_dma source(%dma_start3A_952 : memref<25600xi32, #tpu.memory_space<hbm>>) target(%arg6 : memref<25600xi32, #tpu.memory_space<vmem>>) target_semaphore(%run_scoped3A : memref<!tpu.dma_semaphore, #tpu.memory_space<semaphore_mem>>)
      %dma_wait3A_953 = tpu.memref_slice %arg2[%mul3A_2] : memref<819200xi32, #tpu.memory_space<hbm>> -> memref<25600xi32, #tpu.memory_space<hbm>>
      %dma_wait3A_954 = tpu.memref_slice %arg2[%mul3A_2] : memref<819200xi32, #tpu.memory_space<hbm>> -> memref<25600xi32, #tpu.memory_space<hbm>>
      tpu.wait_dma2 semaphore(%run_scoped3A : memref<!tpu.dma_semaphore, #tpu.memory_space<semaphore_mem>>) src(%dma_wait3A_954 : memref<25600xi32, #tpu.memory_space<hbm>>) dst(%arg6 : memref<25600xi32, #tpu.memory_space<vmem>>)
      tpu.yield
    }) : () -> ()
    %get3A = arith.constant 0 : index
    %get3A_3 = tpu.vector_load %arg7[%get3A] {strides = array<i32>} : memref<16xi32, #tpu.memory_space<vmem>>, vector<16xi32>,
    %get3A_4 = vector.shape_cast %get3A_3 : vector<16xi32> to vector<16xi32>
    %iota3A = tpu.iota {dimensions = array<i32: 0>} : vector<16xi32>
    %add3A_5 = arith.constant 0 : i32
    %add3A_6 = arith.addi %mul3A_2, %add3A_5 : i32
    %add3A_7 = vector.broadcast %add3A_6 : i32 to vector<16xi32>
    %add3A_8 = arith.addi %add3A_7, %iota3A : vector<16xi32>
    %rem3A = arith.constant 200 : i32
    %rem3A_9 = vector.broadcast %rem3A : i32 to vector<16xi32>
    %rem3A_10 = arith.remsi %add3A_8, %rem3A_9 : vector<16xi32>
    %get3A_11 = arith.constant 0 : index
    %get3A_12 = tpu.vector_load %arg6[%get3A_11] {strides = array<i32>} : memref<25600xi32, #tpu.memory_space<vmem>>, vector<16xi32>,
    %get3A_13 = vector.shape_cast %get3A_12 : vector<16xi32> to vector<16xi32>
    %lt3A = arith.cmpi slt, %rem3A_10, %get3A_4 : vector<16xi32>
    %add3A_14 = arith.constant 1 : i32
    %add3A_15 = vector.broadcast %add3A_14 : i32 to vector<16xi32>
    %add3A_16 = arith.addi %get3A_13, %add3A_15 : vector<16xi32>
    %jit3A = arith.constant 0 : i32
    %broadcast_in_dim3A = vector.broadcast %jit3A : i32 to vector<16xi32>
    %select_n3A = arith.select %lt3A, %add3A_16, %broadcast_in_dim3A : vector<16xi1>, vector<16xi32>
    %swap3A = arith.constant 0 : index
    %swap3A_17 = tpu.vector_load %arg6[%swap3A] {strides = array<i32>} : memref<25600xi32, #tpu.memory_space<vmem>>, vector<16xi32>,
    %swap3A_18 = vector.shape_cast %swap3A_17 : vector<16xi32> to vector<16xi32>
    %swap3A_19 = vector.shape_cast %select_n3A : vector<16xi32> to vector<16xi32>
    tpu.vector_store %arg6[%swap3A], %swap3A_19 {strides = array<i32>} : memref<25600xi32, #tpu.memory_space<vmem>>, vector<16xi32>,
    %add3A_20 = arith.constant 16 : i32
    %add3A_21 = arith.addi %mul3A_2, %add3A_20 : i32
    %add3A_22 = vector.broadcast %add3A_21 : i32 to vector<16xi32>
    %add3A_23 = arith.addi %add3A_22, %iota3A : vector<16xi32>
    %rem3A_24 = arith.constant 200 : i32
    %rem3A_25 = vector.broadcast %rem3A_24 : i32 to vector<16xi32>
    %rem3A_26 = arith.remsi %add3A_23, %rem3A_25 : vector<16xi32>
    %get3A_27 = arith.constant 16 : index
    %get3A_28 = tpu.vector_load %arg6[%get3A_27] {strides = array<i32>} : memref<25600xi32, #tpu.memory_space<vmem>>, vector<16xi32>,
    %get3A_29 = vector.shape_cast %get3A_28 : vector<16xi32> to vector<16xi32>
    %lt3A_30 = arith.cmpi slt, %rem3A_26, %get3A_4 : vector<16xi32>
    %add3A_31 = arith.constant 1 : i32
    %add3A_32 = vector.broadcast %add3A_31 : i32 to vector<16xi32>
    %add3A_33 = arith.addi %get3A_29, %add3A_32 : vector<16xi32>
    %jit3A_34 = arith.constant 0 : i32
    %broadcast_in_dim3A_35 = vector.broadcast %jit3A_34 : i32 to vector<16xi32>
    %select_n3A_36 = arith.select %lt3A_30, %add3A_33, %broadcast_in_dim3A_35 : vector<16xi1>, vector<16xi32>
    %swap3A_37 = arith.constant 16 : index
    %swap3A_38 = tpu.vector_load %arg6[%swap3A_37] {strides = array<i32>} : memref<25600xi32, #tpu.memory_space<vmem>>, vector<16xi32>,
    %swap3A_39 = vector.shape_cast %swap3A_38 : vector<16xi32> to vector<16xi32>
    %swap3A_40 = vector.shape_cast %select_n3A_36 : vector<16xi32> to vector<16xi32>
    tpu.vector_store %arg6[%swap3A_37], %swap3A_40 {strides = array<i32>} : memref<25600xi32, #tpu.memory_space<vmem>>, vector<16xi32>,
    %add3A_41 = arith.constant 32 : i32
    %add3A_42 = arith.addi %mul3A_2, %add3A_41 : i32
    %add3A_43 = vector.broadcast %add3A_42 : i32 to vector<16xi32>
    %add3A_44 = arith.addi %add3A_43, %iota3A : vector<16xi32>
    %rem3A_45 = arith.constant 200 : i32
    %rem3A_46 = vector.broadcast %rem3A_45 : i32 to vector<16xi32>
    %rem3A_47 = arith.remsi %add3A_44, %rem3A_46 : vector<16xi32>
    %get3A_48 = arith.constant 32 : index
    %get3A_49 = tpu.vector_load %arg6[%get3A_48] {strides = array<i32>} : memref<25600xi32, #tpu.memory_space<vmem>>, vector<16xi32>,
    %get3A_50 = vector.shape_cast %get3A_49 : vector<16xi32> to vector<16xi32>
    %lt3A_51 = arith.cmpi slt, %rem3A_47, %get3A_4 : vector<16xi32>
    %add3A_52 = arith.constant 1 : i32
    %add3A_53 = vector.broadcast %add3A_52 : i32 to vector<16xi32>
    %add3A_54 = arith.addi %get3A_50, %add3A_53 : vector<16xi32>
    %jit3A_55 = arith.constant 0 : i32
    %broadcast_in_dim3A_56 = vector.broadcast %jit3A_55 : i32 to vector<16xi32>
    %select_n3A_57 = arith.select %lt3A_51, %add3A_54, %broadcast_in_dim3A_56 : vector<16xi1>, vector<16xi32>
    %swap3A_58 = arith.constant 32 : index
    %swap3A_59 = tpu.vector_load %arg6[%swap3A_58] {strides = array<i32>} : memref<25600xi32, #tpu.memory_space<vmem>>, vector<16xi32>,
    %swap3A_60 = vector.shape_cast %swap3A_59 : vector<16xi32> to vector<16xi32>
    %swap3A_61 = vector.shape_cast %select_n3A_57 : vector<16xi32> to vector<16xi32>
    tpu.vector_store %arg6[%swap3A_58], %swap3A_61 {strides = array<i32>} : memref<25600xi32, #tpu.memory_space<vmem>>, vector<16xi32>,
    %add3A_62 = arith.constant 48 : i32
    %add3A_63 = arith.addi %mul3A_2, %add3A_62 : i32
    %add3A_64 = vector.broadcast %add3A_63 : i32 to vector<16xi32>
    %add3A_65 = arith.addi %add3A_64, %iota3A : vector<16xi32>
    %rem3A_66 = arith.constant 200 : i32
    %rem3A_67 = vector.broadcast %rem3A_66 : i32 to vector<16xi32>
    %rem3A_68 = arith.remsi %add3A_65, %rem3A_67 : vector<16xi32>
    %get3A_69 = arith.constant 48 : index
    %get3A_70 = tpu.vector_load %arg6[%get3A_69] {strides = array<i32>} : memref<25600xi32, #tpu.memory_space<vmem>>, vector<16xi32>,
    %get3A_71 = vector.shape_cast %get3A_70 : vector<16xi32> to vector<16xi32>
    %lt3A_72 = arith.cmpi slt, %rem3A_68, %get3A_4 : vector<16xi32>
    %add3A_73 = arith.constant 1 : i32
    %add3A_74 = vector.broadcast %add3A_73 : i32 to vector<16xi32>
    %add3A_75 = arith.addi %get3A_71, %add3A_74 : vector<16xi32>
    %jit3A_76 = arith.constant 0 : i32
    %broadcast_in_dim3A_77 = vector.broadcast %jit3A_76 : i32 to vector<16xi32>
    %select_n3A_78 = arith.select %lt3A_72, %add3A_75, %broadcast_in_dim3A_77 : vector<16xi1>, vector<16xi32>
    %swap3A_79 = arith.constant 48 : index
    %swap3A_80 = tpu.vector_load %arg6[%swap3A_79] {strides = array<i32>} : memref<25600xi32, #tpu.memory_space<vmem>>, vector<16xi32>,
    %swap3A_81 = vector.shape_cast %swap3A_80 : vector<16xi32> to vector<16xi32>
    %swap3A_82 = vector.shape_cast %select_n3A_78 : vector<16xi32> to vector<16xi32>
    tpu.vector_store %arg6[%swap3A_79], %swap3A_82 {strides = array<i32>} : memref<25600xi32, #tpu.memory_space<vmem>>, vector<16xi32>,
    %add3A_83 = arith.constant 64 : i32
    %add3A_84 = arith.addi %mul3A_2, %add3A_83 : i32
    %add3A_85 = vector.broadcast %add3A_84 : i32 to vector<16xi32>
    %add3A_86 = arith.addi %add3A_85, %iota3A : vector<16xi32>
    %rem3A_87 = arith.constant 200 : i32
    %rem3A_88 = vector.broadcast %rem3A_87 : i32 to vector<16xi32>
    %rem3A_89 = arith.remsi %add3A_86, %rem3A_88 : vector<16xi32>
    %get3A_90 = arith.constant 64 : index
    %get3A_91 = tpu.vector_load %arg6[%get3A_90] {strides = array<i32>} : memref<25600xi32, #tpu.memory_space<vmem>>, vector<16xi32>,
    %get3A_92 = vector.shape_cast %get3A_91 : vector<16xi32> to vector<16xi32>
    %lt3A_93 = arith.cmpi slt, %rem3A_89, %get3A_4 : vector<16xi32>
    %add3A_94 = arith.constant 1 : i32
    %add3A_95 = vector.broadcast %add3A_94 : i32 to vector<16xi32>
    %add3A_96 = arith.addi %get3A_92, %add3A_95 : vector<16xi32>
    %jit3A_97 = arith.constant 0 : i32
    %broadcast_in_dim3A_98 = vector.broadcast %jit3A_97 : i32 to vector<16xi32>
    %select_n3A_99 = arith.select %lt3A_93, %add3A_96, %broadcast_in_dim3A_98 : vector<16xi1>, vector<16xi32>
    %swap3A_100 = arith.constant 64 : index
    %swap3A_101 = tpu.vector_load %arg6[%swap3A_100] {strides = array<i32>} : memref<25600xi32, #tpu.memory_space<vmem>>, vector<16xi32>,
    %swap3A_102 = vector.shape_cast %swap3A_101 : vector<16xi32> to vector<16xi32>
    %swap3A_103 = vector.shape_cast %select_n3A_99 : vector<16xi32> to vector<16xi32>
    tpu.vector_store %arg6[%swap3A_100], %swap3A_103 {strides = array<i32>} : memref<25600xi32, #tpu.memory_space<vmem>>, vector<16xi32>,
    %add3A_104 = arith.constant 80 : i32
    %add3A_105 = arith.addi %mul3A_2, %add3A_104 : i32
    %add3A_106 = vector.broadcast %add3A_105 : i32 to vector<16xi32>
    %add3A_107 = arith.addi %add3A_106, %iota3A : vector<16xi32>
    %rem3A_108 = arith.constant 200 : i32
    %rem3A_109 = vector.broadcast %rem3A_108 : i32 to vector<16xi32>
    %rem3A_110 = arith.remsi %add3A_107, %rem3A_109 : vector<16xi32>
    %get3A_111 = arith.constant 80 : index
    %get3A_112 = tpu.vector_load %arg6[%get3A_111] {strides = array<i32>} : memref<25600xi32, #tpu.memory_space<vmem>>, vector<16xi32>,
    %get3A_113 = vector.shape_cast %get3A_112 : vector<16xi32> to vector<16xi32>
    %lt3A_114 = arith.cmpi slt, %rem3A_110, %get3A_4 : vector<16xi32>
    %add3A_115 = arith.constant 1 : i32
    %add3A_116 = vector.broadcast %add3A_115 : i32 to vector<16xi32>
    %add3A_117 = arith.addi %get3A_113, %add3A_116 : vector<16xi32>
    %jit3A_118 = arith.constant 0 : i32
    %broadcast_in_dim3A_119 = vector.broadcast %jit3A_118 : i32 to vector<16xi32>
    %select_n3A_120 = arith.select %lt3A_114, %add3A_117, %broadcast_in_dim3A_119 : vector<16xi1>, vector<16xi32>
    %swap3A_121 = arith.constant 80 : index
    %swap3A_122 = tpu.vector_load %arg6[%swap3A_121] {strides = array<i32>} : memref<25600xi32, #tpu.memory_space<vmem>>, vector<16xi32>,
    %swap3A_123 = vector.shape_cast %swap3A_122 : vector<16xi32> to vector<16xi32>
    %swap3A_124 = vector.shape_cast %select_n3A_120 : vector<16xi32> to vector<16xi32>
    tpu.vector_store %arg6[%swap3A_121], %swap3A_124 {strides = array<i32>} : memref<25600xi32, #tpu.memory_space<vmem>>, vector<16xi32>,
    %add3A_125 = arith.constant 96 : i32
    %add3A_126 = arith.addi %mul3A_2, %add3A_125 : i32
    %add3A_127 = vector.broadcast %add3A_126 : i32 to vector<16xi32>
    %add3A_128 = arith.addi %add3A_127, %iota3A : vector<16xi32>
    %rem3A_129 = arith.constant 200 : i32
    %rem3A_130 = vector.broadcast %rem3A_129 : i32 to vector<16xi32>
    %rem3A_131 = arith.remsi %add3A_128, %rem3A_130 : vector<16xi32>
    %get3A_132 = arith.constant 96 : index
    %get3A_133 = tpu.vector_load %arg6[%get3A_132] {strides = array<i32>} : memref<25600xi32, #tpu.memory_space<vmem>>, vector<16xi32>,
    %get3A_134 = vector.shape_cast %get3A_133 : vector<16xi32> to vector<16xi32>
    %lt3A_135 = arith.cmpi slt, %rem3A_131, %get3A_4 : vector<16xi32>
    %add3A_136 = arith.constant 1 : i32
    %add3A_137 = vector.broadcast %add3A_136 : i32 to vector<16xi32>
    %add3A_138 = arith.addi %get3A_134, %add3A_137 : vector<16xi32>
    %jit3A_139 = arith.constant 0 : i32
    %broadcast_in_dim3A_140 = vector.broadcast %jit3A_139 : i32 to vector<16xi32>
    %select_n3A_141 = arith.select %lt3A_135, %add3A_138, %broadcast_in_dim3A_140 : vector<16xi1>, vector<16xi32>
    %swap3A_142 = arith.constant 96 : index
    %swap3A_143 = tpu.vector_load %arg6[%swap3A_142] {strides = array<i32>} : memref<25600xi32, #tpu.memory_space<vmem>>, vector<16xi32>,
    %swap3A_144 = vector.shape_cast %swap3A_143 : vector<16xi32> to vector<16xi32>
    %swap3A_145 = vector.shape_cast %select_n3A_141 : vector<16xi32> to vector<16xi32>
    tpu.vector_store %arg6[%swap3A_142], %swap3A_145 {strides = array<i32>} : memref<25600xi32, #tpu.memory_space<vmem>>, vector<16xi32>,
    %add3A_146 = arith.constant 112 : i32
    %add3A_147 = arith.addi %mul3A_2, %add3A_146 : i32
    %add3A_148 = vector.broadcast %add3A_147 : i32 to vector<16xi32>
    %add3A_149 = arith.addi %add3A_148, %iota3A : vector<16xi32>
    %rem3A_150 = arith.constant 200 : i32
    %rem3A_151 = vector.broadcast %rem3A_150 : i32 to vector<16xi32>
    %rem3A_152 = arith.remsi %add3A_149, %rem3A_151 : vector<16xi32>
    %get3A_153 = arith.constant 112 : index
    %get3A_154 = tpu.vector_load %arg6[%get3A_153] {strides = array<i32>} : memref<25600xi32, #tpu.memory_space<vmem>>, vector<16xi32>,
    %get3A_155 = vector.shape_cast %get3A_154 : vector<16xi32> to vector<16xi32>
    %lt3A_156 = arith.cmpi slt, %rem3A_152, %get3A_4 : vector<16xi32>
    %add3A_157 = arith.constant 1 : i32
    %add3A_158 = vector.broadcast %add3A_157 : i32 to vector<16xi32>
    %add3A_159 = arith.addi %get3A_155, %add3A_158 : vector<16xi32>
    %jit3A_160 = arith.constant 0 : i32
    %broadcast_in_dim3A_161 = vector.broadcast %jit3A_160 : i32 to vector<16xi32>
    %select_n3A_162 = arith.select %lt3A_156, %add3A_159, %broadcast_in_dim3A_161 : vector<16xi1>, vector<16xi32>
    %swap3A_163 = arith.constant 112 : index
    %swap3A_164 = tpu.vector_load %arg6[%swap3A_163] {strides = array<i32>} : memref<25600xi32, #tpu.memory_space<vmem>>, vector<16xi32>,
    %swap3A_165 = vector.shape_cast %swap3A_164 : vector<16xi32> to vector<16xi32>
    %swap3A_166 = vector.shape_cast %select_n3A_162 : vector<16xi32> to vector<16xi32>
    tpu.vector_store %arg6[%swap3A_163], %swap3A_166 {strides = array<i32>} : memref<25600xi32, #tpu.memory_space<vmem>>, vector<16xi32>,
    %dma_start3A = arith.constant 0 : i32
    %dma_start3A_167 = tpu.memref_slice %arg6[%dma_start3A] : memref<25600xi32, #tpu.memory_space<vmem>> -> memref<128xi32, #tpu.memory_space<vmem>>
    %dma_start3A_168 = arith.constant 0 : i32
    %dma_start3A_169 = arith.constant 0 : i32
    %dma_start3A_170 = tpu.memref_slice %arg4[%dma_start3A_168, %dma_start3A_169] : memref<100001x128xf32, #tpu.memory_space<hbm>> -> memref<100001x128xf32, #tpu.memory_space<hbm>>
    tpu.enqueue_indirect_dma source(%dma_start3A_170 : memref<100001x128xf32, #tpu.memory_space<hbm>>) target(%arg8 : memref<128x128xf32, #tpu.memory_space<vmem>>) offsets(%dma_start3A_167 : memref<128xi32, #tpu.memory_space<vmem>>) semaphore(%arg13 : memref<!tpu.dma_semaphore, #tpu.memory_space<semaphore_mem>>)
    %add3A_171 = arith.constant 128 : i32
    %add3A_172 = arith.addi %mul3A_2, %add3A_171 : i32
    %add3A_173 = vector.broadcast %add3A_172 : i32 to vector<16xi32>
    %add3A_174 = arith.addi %add3A_173, %iota3A : vector<16xi32>
    %rem3A_175 = arith.constant 200 : i32
    %rem3A_176 = vector.broadcast %rem3A_175 : i32 to vector<16xi32>
    %rem3A_177 = arith.remsi %add3A_174, %rem3A_176 : vector<16xi32>
    %get3A_178 = arith.constant 128 : index
    %get3A_179 = tpu.vector_load %arg6[%get3A_178] {strides = array<i32>} : memref<25600xi32, #tpu.memory_space<vmem>>, vector<16xi32>,
    %get3A_180 = vector.shape_cast %get3A_179 : vector<16xi32> to vector<16xi32>
    %lt3A_181 = arith.cmpi slt, %rem3A_177, %get3A_4 : vector<16xi32>
    %add3A_182 = arith.constant 1 : i32
    %add3A_183 = vector.broadcast %add3A_182 : i32 to vector<16xi32>
    %add3A_184 = arith.addi %get3A_180, %add3A_183 : vector<16xi32>
    %jit3A_185 = arith.constant 0 : i32
    %broadcast_in_dim3A_186 = vector.broadcast %jit3A_185 : i32 to vector<16xi32>
    %select_n3A_187 = arith.select %lt3A_181, %add3A_184, %broadcast_in_dim3A_186 : vector<16xi1>, vector<16xi32>
    %swap3A_188 = arith.constant 128 : index
    %swap3A_189 = tpu.vector_load %arg6[%swap3A_188] {strides = array<i32>} : memref<25600xi32, #tpu.memory_space<vmem>>, vector<16xi32>,
    %swap3A_190 = vector.shape_cast %swap3A_189 : vector<16xi32> to vector<16xi32>
    %swap3A_191 = vector.shape_cast %select_n3A_187 : vector<16xi32> to vector<16xi32>
    tpu.vector_store %arg6[%swap3A_188], %swap3A_191 {strides = array<i32>} : memref<25600xi32, #tpu.memory_space<vmem>>, vector<16xi32>,
    %add3A_192 = arith.constant 144 : i32
    %add3A_193 = arith.addi %mul3A_2, %add3A_192 : i32
    %add3A_194 = vector.broadcast %add3A_193 : i32 to vector<16xi32>
    %add3A_195 = arith.addi %add3A_194, %iota3A : vector<16xi32>
    %rem3A_196 = arith.constant 200 : i32
    %rem3A_197 = vector.broadcast %rem3A_196 : i32 to vector<16xi32>
    %rem3A_198 = arith.remsi %add3A_195, %rem3A_197 : vector<16xi32>
    %get3A_199 = arith.constant 144 : index
    %get3A_200 = tpu.vector_load %arg6[%get3A_199] {strides = array<i32>} : memref<25600xi32, #tpu.memory_space<vmem>>, vector<16xi32>,
    %get3A_201 = vector.shape_cast %get3A_200 : vector<16xi32> to vector<16xi32>
    %lt3A_202 = arith.cmpi slt, %rem3A_198, %get3A_4 : vector<16xi32>
    %add3A_203 = arith.constant 1 : i32
    %add3A_204 = vector.broadcast %add3A_203 : i32 to vector<16xi32>
    %add3A_205 = arith.addi %get3A_201, %add3A_204 : vector<16xi32>
    %jit3A_206 = arith.constant 0 : i32
    %broadcast_in_dim3A_207 = vector.broadcast %jit3A_206 : i32 to vector<16xi32>
    %select_n3A_208 = arith.select %lt3A_202, %add3A_205, %broadcast_in_dim3A_207 : vector<16xi1>, vector<16xi32>
    %swap3A_209 = arith.constant 144 : index
    %swap3A_210 = tpu.vector_load %arg6[%swap3A_209] {strides = array<i32>} : memref<25600xi32, #tpu.memory_space<vmem>>, vector<16xi32>,
    %swap3A_211 = vector.shape_cast %swap3A_210 : vector<16xi32> to vector<16xi32>
    %swap3A_212 = vector.shape_cast %select_n3A_208 : vector<16xi32> to vector<16xi32>
    tpu.vector_store %arg6[%swap3A_209], %swap3A_212 {strides = array<i32>} : memref<25600xi32, #tpu.memory_space<vmem>>, vector<16xi32>,
    %add3A_213 = arith.constant 160 : i32
    %add3A_214 = arith.addi %mul3A_2, %add3A_213 : i32
    %add3A_215 = vector.broadcast %add3A_214 : i32 to vector<16xi32>
    %add3A_216 = arith.addi %add3A_215, %iota3A : vector<16xi32>
    %rem3A_217 = arith.constant 200 : i32
    %rem3A_218 = vector.broadcast %rem3A_217 : i32 to vector<16xi32>
    %rem3A_219 = arith.remsi %add3A_216, %rem3A_218 : vector<16xi32>
    %get3A_220 = arith.constant 160 : index
    %get3A_221 = tpu.vector_load %arg6[%get3A_220] {strides = array<i32>} : memref<25600xi32, #tpu.memory_space<vmem>>, vector<16xi32>,
    %get3A_222 = vector.shape_cast %get3A_221 : vector<16xi32> to vector<16xi32>
    %lt3A_223 = arith.cmpi slt, %rem3A_219, %get3A_4 : vector<16xi32>
    %add3A_224 = arith.constant 1 : i32
    %add3A_225 = vector.broadcast %add3A_224 : i32 to vector<16xi32>
    %add3A_226 = arith.addi %get3A_222, %add3A_225 : vector<16xi32>
    %jit3A_227 = arith.constant 0 : i32
    %broadcast_in_dim3A_228 = vector.broadcast %jit3A_227 : i32 to vector<16xi32>
    %select_n3A_229 = arith.select %lt3A_223, %add3A_226, %broadcast_in_dim3A_228 : vector<16xi1>, vector<16xi32>
    %swap3A_230 = arith.constant 160 : index
    %swap3A_231 = tpu.vector_load %arg6[%swap3A_230] {strides = array<i32>} : memref<25600xi32, #tpu.memory_space<vmem>>, vector<16xi32>,
    %swap3A_232 = vector.shape_cast %swap3A_231 : vector<16xi32> to vector<16xi32>
    %swap3A_233 = vector.shape_cast %select_n3A_229 : vector<16xi32> to vector<16xi32>
    tpu.vector_store %arg6[%swap3A_230], %swap3A_233 {strides = array<i32>} : memref<25600xi32, #tpu.memory_space<vmem>>, vector<16xi32>,
    %add3A_234 = arith.constant 176 : i32
    %add3A_235 = arith.addi %mul3A_2, %add3A_234 : i32
    %add3A_236 = vector.broadcast %add3A_235 : i32 to vector<16xi32>
    %add3A_237 = arith.addi %add3A_236, %iota3A : vector<16xi32>
    %rem3A_238 = arith.constant 200 : i32
    %rem3A_239 = vector.broadcast %rem3A_238 : i32 to vector<16xi32>
    %rem3A_240 = arith.remsi %add3A_237, %rem3A_239 : vector<16xi32>
    %get3A_241 = arith.constant 176 : index
    %get3A_242 = tpu.vector_load %arg6[%get3A_241] {strides = array<i32>} : memref<25600xi32, #tpu.memory_space<vmem>>, vector<16xi32>,
    %get3A_243 = vector.shape_cast %get3A_242 : vector<16xi32> to vector<16xi32>
    %lt3A_244 = arith.cmpi slt, %rem3A_240, %get3A_4 : vector<16xi32>
    %add3A_245 = arith.constant 1 : i32
    %add3A_246 = vector.broadcast %add3A_245 : i32 to vector<16xi32>
    %add3A_247 = arith.addi %get3A_243, %add3A_246 : vector<16xi32>
    %jit3A_248 = arith.constant 0 : i32
    %broadcast_in_dim3A_249 = vector.broadcast %jit3A_248 : i32 to vector<16xi32>
    %select_n3A_250 = arith.select %lt3A_244, %add3A_247, %broadcast_in_dim3A_249 : vector<16xi1>, vector<16xi32>
    %swap3A_251 = arith.constant 176 : index
    %swap3A_252 = tpu.vector_load %arg6[%swap3A_251] {strides = array<i32>} : memref<25600xi32, #tpu.memory_space<vmem>>, vector<16xi32>,
    %swap3A_253 = vector.shape_cast %swap3A_252 : vector<16xi32> to vector<16xi32>
    %swap3A_254 = vector.shape_cast %select_n3A_250 : vector<16xi32> to vector<16xi32>
    tpu.vector_store %arg6[%swap3A_251], %swap3A_254 {strides = array<i32>} : memref<25600xi32, #tpu.memory_space<vmem>>, vector<16xi32>,
    %add3A_255 = arith.constant 192 : i32
    %add3A_256 = arith.addi %mul3A_2, %add3A_255 : i32
    %add3A_257 = vector.broadcast %add3A_256 : i32 to vector<16xi32>
    %add3A_258 = arith.addi %add3A_257, %iota3A : vector<16xi32>
    %rem3A_259 = arith.constant 200 : i32
    %rem3A_260 = vector.broadcast %rem3A_259 : i32 to vector<16xi32>
    %rem3A_261 = arith.remsi %add3A_258, %rem3A_260 : vector<16xi32>
    %get3A_262 = arith.constant 192 : index
    %get3A_263 = tpu.vector_load %arg6[%get3A_262] {strides = array<i32>} : memref<25600xi32, #tpu.memory_space<vmem>>, vector<16xi32>,
    %get3A_264 = vector.shape_cast %get3A_263 : vector<16xi32> to vector<16xi32>
    %lt3A_265 = arith.cmpi slt, %rem3A_261, %get3A_4 : vector<16xi32>
    %add3A_266 = arith.constant 1 : i32
    %add3A_267 = vector.broadcast %add3A_266 : i32 to vector<16xi32>
    %add3A_268 = arith.addi %get3A_264, %add3A_267 : vector<16xi32>
    %jit3A_269 = arith.constant 0 : i32
    %broadcast_in_dim3A_270 = vector.broadcast %jit3A_269 : i32 to vector<16xi32>
    %select_n3A_271 = arith.select %lt3A_265, %add3A_268, %broadcast_in_dim3A_270 : vector<16xi1>, vector<16xi32>
    %swap3A_272 = arith.constant 192 : index
    %swap3A_273 = tpu.vector_load %arg6[%swap3A_272] {strides = array<i32>} : memref<25600xi32, #tpu.memory_space<vmem>>, vector<16xi32>,
    %swap3A_274 = vector.shape_cast %swap3A_273 : vector<16xi32> to vector<16xi32>
    %swap3A_275 = vector.shape_cast %select_n3A_271 : vector<16xi32> to vector<16xi32>
    tpu.vector_store %arg6[%swap3A_272], %swap3A_275 {strides = array<i32>} : memref<25600xi32, #tpu.memory_space<vmem>>, vector<16xi32>,
    %add3A_276 = arith.constant 208 : i32
    %add3A_277 = arith.addi %mul3A_2, %add3A_276 : i32
    %add3A_278 = vector.broadcast %add3A_277 : i32 to vector<16xi32>
    %add3A_279 = arith.addi %add3A_278, %iota3A : vector<16xi32>
    %rem3A_280 = arith.constant 200 : i32
    %rem3A_281 = vector.broadcast %rem3A_280 : i32 to vector<16xi32>
    %rem3A_282 = arith.remsi %add3A_279, %rem3A_281 : vector<16xi32>
    %get3A_283 = arith.constant 208 : index
    %get3A_284 = tpu.vector_load %arg6[%get3A_283] {strides = array<i32>} : memref<25600xi32, #tpu.memory_space<vmem>>, vector<16xi32>,
    %get3A_285 = vector.shape_cast %get3A_284 : vector<16xi32> to vector<16xi32>
    %lt3A_286 = arith.cmpi slt, %rem3A_282, %get3A_4 : vector<16xi32>
    %add3A_287 = arith.constant 1 : i32
    %add3A_288 = vector.broadcast %add3A_287 : i32 to vector<16xi32>
    %add3A_289 = arith.addi %get3A_285, %add3A_288 : vector<16xi32>
    %jit3A_290 = arith.constant 0 : i32
    %broadcast_in_dim3A_291 = vector.broadcast %jit3A_290 : i32 to vector<16xi32>
    %select_n3A_292 = arith.select %lt3A_286, %add3A_289, %broadcast_in_dim3A_291 : vector<16xi1>, vector<16xi32>
    %swap3A_293 = arith.constant 208 : index
    %swap3A_294 = tpu.vector_load %arg6[%swap3A_293] {strides = array<i32>} : memref<25600xi32, #tpu.memory_space<vmem>>, vector<16xi32>,
    %swap3A_295 = vector.shape_cast %swap3A_294 : vector<16xi32> to vector<16xi32>
    %swap3A_296 = vector.shape_cast %select_n3A_292 : vector<16xi32> to vector<16xi32>
    tpu.vector_store %arg6[%swap3A_293], %swap3A_296 {strides = array<i32>} : memref<25600xi32, #tpu.memory_space<vmem>>, vector<16xi32>,
    %add3A_297 = arith.constant 224 : i32
    %add3A_298 = arith.addi %mul3A_2, %add3A_297 : i32
    %add3A_299 = vector.broadcast %add3A_298 : i32 to vector<16xi32>
    %add3A_300 = arith.addi %add3A_299, %iota3A : vector<16xi32>
    %rem3A_301 = arith.constant 200 : i32
    %rem3A_302 = vector.broadcast %rem3A_301 : i32 to vector<16xi32>
    %rem3A_303 = arith.remsi %add3A_300, %rem3A_302 : vector<16xi32>
    %get3A_304 = arith.constant 224 : index
    %get3A_305 = tpu.vector_load %arg6[%get3A_304] {strides = array<i32>} : memref<25600xi32, #tpu.memory_space<vmem>>, vector<16xi32>,
    %get3A_306 = vector.shape_cast %get3A_305 : vector<16xi32> to vector<16xi32>
    %lt3A_307 = arith.cmpi slt, %rem3A_303, %get3A_4 : vector<16xi32>
    %add3A_308 = arith.constant 1 : i32
    %add3A_309 = vector.broadcast %add3A_308 : i32 to vector<16xi32>
    %add3A_310 = arith.addi %get3A_306, %add3A_309 : vector<16xi32>
    %jit3A_311 = arith.constant 0 : i32
    %broadcast_in_dim3A_312 = vector.broadcast %jit3A_311 : i32 to vector<16xi32>
    %select_n3A_313 = arith.select %lt3A_307, %add3A_310, %broadcast_in_dim3A_312 : vector<16xi1>, vector<16xi32>
    %swap3A_314 = arith.constant 224 : index
    %swap3A_315 = tpu.vector_load %arg6[%swap3A_314] {strides = array<i32>} : memref<25600xi32, #tpu.memory_space<vmem>>, vector<16xi32>,
    %swap3A_316 = vector.shape_cast %swap3A_315 : vector<16xi32> to vector<16xi32>
    %swap3A_317 = vector.shape_cast %select_n3A_313 : vector<16xi32> to vector<16xi32>
    tpu.vector_store %arg6[%swap3A_314], %swap3A_317 {strides = array<i32>} : memref<25600xi32, #tpu.memory_space<vmem>>, vector<16xi32>,
    %add3A_318 = arith.constant 240 : i32
    %add3A_319 = arith.addi %mul3A_2, %add3A_318 : i32
    %add3A_320 = vector.broadcast %add3A_319 : i32 to vector<16xi32>
    %add3A_321 = arith.addi %add3A_320, %iota3A : vector<16xi32>
    %rem3A_322 = arith.constant 200 : i32
    %rem3A_323 = vector.broadcast %rem3A_322 : i32 to vector<16xi32>
    %rem3A_324 = arith.remsi %add3A_321, %rem3A_323 : vector<16xi32>
    %get3A_325 = arith.constant 240 : index
    %get3A_326 = tpu.vector_load %arg6[%get3A_325] {strides = array<i32>} : memref<25600xi32, #tpu.memory_space<vmem>>, vector<16xi32>,
    %get3A_327 = vector.shape_cast %get3A_326 : vector<16xi32> to vector<16xi32>
    %lt3A_328 = arith.cmpi slt, %rem3A_324, %get3A_4 : vector<16xi32>
    %add3A_329 = arith.constant 1 : i32
    %add3A_330 = vector.broadcast %add3A_329 : i32 to vector<16xi32>
    %add3A_331 = arith.addi %get3A_327, %add3A_330 : vector<16xi32>
    %jit3A_332 = arith.constant 0 : i32
    %broadcast_in_dim3A_333 = vector.broadcast %jit3A_332 : i32 to vector<16xi32>
    %select_n3A_334 = arith.select %lt3A_328, %add3A_331, %broadcast_in_dim3A_333 : vector<16xi1>, vector<16xi32>
    %swap3A_335 = arith.constant 240 : index
    %swap3A_336 = tpu.vector_load %arg6[%swap3A_335] {strides = array<i32>} : memref<25600xi32, #tpu.memory_space<vmem>>, vector<16xi32>,
    %swap3A_337 = vector.shape_cast %swap3A_336 : vector<16xi32> to vector<16xi32>
    %swap3A_338 = vector.shape_cast %select_n3A_334 : vector<16xi32> to vector<16xi32>
    tpu.vector_store %arg6[%swap3A_335], %swap3A_338 {strides = array<i32>} : memref<25600xi32, #tpu.memory_space<vmem>>, vector<16xi32>,
    %dma_start3A_339 = arith.constant 128 : i32
    %dma_start3A_340 = tpu.memref_slice %arg6[%dma_start3A_339] : memref<25600xi32, #tpu.memory_space<vmem>> -> memref<128xi32, #tpu.memory_space<vmem>>
    %dma_start3A_341 = arith.constant 0 : i32
    %dma_start3A_342 = arith.constant 0 : i32
    %dma_start3A_343 = tpu.memref_slice %arg4[%dma_start3A_341, %dma_start3A_342] : memref<100001x128xf32, #tpu.memory_space<hbm>> -> memref<100001x128xf32, #tpu.memory_space<hbm>>
    tpu.enqueue_indirect_dma source(%dma_start3A_343 : memref<100001x128xf32, #tpu.memory_space<hbm>>) target(%arg9 : memref<128x128xf32, #tpu.memory_space<vmem>>) offsets(%dma_start3A_340 : memref<128xi32, #tpu.memory_space<vmem>>) semaphore(%arg14 : memref<!tpu.dma_semaphore, #tpu.memory_space<semaphore_mem>>)
    %add3A_344 = arith.constant 256 : i32
    %add3A_345 = arith.addi %mul3A_2, %add3A_344 : i32
    %add3A_346 = vector.broadcast %add3A_345 : i32 to vector<16xi32>
    %add3A_347 = arith.addi %add3A_346, %iota3A : vector<16xi32>
    %rem3A_348 = arith.constant 200 : i32
    %rem3A_349 = vector.broadcast %rem3A_348 : i32 to vector<16xi32>
    %rem3A_350 = arith.remsi %add3A_347, %rem3A_349 : vector<16xi32>
    %get3A_351 = arith.constant 256 : index
    %get3A_352 = tpu.vector_load %arg6[%get3A_351] {strides = array<i32>} : memref<25600xi32, #tpu.memory_space<vmem>>, vector<16xi32>,
    %get3A_353 = vector.shape_cast %get3A_352 : vector<16xi32> to vector<16xi32>
    %lt3A_354 = arith.cmpi slt, %rem3A_350, %get3A_4 : vector<16xi32>
    %add3A_355 = arith.constant 1 : i32
    %add3A_356 = vector.broadcast %add3A_355 : i32 to vector<16xi32>
    %add3A_357 = arith.addi %get3A_353, %add3A_356 : vector<16xi32>
    %jit3A_358 = arith.constant 0 : i32
    %broadcast_in_dim3A_359 = vector.broadcast %jit3A_358 : i32 to vector<16xi32>
    %select_n3A_360 = arith.select %lt3A_354, %add3A_357, %broadcast_in_dim3A_359 : vector<16xi1>, vector<16xi32>
    %swap3A_361 = arith.constant 256 : index
    %swap3A_362 = tpu.vector_load %arg6[%swap3A_361] {strides = array<i32>} : memref<25600xi32, #tpu.memory_space<vmem>>, vector<16xi32>,
    %swap3A_363 = vector.shape_cast %swap3A_362 : vector<16xi32> to vector<16xi32>
    %swap3A_364 = vector.shape_cast %select_n3A_360 : vector<16xi32> to vector<16xi32>
    tpu.vector_store %arg6[%swap3A_361], %swap3A_364 {strides = array<i32>} : memref<25600xi32, #tpu.memory_space<vmem>>, vector<16xi32>,
    %add3A_365 = arith.constant 272 : i32
    %add3A_366 = arith.addi %mul3A_2, %add3A_365 : i32
    %add3A_367 = vector.broadcast %add3A_366 : i32 to vector<16xi32>
    %add3A_368 = arith.addi %add3A_367, %iota3A : vector<16xi32>
    %rem3A_369 = arith.constant 200 : i32
    %rem3A_370 = vector.broadcast %rem3A_369 : i32 to vector<16xi32>
    %rem3A_371 = arith.remsi %add3A_368, %rem3A_370 : vector<16xi32>
    %get3A_372 = arith.constant 272 : index
    %get3A_373 = tpu.vector_load %arg6[%get3A_372] {strides = array<i32>} : memref<25600xi32, #tpu.memory_space<vmem>>, vector<16xi32>,
    %get3A_374 = vector.shape_cast %get3A_373 : vector<16xi32> to vector<16xi32>
    %lt3A_375 = arith.cmpi slt, %rem3A_371, %get3A_4 : vector<16xi32>
    %add3A_376 = arith.constant 1 : i32
    %add3A_377 = vector.broadcast %add3A_376 : i32 to vector<16xi32>
    %add3A_378 = arith.addi %get3A_374, %add3A_377 : vector<16xi32>
    %jit3A_379 = arith.constant 0 : i32
    %broadcast_in_dim3A_380 = vector.broadcast %jit3A_379 : i32 to vector<16xi32>
    %select_n3A_381 = arith.select %lt3A_375, %add3A_378, %broadcast_in_dim3A_380 : vector<16xi1>, vector<16xi32>
    %swap3A_382 = arith.constant 272 : index
    %swap3A_383 = tpu.vector_load %arg6[%swap3A_382] {strides = array<i32>} : memref<25600xi32, #tpu.memory_space<vmem>>, vector<16xi32>,
    %swap3A_384 = vector.shape_cast %swap3A_383 : vector<16xi32> to vector<16xi32>
    %swap3A_385 = vector.shape_cast %select_n3A_381 : vector<16xi32> to vector<16xi32>
    tpu.vector_store %arg6[%swap3A_382], %swap3A_385 {strides = array<i32>} : memref<25600xi32, #tpu.memory_space<vmem>>, vector<16xi32>,
    %add3A_386 = arith.constant 288 : i32
    %add3A_387 = arith.addi %mul3A_2, %add3A_386 : i32
    %add3A_388 = vector.broadcast %add3A_387 : i32 to vector<16xi32>
    %add3A_389 = arith.addi %add3A_388, %iota3A : vector<16xi32>
    %rem3A_390 = arith.constant 200 : i32
    %rem3A_391 = vector.broadcast %rem3A_390 : i32 to vector<16xi32>
    %rem3A_392 = arith.remsi %add3A_389, %rem3A_391 : vector<16xi32>
    %get3A_393 = arith.constant 288 : index
    %get3A_394 = tpu.vector_load %arg6[%get3A_393] {strides = array<i32>} : memref<25600xi32, #tpu.memory_space<vmem>>, vector<16xi32>,
    %get3A_395 = vector.shape_cast %get3A_394 : vector<16xi32> to vector<16xi32>
    %lt3A_396 = arith.cmpi slt, %rem3A_392, %get3A_4 : vector<16xi32>
    %add3A_397 = arith.constant 1 : i32
    %add3A_398 = vector.broadcast %add3A_397 : i32 to vector<16xi32>
    %add3A_399 = arith.addi %get3A_395, %add3A_398 : vector<16xi32>
    %jit3A_400 = arith.constant 0 : i32
    %broadcast_in_dim3A_401 = vector.broadcast %jit3A_400 : i32 to vector<16xi32>
    %select_n3A_402 = arith.select %lt3A_396, %add3A_399, %broadcast_in_dim3A_401 : vector<16xi1>, vector<16xi32>
    %swap3A_403 = arith.constant 288 : index
    %swap3A_404 = tpu.vector_load %arg6[%swap3A_403] {strides = array<i32>} : memref<25600xi32, #tpu.memory_space<vmem>>, vector<16xi32>,
    %swap3A_405 = vector.shape_cast %swap3A_404 : vector<16xi32> to vector<16xi32>
    %swap3A_406 = vector.shape_cast %select_n3A_402 : vector<16xi32> to vector<16xi32>
    tpu.vector_store %arg6[%swap3A_403], %swap3A_406 {strides = array<i32>} : memref<25600xi32, #tpu.memory_space<vmem>>, vector<16xi32>,
    %add3A_407 = arith.constant 304 : i32
    %add3A_408 = arith.addi %mul3A_2, %add3A_407 : i32
    %add3A_409 = vector.broadcast %add3A_408 : i32 to vector<16xi32>
    %add3A_410 = arith.addi %add3A_409, %iota3A : vector<16xi32>
    %rem3A_411 = arith.constant 200 : i32
    %rem3A_412 = vector.broadcast %rem3A_411 : i32 to vector<16xi32>
    %rem3A_413 = arith.remsi %add3A_410, %rem3A_412 : vector<16xi32>
    %get3A_414 = arith.constant 304 : index
    %get3A_415 = tpu.vector_load %arg6[%get3A_414] {strides = array<i32>} : memref<25600xi32, #tpu.memory_space<vmem>>, vector<16xi32>,
    %get3A_416 = vector.shape_cast %get3A_415 : vector<16xi32> to vector<16xi32>
    %lt3A_417 = arith.cmpi slt, %rem3A_413, %get3A_4 : vector<16xi32>
    %add3A_418 = arith.constant 1 : i32
    %add3A_419 = vector.broadcast %add3A_418 : i32 to vector<16xi32>
    %add3A_420 = arith.addi %get3A_416, %add3A_419 : vector<16xi32>
    %jit3A_421 = arith.constant 0 : i32
    %broadcast_in_dim3A_422 = vector.broadcast %jit3A_421 : i32 to vector<16xi32>
    %select_n3A_423 = arith.select %lt3A_417, %add3A_420, %broadcast_in_dim3A_422 : vector<16xi1>, vector<16xi32>
    %swap3A_424 = arith.constant 304 : index
    %swap3A_425 = tpu.vector_load %arg6[%swap3A_424] {strides = array<i32>} : memref<25600xi32, #tpu.memory_space<vmem>>, vector<16xi32>,
    %swap3A_426 = vector.shape_cast %swap3A_425 : vector<16xi32> to vector<16xi32>
    %swap3A_427 = vector.shape_cast %select_n3A_423 : vector<16xi32> to vector<16xi32>
    tpu.vector_store %arg6[%swap3A_424], %swap3A_427 {strides = array<i32>} : memref<25600xi32, #tpu.memory_space<vmem>>, vector<16xi32>,
    %add3A_428 = arith.constant 320 : i32
    %add3A_429 = arith.addi %mul3A_2, %add3A_428 : i32
    %add3A_430 = vector.broadcast %add3A_429 : i32 to vector<16xi32>
    %add3A_431 = arith.addi %add3A_430, %iota3A : vector<16xi32>
    %rem3A_432 = arith.constant 200 : i32
    %rem3A_433 = vector.broadcast %rem3A_432 : i32 to vector<16xi32>
    %rem3A_434 = arith.remsi %add3A_431, %rem3A_433 : vector<16xi32>
    %get3A_435 = arith.constant 320 : index
    %get3A_436 = tpu.vector_load %arg6[%get3A_435] {strides = array<i32>} : memref<25600xi32, #tpu.memory_space<vmem>>, vector<16xi32>,
    %get3A_437 = vector.shape_cast %get3A_436 : vector<16xi32> to vector<16xi32>
    %lt3A_438 = arith.cmpi slt, %rem3A_434, %get3A_4 : vector<16xi32>
    %add3A_439 = arith.constant 1 : i32
    %add3A_440 = vector.broadcast %add3A_439 : i32 to vector<16xi32>
    %add3A_441 = arith.addi %get3A_437, %add3A_440 : vector<16xi32>
    %jit3A_442 = arith.constant 0 : i32
    %broadcast_in_dim3A_443 = vector.broadcast %jit3A_442 : i32 to vector<16xi32>
    %select_n3A_444 = arith.select %lt3A_438, %add3A_441, %broadcast_in_dim3A_443 : vector<16xi1>, vector<16xi32>
    %swap3A_445 = arith.constant 320 : index
    %swap3A_446 = tpu.vector_load %arg6[%swap3A_445] {strides = array<i32>} : memref<25600xi32, #tpu.memory_space<vmem>>, vector<16xi32>,
    %swap3A_447 = vector.shape_cast %swap3A_446 : vector<16xi32> to vector<16xi32>
    %swap3A_448 = vector.shape_cast %select_n3A_444 : vector<16xi32> to vector<16xi32>
    tpu.vector_store %arg6[%swap3A_445], %swap3A_448 {strides = array<i32>} : memref<25600xi32, #tpu.memory_space<vmem>>, vector<16xi32>,
    %add3A_449 = arith.constant 336 : i32
    %add3A_450 = arith.addi %mul3A_2, %add3A_449 : i32
    %add3A_451 = vector.broadcast %add3A_450 : i32 to vector<16xi32>
    %add3A_452 = arith.addi %add3A_451, %iota3A : vector<16xi32>
    %rem3A_453 = arith.constant 200 : i32
    %rem3A_454 = vector.broadcast %rem3A_453 : i32 to vector<16xi32>
    %rem3A_455 = arith.remsi %add3A_452, %rem3A_454 : vector<16xi32>
    %get3A_456 = arith.constant 336 : index
    %get3A_457 = tpu.vector_load %arg6[%get3A_456] {strides = array<i32>} : memref<25600xi32, #tpu.memory_space<vmem>>, vector<16xi32>,
    %get3A_458 = vector.shape_cast %get3A_457 : vector<16xi32> to vector<16xi32>
    %lt3A_459 = arith.cmpi slt, %rem3A_455, %get3A_4 : vector<16xi32>
    %add3A_460 = arith.constant 1 : i32
    %add3A_461 = vector.broadcast %add3A_460 : i32 to vector<16xi32>
    %add3A_462 = arith.addi %get3A_458, %add3A_461 : vector<16xi32>
    %jit3A_463 = arith.constant 0 : i32
    %broadcast_in_dim3A_464 = vector.broadcast %jit3A_463 : i32 to vector<16xi32>
    %select_n3A_465 = arith.select %lt3A_459, %add3A_462, %broadcast_in_dim3A_464 : vector<16xi1>, vector<16xi32>
    %swap3A_466 = arith.constant 336 : index
    %swap3A_467 = tpu.vector_load %arg6[%swap3A_466] {strides = array<i32>} : memref<25600xi32, #tpu.memory_space<vmem>>, vector<16xi32>,
    %swap3A_468 = vector.shape_cast %swap3A_467 : vector<16xi32> to vector<16xi32>
    %swap3A_469 = vector.shape_cast %select_n3A_465 : vector<16xi32> to vector<16xi32>
    tpu.vector_store %arg6[%swap3A_466], %swap3A_469 {strides = array<i32>} : memref<25600xi32, #tpu.memory_space<vmem>>, vector<16xi32>,
    %add3A_470 = arith.constant 352 : i32
    %add3A_471 = arith.addi %mul3A_2, %add3A_470 : i32
    %add3A_472 = vector.broadcast %add3A_471 : i32 to vector<16xi32>
    %add3A_473 = arith.addi %add3A_472, %iota3A : vector<16xi32>
    %rem3A_474 = arith.constant 200 : i32
    %rem3A_475 = vector.broadcast %rem3A_474 : i32 to vector<16xi32>
    %rem3A_476 = arith.remsi %add3A_473, %rem3A_475 : vector<16xi32>
    %get3A_477 = arith.constant 352 : index
    %get3A_478 = tpu.vector_load %arg6[%get3A_477] {strides = array<i32>} : memref<25600xi32, #tpu.memory_space<vmem>>, vector<16xi32>,
    %get3A_479 = vector.shape_cast %get3A_478 : vector<16xi32> to vector<16xi32>
    %lt3A_480 = arith.cmpi slt, %rem3A_476, %get3A_4 : vector<16xi32>
    %add3A_481 = arith.constant 1 : i32
    %add3A_482 = vector.broadcast %add3A_481 : i32 to vector<16xi32>
    %add3A_483 = arith.addi %get3A_479, %add3A_482 : vector<16xi32>
    %jit3A_484 = arith.constant 0 : i32
    %broadcast_in_dim3A_485 = vector.broadcast %jit3A_484 : i32 to vector<16xi32>
    %select_n3A_486 = arith.select %lt3A_480, %add3A_483, %broadcast_in_dim3A_485 : vector<16xi1>, vector<16xi32>
    %swap3A_487 = arith.constant 352 : index
    %swap3A_488 = tpu.vector_load %arg6[%swap3A_487] {strides = array<i32>} : memref<25600xi32, #tpu.memory_space<vmem>>, vector<16xi32>,
    %swap3A_489 = vector.shape_cast %swap3A_488 : vector<16xi32> to vector<16xi32>
    %swap3A_490 = vector.shape_cast %select_n3A_486 : vector<16xi32> to vector<16xi32>
    tpu.vector_store %arg6[%swap3A_487], %swap3A_490 {strides = array<i32>} : memref<25600xi32, #tpu.memory_space<vmem>>, vector<16xi32>,
    %add3A_491 = arith.constant 368 : i32
    %add3A_492 = arith.addi %mul3A_2, %add3A_491 : i32
    %add3A_493 = vector.broadcast %add3A_492 : i32 to vector<16xi32>
    %add3A_494 = arith.addi %add3A_493, %iota3A : vector<16xi32>
    %rem3A_495 = arith.constant 200 : i32
    %rem3A_496 = vector.broadcast %rem3A_495 : i32 to vector<16xi32>
    %rem3A_497 = arith.remsi %add3A_494, %rem3A_496 : vector<16xi32>
    %get3A_498 = arith.constant 368 : index
    %get3A_499 = tpu.vector_load %arg6[%get3A_498] {strides = array<i32>} : memref<25600xi32, #tpu.memory_space<vmem>>, vector<16xi32>,
    %get3A_500 = vector.shape_cast %get3A_499 : vector<16xi32> to vector<16xi32>
    %lt3A_501 = arith.cmpi slt, %rem3A_497, %get3A_4 : vector<16xi32>
    %add3A_502 = arith.constant 1 : i32
    %add3A_503 = vector.broadcast %add3A_502 : i32 to vector<16xi32>
    %add3A_504 = arith.addi %get3A_500, %add3A_503 : vector<16xi32>
    %jit3A_505 = arith.constant 0 : i32
    %broadcast_in_dim3A_506 = vector.broadcast %jit3A_505 : i32 to vector<16xi32>
    %select_n3A_507 = arith.select %lt3A_501, %add3A_504, %broadcast_in_dim3A_506 : vector<16xi1>, vector<16xi32>
    %swap3A_508 = arith.constant 368 : index
    %swap3A_509 = tpu.vector_load %arg6[%swap3A_508] {strides = array<i32>} : memref<25600xi32, #tpu.memory_space<vmem>>, vector<16xi32>,
    %swap3A_510 = vector.shape_cast %swap3A_509 : vector<16xi32> to vector<16xi32>
    %swap3A_511 = vector.shape_cast %select_n3A_507 : vector<16xi32> to vector<16xi32>
    tpu.vector_store %arg6[%swap3A_508], %swap3A_511 {strides = array<i32>} : memref<25600xi32, #tpu.memory_space<vmem>>, vector<16xi32>,
    %dma_start3A_512 = arith.constant 256 : i32
    %dma_start3A_513 = tpu.memref_slice %arg6[%dma_start3A_512] : memref<25600xi32, #tpu.memory_space<vmem>> -> memref<128xi32, #tpu.memory_space<vmem>>
    %dma_start3A_514 = arith.constant 0 : i32
    %dma_start3A_515 = arith.constant 0 : i32
    %dma_start3A_516 = tpu.memref_slice %arg4[%dma_start3A_514, %dma_start3A_515] : memref<100001x128xf32, #tpu.memory_space<hbm>> -> memref<100001x128xf32, #tpu.memory_space<hbm>>
    tpu.enqueue_indirect_dma source(%dma_start3A_516 : memref<100001x128xf32, #tpu.memory_space<hbm>>) target(%arg10 : memref<128x128xf32, #tpu.memory_space<vmem>>) offsets(%dma_start3A_513 : memref<128xi32, #tpu.memory_space<vmem>>) semaphore(%arg15 : memref<!tpu.dma_semaphore, #tpu.memory_space<semaphore_mem>>)
    %add3A_517 = arith.constant 384 : i32
    %add3A_518 = arith.addi %mul3A_2, %add3A_517 : i32
    %add3A_519 = vector.broadcast %add3A_518 : i32 to vector<16xi32>
    %add3A_520 = arith.addi %add3A_519, %iota3A : vector<16xi32>
    %rem3A_521 = arith.constant 200 : i32
    %rem3A_522 = vector.broadcast %rem3A_521 : i32 to vector<16xi32>
    %rem3A_523 = arith.remsi %add3A_520, %rem3A_522 : vector<16xi32>
    %get3A_524 = arith.constant 384 : index
    %get3A_525 = tpu.vector_load %arg6[%get3A_524] {strides = array<i32>} : memref<25600xi32, #tpu.memory_space<vmem>>, vector<16xi32>,
    %get3A_526 = vector.shape_cast %get3A_525 : vector<16xi32> to vector<16xi32>
    %lt3A_527 = arith.cmpi slt, %rem3A_523, %get3A_4 : vector<16xi32>
    %add3A_528 = arith.constant 1 : i32
    %add3A_529 = vector.broadcast %add3A_528 : i32 to vector<16xi32>
    %add3A_530 = arith.addi %get3A_526, %add3A_529 : vector<16xi32>
    %jit3A_531 = arith.constant 0 : i32
    %broadcast_in_dim3A_532 = vector.broadcast %jit3A_531 : i32 to vector<16xi32>
    %select_n3A_533 = arith.select %lt3A_527, %add3A_530, %broadcast_in_dim3A_532 : vector<16xi1>, vector<16xi32>
    %swap3A_534 = arith.constant 384 : index
    %swap3A_535 = tpu.vector_load %arg6[%swap3A_534] {strides = array<i32>} : memref<25600xi32, #tpu.memory_space<vmem>>, vector<16xi32>,
    %swap3A_536 = vector.shape_cast %swap3A_535 : vector<16xi32> to vector<16xi32>
    %swap3A_537 = vector.shape_cast %select_n3A_533 : vector<16xi32> to vector<16xi32>
    tpu.vector_store %arg6[%swap3A_534], %swap3A_537 {strides = array<i32>} : memref<25600xi32, #tpu.memory_space<vmem>>, vector<16xi32>,
    %add3A_538 = arith.constant 400 : i32
    %add3A_539 = arith.addi %mul3A_2, %add3A_538 : i32
    %add3A_540 = vector.broadcast %add3A_539 : i32 to vector<16xi32>
    %add3A_541 = arith.addi %add3A_540, %iota3A : vector<16xi32>
    %rem3A_542 = arith.constant 200 : i32
    %rem3A_543 = vector.broadcast %rem3A_542 : i32 to vector<16xi32>
    %rem3A_544 = arith.remsi %add3A_541, %rem3A_543 : vector<16xi32>
    %get3A_545 = arith.constant 400 : index
    %get3A_546 = tpu.vector_load %arg6[%get3A_545] {strides = array<i32>} : memref<25600xi32, #tpu.memory_space<vmem>>, vector<16xi32>,
    %get3A_547 = vector.shape_cast %get3A_546 : vector<16xi32> to vector<16xi32>
    %lt3A_548 = arith.cmpi slt, %rem3A_544, %get3A_4 : vector<16xi32>
    %add3A_549 = arith.constant 1 : i32
    %add3A_550 = vector.broadcast %add3A_549 : i32 to vector<16xi32>
    %add3A_551 = arith.addi %get3A_547, %add3A_550 : vector<16xi32>
    %jit3A_552 = arith.constant 0 : i32
    %broadcast_in_dim3A_553 = vector.broadcast %jit3A_552 : i32 to vector<16xi32>
    %select_n3A_554 = arith.select %lt3A_548, %add3A_551, %broadcast_in_dim3A_553 : vector<16xi1>, vector<16xi32>
    %swap3A_555 = arith.constant 400 : index
    %swap3A_556 = tpu.vector_load %arg6[%swap3A_555] {strides = array<i32>} : memref<25600xi32, #tpu.memory_space<vmem>>, vector<16xi32>,
    %swap3A_557 = vector.shape_cast %swap3A_556 : vector<16xi32> to vector<16xi32>
    %swap3A_558 = vector.shape_cast %select_n3A_554 : vector<16xi32> to vector<16xi32>
    tpu.vector_store %arg6[%swap3A_555], %swap3A_558 {strides = array<i32>} : memref<25600xi32, #tpu.memory_space<vmem>>, vector<16xi32>,
    %add3A_559 = arith.constant 416 : i32
    %add3A_560 = arith.addi %mul3A_2, %add3A_559 : i32
    %add3A_561 = vector.broadcast %add3A_560 : i32 to vector<16xi32>
    %add3A_562 = arith.addi %add3A_561, %iota3A : vector<16xi32>
    %rem3A_563 = arith.constant 200 : i32
    %rem3A_564 = vector.broadcast %rem3A_563 : i32 to vector<16xi32>
    %rem3A_565 = arith.remsi %add3A_562, %rem3A_564 : vector<16xi32>
    %get3A_566 = arith.constant 416 : index
    %get3A_567 = tpu.vector_load %arg6[%get3A_566] {strides = array<i32>} : memref<25600xi32, #tpu.memory_space<vmem>>, vector<16xi32>,
    %get3A_568 = vector.shape_cast %get3A_567 : vector<16xi32> to vector<16xi32>
    %lt3A_569 = arith.cmpi slt, %rem3A_565, %get3A_4 : vector<16xi32>
    %add3A_570 = arith.constant 1 : i32
    %add3A_571 = vector.broadcast %add3A_570 : i32 to vector<16xi32>
    %add3A_572 = arith.addi %get3A_568, %add3A_571 : vector<16xi32>
    %jit3A_573 = arith.constant 0 : i32
    %broadcast_in_dim3A_574 = vector.broadcast %jit3A_573 : i32 to vector<16xi32>
    %select_n3A_575 = arith.select %lt3A_569, %add3A_572, %broadcast_in_dim3A_574 : vector<16xi1>, vector<16xi32>
    %swap3A_576 = arith.constant 416 : index
    %swap3A_577 = tpu.vector_load %arg6[%swap3A_576] {strides = array<i32>} : memref<25600xi32, #tpu.memory_space<vmem>>, vector<16xi32>,
    %swap3A_578 = vector.shape_cast %swap3A_577 : vector<16xi32> to vector<16xi32>
    %swap3A_579 = vector.shape_cast %select_n3A_575 : vector<16xi32> to vector<16xi32>
    tpu.vector_store %arg6[%swap3A_576], %swap3A_579 {strides = array<i32>} : memref<25600xi32, #tpu.memory_space<vmem>>, vector<16xi32>,
    %add3A_580 = arith.constant 432 : i32
    %add3A_581 = arith.addi %mul3A_2, %add3A_580 : i32
    %add3A_582 = vector.broadcast %add3A_581 : i32 to vector<16xi32>
    %add3A_583 = arith.addi %add3A_582, %iota3A : vector<16xi32>
    %rem3A_584 = arith.constant 200 : i32
    %rem3A_585 = vector.broadcast %rem3A_584 : i32 to vector<16xi32>
    %rem3A_586 = arith.remsi %add3A_583, %rem3A_585 : vector<16xi32>
    %get3A_587 = arith.constant 432 : index
    %get3A_588 = tpu.vector_load %arg6[%get3A_587] {strides = array<i32>} : memref<25600xi32, #tpu.memory_space<vmem>>, vector<16xi32>,
    %get3A_589 = vector.shape_cast %get3A_588 : vector<16xi32> to vector<16xi32>
    %lt3A_590 = arith.cmpi slt, %rem3A_586, %get3A_4 : vector<16xi32>
    %add3A_591 = arith.constant 1 : i32
    %add3A_592 = vector.broadcast %add3A_591 : i32 to vector<16xi32>
    %add3A_593 = arith.addi %get3A_589, %add3A_592 : vector<16xi32>
    %jit3A_594 = arith.constant 0 : i32
    %broadcast_in_dim3A_595 = vector.broadcast %jit3A_594 : i32 to vector<16xi32>
    %select_n3A_596 = arith.select %lt3A_590, %add3A_593, %broadcast_in_dim3A_595 : vector<16xi1>, vector<16xi32>
    %swap3A_597 = arith.constant 432 : index
    %swap3A_598 = tpu.vector_load %arg6[%swap3A_597] {strides = array<i32>} : memref<25600xi32, #tpu.memory_space<vmem>>, vector<16xi32>,
    %swap3A_599 = vector.shape_cast %swap3A_598 : vector<16xi32> to vector<16xi32>
    %swap3A_600 = vector.shape_cast %select_n3A_596 : vector<16xi32> to vector<16xi32>
    tpu.vector_store %arg6[%swap3A_597], %swap3A_600 {strides = array<i32>} : memref<25600xi32, #tpu.memory_space<vmem>>, vector<16xi32>,
    %add3A_601 = arith.constant 448 : i32
    %add3A_602 = arith.addi %mul3A_2, %add3A_601 : i32
    %add3A_603 = vector.broadcast %add3A_602 : i32 to vector<16xi32>
    %add3A_604 = arith.addi %add3A_603, %iota3A : vector<16xi32>
    %rem3A_605 = arith.constant 200 : i32
    %rem3A_606 = vector.broadcast %rem3A_605 : i32 to vector<16xi32>
    %rem3A_607 = arith.remsi %add3A_604, %rem3A_606 : vector<16xi32>
    %get3A_608 = arith.constant 448 : index
    %get3A_609 = tpu.vector_load %arg6[%get3A_608] {strides = array<i32>} : memref<25600xi32, #tpu.memory_space<vmem>>, vector<16xi32>,
    %get3A_610 = vector.shape_cast %get3A_609 : vector<16xi32> to vector<16xi32>
    %lt3A_611 = arith.cmpi slt, %rem3A_607, %get3A_4 : vector<16xi32>
    %add3A_612 = arith.constant 1 : i32
    %add3A_613 = vector.broadcast %add3A_612 : i32 to vector<16xi32>
    %add3A_614 = arith.addi %get3A_610, %add3A_613 : vector<16xi32>
    %jit3A_615 = arith.constant 0 : i32
    %broadcast_in_dim3A_616 = vector.broadcast %jit3A_615 : i32 to vector<16xi32>
    %select_n3A_617 = arith.select %lt3A_611, %add3A_614, %broadcast_in_dim3A_616 : vector<16xi1>, vector<16xi32>
    %swap3A_618 = arith.constant 448 : index
    %swap3A_619 = tpu.vector_load %arg6[%swap3A_618] {strides = array<i32>} : memref<25600xi32, #tpu.memory_space<vmem>>, vector<16xi32>,
    %swap3A_620 = vector.shape_cast %swap3A_619 : vector<16xi32> to vector<16xi32>
    %swap3A_621 = vector.shape_cast %select_n3A_617 : vector<16xi32> to vector<16xi32>
    tpu.vector_store %arg6[%swap3A_618], %swap3A_621 {strides = array<i32>} : memref<25600xi32, #tpu.memory_space<vmem>>, vector<16xi32>,
    %add3A_622 = arith.constant 464 : i32
    %add3A_623 = arith.addi %mul3A_2, %add3A_622 : i32
    %add3A_624 = vector.broadcast %add3A_623 : i32 to vector<16xi32>
    %add3A_625 = arith.addi %add3A_624, %iota3A : vector<16xi32>
    %rem3A_626 = arith.constant 200 : i32
    %rem3A_627 = vector.broadcast %rem3A_626 : i32 to vector<16xi32>
    %rem3A_628 = arith.remsi %add3A_625, %rem3A_627 : vector<16xi32>
    %get3A_629 = arith.constant 464 : index
    %get3A_630 = tpu.vector_load %arg6[%get3A_629] {strides = array<i32>} : memref<25600xi32, #tpu.memory_space<vmem>>, vector<16xi32>,
    %get3A_631 = vector.shape_cast %get3A_630 : vector<16xi32> to vector<16xi32>
    %lt3A_632 = arith.cmpi slt, %rem3A_628, %get3A_4 : vector<16xi32>
    %add3A_633 = arith.constant 1 : i32
    %add3A_634 = vector.broadcast %add3A_633 : i32 to vector<16xi32>
    %add3A_635 = arith.addi %get3A_631, %add3A_634 : vector<16xi32>
    %jit3A_636 = arith.constant 0 : i32
    %broadcast_in_dim3A_637 = vector.broadcast %jit3A_636 : i32 to vector<16xi32>
    %select_n3A_638 = arith.select %lt3A_632, %add3A_635, %broadcast_in_dim3A_637 : vector<16xi1>, vector<16xi32>
    %swap3A_639 = arith.constant 464 : index
    %swap3A_640 = tpu.vector_load %arg6[%swap3A_639] {strides = array<i32>} : memref<25600xi32, #tpu.memory_space<vmem>>, vector<16xi32>,
    %swap3A_641 = vector.shape_cast %swap3A_640 : vector<16xi32> to vector<16xi32>
    %swap3A_642 = vector.shape_cast %select_n3A_638 : vector<16xi32> to vector<16xi32>
    tpu.vector_store %arg6[%swap3A_639], %swap3A_642 {strides = array<i32>} : memref<25600xi32, #tpu.memory_space<vmem>>, vector<16xi32>,
    %add3A_643 = arith.constant 480 : i32
    %add3A_644 = arith.addi %mul3A_2, %add3A_643 : i32
    %add3A_645 = vector.broadcast %add3A_644 : i32 to vector<16xi32>
    %add3A_646 = arith.addi %add3A_645, %iota3A : vector<16xi32>
    %rem3A_647 = arith.constant 200 : i32
    %rem3A_648 = vector.broadcast %rem3A_647 : i32 to vector<16xi32>
    %rem3A_649 = arith.remsi %add3A_646, %rem3A_648 : vector<16xi32>
    %get3A_650 = arith.constant 480 : index
    %get3A_651 = tpu.vector_load %arg6[%get3A_650] {strides = array<i32>} : memref<25600xi32, #tpu.memory_space<vmem>>, vector<16xi32>,
    %get3A_652 = vector.shape_cast %get3A_651 : vector<16xi32> to vector<16xi32>
    %lt3A_653 = arith.cmpi slt, %rem3A_649, %get3A_4 : vector<16xi32>
    %add3A_654 = arith.constant 1 : i32
    %add3A_655 = vector.broadcast %add3A_654 : i32 to vector<16xi32>
    %add3A_656 = arith.addi %get3A_652, %add3A_655 : vector<16xi32>
    %jit3A_657 = arith.constant 0 : i32
    %broadcast_in_dim3A_658 = vector.broadcast %jit3A_657 : i32 to vector<16xi32>
    %select_n3A_659 = arith.select %lt3A_653, %add3A_656, %broadcast_in_dim3A_658 : vector<16xi1>, vector<16xi32>
    %swap3A_660 = arith.constant 480 : index
    %swap3A_661 = tpu.vector_load %arg6[%swap3A_660] {strides = array<i32>} : memref<25600xi32, #tpu.memory_space<vmem>>, vector<16xi32>,
    %swap3A_662 = vector.shape_cast %swap3A_661 : vector<16xi32> to vector<16xi32>
    %swap3A_663 = vector.shape_cast %select_n3A_659 : vector<16xi32> to vector<16xi32>
    tpu.vector_store %arg6[%swap3A_660], %swap3A_663 {strides = array<i32>} : memref<25600xi32, #tpu.memory_space<vmem>>, vector<16xi32>,
    %add3A_664 = arith.constant 496 : i32
    %add3A_665 = arith.addi %mul3A_2, %add3A_664 : i32
    %add3A_666 = vector.broadcast %add3A_665 : i32 to vector<16xi32>
    %add3A_667 = arith.addi %add3A_666, %iota3A : vector<16xi32>
    %rem3A_668 = arith.constant 200 : i32
    %rem3A_669 = vector.broadcast %rem3A_668 : i32 to vector<16xi32>
    %rem3A_670 = arith.remsi %add3A_667, %rem3A_669 : vector<16xi32>
    %get3A_671 = arith.constant 496 : index
    %get3A_672 = tpu.vector_load %arg6[%get3A_671] {strides = array<i32>} : memref<25600xi32, #tpu.memory_space<vmem>>, vector<16xi32>,
    %get3A_673 = vector.shape_cast %get3A_672 : vector<16xi32> to vector<16xi32>
    %lt3A_674 = arith.cmpi slt, %rem3A_670, %get3A_4 : vector<16xi32>
    %add3A_675 = arith.constant 1 : i32
    %add3A_676 = vector.broadcast %add3A_675 : i32 to vector<16xi32>
    %add3A_677 = arith.addi %get3A_673, %add3A_676 : vector<16xi32>
    %jit3A_678 = arith.constant 0 : i32
    %broadcast_in_dim3A_679 = vector.broadcast %jit3A_678 : i32 to vector<16xi32>
    %select_n3A_680 = arith.select %lt3A_674, %add3A_677, %broadcast_in_dim3A_679 : vector<16xi1>, vector<16xi32>
    %swap3A_681 = arith.constant 496 : index
    %swap3A_682 = tpu.vector_load %arg6[%swap3A_681] {strides = array<i32>} : memref<25600xi32, #tpu.memory_space<vmem>>, vector<16xi32>,
    %swap3A_683 = vector.shape_cast %swap3A_682 : vector<16xi32> to vector<16xi32>
    %swap3A_684 = vector.shape_cast %select_n3A_680 : vector<16xi32> to vector<16xi32>
    tpu.vector_store %arg6[%swap3A_681], %swap3A_684 {strides = array<i32>} : memref<25600xi32, #tpu.memory_space<vmem>>, vector<16xi32>,
    %dma_start3A_685 = arith.constant 384 : i32
    %dma_start3A_686 = tpu.memref_slice %arg6[%dma_start3A_685] : memref<25600xi32, #tpu.memory_space<vmem>> -> memref<128xi32, #tpu.memory_space<vmem>>
    %dma_start3A_687 = arith.constant 0 : i32
    %dma_start3A_688 = arith.constant 0 : i32
    %dma_start3A_689 = tpu.memref_slice %arg4[%dma_start3A_687, %dma_start3A_688] : memref<100001x128xf32, #tpu.memory_space<hbm>> -> memref<100001x128xf32, #tpu.memory_space<hbm>>
    tpu.enqueue_indirect_dma source(%dma_start3A_689 : memref<100001x128xf32, #tpu.memory_space<hbm>>) target(%arg11 : memref<128x128xf32, #tpu.memory_space<vmem>>) offsets(%dma_start3A_686 : memref<128xi32, #tpu.memory_space<vmem>>) semaphore(%arg16 : memref<!tpu.dma_semaphore, #tpu.memory_space<semaphore_mem>>)
    %add3A_690 = arith.constant 512 : i32
    %add3A_691 = arith.addi %mul3A_2, %add3A_690 : i32
    %add3A_692 = vector.broadcast %add3A_691 : i32 to vector<16xi32>
    %add3A_693 = arith.addi %add3A_692, %iota3A : vector<16xi32>
    %rem3A_694 = arith.constant 200 : i32
    %rem3A_695 = vector.broadcast %rem3A_694 : i32 to vector<16xi32>
    %rem3A_696 = arith.remsi %add3A_693, %rem3A_695 : vector<16xi32>
    %get3A_697 = arith.constant 512 : index
    %get3A_698 = tpu.vector_load %arg6[%get3A_697] {strides = array<i32>} : memref<25600xi32, #tpu.memory_space<vmem>>, vector<16xi32>,
    %get3A_699 = vector.shape_cast %get3A_698 : vector<16xi32> to vector<16xi32>
    %lt3A_700 = arith.cmpi slt, %rem3A_696, %get3A_4 : vector<16xi32>
    %add3A_701 = arith.constant 1 : i32
    %add3A_702 = vector.broadcast %add3A_701 : i32 to vector<16xi32>
    %add3A_703 = arith.addi %get3A_699, %add3A_702 : vector<16xi32>
    %jit3A_704 = arith.constant 0 : i32
    %broadcast_in_dim3A_705 = vector.broadcast %jit3A_704 : i32 to vector<16xi32>
    %select_n3A_706 = arith.select %lt3A_700, %add3A_703, %broadcast_in_dim3A_705 : vector<16xi1>, vector<16xi32>
    %swap3A_707 = arith.constant 512 : index
    %swap3A_708 = tpu.vector_load %arg6[%swap3A_707] {strides = array<i32>} : memref<25600xi32, #tpu.memory_space<vmem>>, vector<16xi32>,
    %swap3A_709 = vector.shape_cast %swap3A_708 : vector<16xi32> to vector<16xi32>
    %swap3A_710 = vector.shape_cast %select_n3A_706 : vector<16xi32> to vector<16xi32>
    tpu.vector_store %arg6[%swap3A_707], %swap3A_710 {strides = array<i32>} : memref<25600xi32, #tpu.memory_space<vmem>>, vector<16xi32>,
    %add3A_711 = arith.constant 528 : i32
    %add3A_712 = arith.addi %mul3A_2, %add3A_711 : i32
    %add3A_713 = vector.broadcast %add3A_712 : i32 to vector<16xi32>
    %add3A_714 = arith.addi %add3A_713, %iota3A : vector<16xi32>
    %rem3A_715 = arith.constant 200 : i32
    %rem3A_716 = vector.broadcast %rem3A_715 : i32 to vector<16xi32>
    %rem3A_717 = arith.remsi %add3A_714, %rem3A_716 : vector<16xi32>
    %get3A_718 = arith.constant 528 : index
    %get3A_719 = tpu.vector_load %arg6[%get3A_718] {strides = array<i32>} : memref<25600xi32, #tpu.memory_space<vmem>>, vector<16xi32>,
    %get3A_720 = vector.shape_cast %get3A_719 : vector<16xi32> to vector<16xi32>
    %lt3A_721 = arith.cmpi slt, %rem3A_717, %get3A_4 : vector<16xi32>
    %add3A_722 = arith.constant 1 : i32
    %add3A_723 = vector.broadcast %add3A_722 : i32 to vector<16xi32>
    %add3A_724 = arith.addi %get3A_720, %add3A_723 : vector<16xi32>
    %jit3A_725 = arith.constant 0 : i32
    %broadcast_in_dim3A_726 = vector.broadcast %jit3A_725 : i32 to vector<16xi32>
    %select_n3A_727 = arith.select %lt3A_721, %add3A_724, %broadcast_in_dim3A_726 : vector<16xi1>, vector<16xi32>
    %swap3A_728 = arith.constant 528 : index
    %swap3A_729 = tpu.vector_load %arg6[%swap3A_728] {strides = array<i32>} : memref<25600xi32, #tpu.memory_space<vmem>>, vector<16xi32>,
    %swap3A_730 = vector.shape_cast %swap3A_729 : vector<16xi32> to vector<16xi32>
    %swap3A_731 = vector.shape_cast %select_n3A_727 : vector<16xi32> to vector<16xi32>
    tpu.vector_store %arg6[%swap3A_728], %swap3A_731 {strides = array<i32>} : memref<25600xi32, #tpu.memory_space<vmem>>, vector<16xi32>,
    %add3A_732 = arith.constant 544 : i32
    %add3A_733 = arith.addi %mul3A_2, %add3A_732 : i32
    %add3A_734 = vector.broadcast %add3A_733 : i32 to vector<16xi32>
    %add3A_735 = arith.addi %add3A_734, %iota3A : vector<16xi32>
    %rem3A_736 = arith.constant 200 : i32
    %rem3A_737 = vector.broadcast %rem3A_736 : i32 to vector<16xi32>
    %rem3A_738 = arith.remsi %add3A_735, %rem3A_737 : vector<16xi32>
    %get3A_739 = arith.constant 544 : index
    %get3A_740 = tpu.vector_load %arg6[%get3A_739] {strides = array<i32>} : memref<25600xi32, #tpu.memory_space<vmem>>, vector<16xi32>,
    %get3A_741 = vector.shape_cast %get3A_740 : vector<16xi32> to vector<16xi32>
    %lt3A_742 = arith.cmpi slt, %rem3A_738, %get3A_4 : vector<16xi32>
    %add3A_743 = arith.constant 1 : i32
    %add3A_744 = vector.broadcast %add3A_743 : i32 to vector<16xi32>
    %add3A_745 = arith.addi %get3A_741, %add3A_744 : vector<16xi32>
    %jit3A_746 = arith.constant 0 : i32
    %broadcast_in_dim3A_747 = vector.broadcast %jit3A_746 : i32 to vector<16xi32>
    %select_n3A_748 = arith.select %lt3A_742, %add3A_745, %broadcast_in_dim3A_747 : vector<16xi1>, vector<16xi32>
    %swap3A_749 = arith.constant 544 : index
    %swap3A_750 = tpu.vector_load %arg6[%swap3A_749] {strides = array<i32>} : memref<25600xi32, #tpu.memory_space<vmem>>, vector<16xi32>,
    %swap3A_751 = vector.shape_cast %swap3A_750 : vector<16xi32> to vector<16xi32>
    %swap3A_752 = vector.shape_cast %select_n3A_748 : vector<16xi32> to vector<16xi32>
    tpu.vector_store %arg6[%swap3A_749], %swap3A_752 {strides = array<i32>} : memref<25600xi32, #tpu.memory_space<vmem>>, vector<16xi32>,
    %add3A_753 = arith.constant 560 : i32
    %add3A_754 = arith.addi %mul3A_2, %add3A_753 : i32
    %add3A_755 = vector.broadcast %add3A_754 : i32 to vector<16xi32>
    %add3A_756 = arith.addi %add3A_755, %iota3A : vector<16xi32>
    %rem3A_757 = arith.constant 200 : i32
    %rem3A_758 = vector.broadcast %rem3A_757 : i32 to vector<16xi32>
    %rem3A_759 = arith.remsi %add3A_756, %rem3A_758 : vector<16xi32>
    %get3A_760 = arith.constant 560 : index
    %get3A_761 = tpu.vector_load %arg6[%get3A_760] {strides = array<i32>} : memref<25600xi32, #tpu.memory_space<vmem>>, vector<16xi32>,
    %get3A_762 = vector.shape_cast %get3A_761 : vector<16xi32> to vector<16xi32>
    %lt3A_763 = arith.cmpi slt, %rem3A_759, %get3A_4 : vector<16xi32>
    %add3A_764 = arith.constant 1 : i32
    %add3A_765 = vector.broadcast %add3A_764 : i32 to vector<16xi32>
    %add3A_766 = arith.addi %get3A_762, %add3A_765 : vector<16xi32>
    %jit3A_767 = arith.constant 0 : i32
    %broadcast_in_dim3A_768 = vector.broadcast %jit3A_767 : i32 to vector<16xi32>
    %select_n3A_769 = arith.select %lt3A_763, %add3A_766, %broadcast_in_dim3A_768 : vector<16xi1>, vector<16xi32>
    %swap3A_770 = arith.constant 560 : index
    %swap3A_771 = tpu.vector_load %arg6[%swap3A_770] {strides = array<i32>} : memref<25600xi32, #tpu.memory_space<vmem>>, vector<16xi32>,
    %swap3A_772 = vector.shape_cast %swap3A_771 : vector<16xi32> to vector<16xi32>
    %swap3A_773 = vector.shape_cast %select_n3A_769 : vector<16xi32> to vector<16xi32>
    tpu.vector_store %arg6[%swap3A_770], %swap3A_773 {strides = array<i32>} : memref<25600xi32, #tpu.memory_space<vmem>>, vector<16xi32>,
    %add3A_774 = arith.constant 576 : i32
    %add3A_775 = arith.addi %mul3A_2, %add3A_774 : i32
    %add3A_776 = vector.broadcast %add3A_775 : i32 to vector<16xi32>
    %add3A_777 = arith.addi %add3A_776, %iota3A : vector<16xi32>
    %rem3A_778 = arith.constant 200 : i32
    %rem3A_779 = vector.broadcast %rem3A_778 : i32 to vector<16xi32>
    %rem3A_780 = arith.remsi %add3A_777, %rem3A_779 : vector<16xi32>
    %get3A_781 = arith.constant 576 : index
    %get3A_782 = tpu.vector_load %arg6[%get3A_781] {strides = array<i32>} : memref<25600xi32, #tpu.memory_space<vmem>>, vector<16xi32>,
    %get3A_783 = vector.shape_cast %get3A_782 : vector<16xi32> to vector<16xi32>
    %lt3A_784 = arith.cmpi slt, %rem3A_780, %get3A_4 : vector<16xi32>
    %add3A_785 = arith.constant 1 : i32
    %add3A_786 = vector.broadcast %add3A_785 : i32 to vector<16xi32>
    %add3A_787 = arith.addi %get3A_783, %add3A_786 : vector<16xi32>
    %jit3A_788 = arith.constant 0 : i32
    %broadcast_in_dim3A_789 = vector.broadcast %jit3A_788 : i32 to vector<16xi32>
    %select_n3A_790 = arith.select %lt3A_784, %add3A_787, %broadcast_in_dim3A_789 : vector<16xi1>, vector<16xi32>
    %swap3A_791 = arith.constant 576 : index
    %swap3A_792 = tpu.vector_load %arg6[%swap3A_791] {strides = array<i32>} : memref<25600xi32, #tpu.memory_space<vmem>>, vector<16xi32>,
    %swap3A_793 = vector.shape_cast %swap3A_792 : vector<16xi32> to vector<16xi32>
    %swap3A_794 = vector.shape_cast %select_n3A_790 : vector<16xi32> to vector<16xi32>
    tpu.vector_store %arg6[%swap3A_791], %swap3A_794 {strides = array<i32>} : memref<25600xi32, #tpu.memory_space<vmem>>, vector<16xi32>,
    %add3A_795 = arith.constant 592 : i32
    %add3A_796 = arith.addi %mul3A_2, %add3A_795 : i32
    %add3A_797 = vector.broadcast %add3A_796 : i32 to vector<16xi32>
    %add3A_798 = arith.addi %add3A_797, %iota3A : vector<16xi32>
    %rem3A_799 = arith.constant 200 : i32
    %rem3A_800 = vector.broadcast %rem3A_799 : i32 to vector<16xi32>
    %rem3A_801 = arith.remsi %add3A_798, %rem3A_800 : vector<16xi32>
    %get3A_802 = arith.constant 592 : index
    %get3A_803 = tpu.vector_load %arg6[%get3A_802] {strides = array<i32>} : memref<25600xi32, #tpu.memory_space<vmem>>, vector<16xi32>,
    %get3A_804 = vector.shape_cast %get3A_803 : vector<16xi32> to vector<16xi32>
    %lt3A_805 = arith.cmpi slt, %rem3A_801, %get3A_4 : vector<16xi32>
    %add3A_806 = arith.constant 1 : i32
    %add3A_807 = vector.broadcast %add3A_806 : i32 to vector<16xi32>
    %add3A_808 = arith.addi %get3A_804, %add3A_807 : vector<16xi32>
    %jit3A_809 = arith.constant 0 : i32
    %broadcast_in_dim3A_810 = vector.broadcast %jit3A_809 : i32 to vector<16xi32>
    %select_n3A_811 = arith.select %lt3A_805, %add3A_808, %broadcast_in_dim3A_810 : vector<16xi1>, vector<16xi32>
    %swap3A_812 = arith.constant 592 : index
    %swap3A_813 = tpu.vector_load %arg6[%swap3A_812] {strides = array<i32>} : memref<25600xi32, #tpu.memory_space<vmem>>, vector<16xi32>,
    %swap3A_814 = vector.shape_cast %swap3A_813 : vector<16xi32> to vector<16xi32>
    %swap3A_815 = vector.shape_cast %select_n3A_811 : vector<16xi32> to vector<16xi32>
    tpu.vector_store %arg6[%swap3A_812], %swap3A_815 {strides = array<i32>} : memref<25600xi32, #tpu.memory_space<vmem>>, vector<16xi32>,
    %add3A_816 = arith.constant 608 : i32
    %add3A_817 = arith.addi %mul3A_2, %add3A_816 : i32
    %add3A_818 = vector.broadcast %add3A_817 : i32 to vector<16xi32>
    %add3A_819 = arith.addi %add3A_818, %iota3A : vector<16xi32>
    %rem3A_820 = arith.constant 200 : i32
    %rem3A_821 = vector.broadcast %rem3A_820 : i32 to vector<16xi32>
    %rem3A_822 = arith.remsi %add3A_819, %rem3A_821 : vector<16xi32>
    %get3A_823 = arith.constant 608 : index
    %get3A_824 = tpu.vector_load %arg6[%get3A_823] {strides = array<i32>} : memref<25600xi32, #tpu.memory_space<vmem>>, vector<16xi32>,
    %get3A_825 = vector.shape_cast %get3A_824 : vector<16xi32> to vector<16xi32>
    %lt3A_826 = arith.cmpi slt, %rem3A_822, %get3A_4 : vector<16xi32>
    %add3A_827 = arith.constant 1 : i32
    %add3A_828 = vector.broadcast %add3A_827 : i32 to vector<16xi32>
    %add3A_829 = arith.addi %get3A_825, %add3A_828 : vector<16xi32>
    %jit3A_830 = arith.constant 0 : i32
    %broadcast_in_dim3A_831 = vector.broadcast %jit3A_830 : i32 to vector<16xi32>
    %select_n3A_832 = arith.select %lt3A_826, %add3A_829, %broadcast_in_dim3A_831 : vector<16xi1>, vector<16xi32>
    %swap3A_833 = arith.constant 608 : index
    %swap3A_834 = tpu.vector_load %arg6[%swap3A_833] {strides = array<i32>} : memref<25600xi32, #tpu.memory_space<vmem>>, vector<16xi32>,
    %swap3A_835 = vector.shape_cast %swap3A_834 : vector<16xi32> to vector<16xi32>
    %swap3A_836 = vector.shape_cast %select_n3A_832 : vector<16xi32> to vector<16xi32>
    tpu.vector_store %arg6[%swap3A_833], %swap3A_836 {strides = array<i32>} : memref<25600xi32, #tpu.memory_space<vmem>>, vector<16xi32>,
    %add3A_837 = arith.constant 624 : i32
    %add3A_838 = arith.addi %mul3A_2, %add3A_837 : i32
    %add3A_839 = vector.broadcast %add3A_838 : i32 to vector<16xi32>
    %add3A_840 = arith.addi %add3A_839, %iota3A : vector<16xi32>
    %rem3A_841 = arith.constant 200 : i32
    %rem3A_842 = vector.broadcast %rem3A_841 : i32 to vector<16xi32>
    %rem3A_843 = arith.remsi %add3A_840, %rem3A_842 : vector<16xi32>
    %get3A_844 = arith.constant 624 : index
    %get3A_845 = tpu.vector_load %arg6[%get3A_844] {strides = array<i32>} : memref<25600xi32, #tpu.memory_space<vmem>>, vector<16xi32>,
    %get3A_846 = vector.shape_cast %get3A_845 : vector<16xi32> to vector<16xi32>
    %lt3A_847 = arith.cmpi slt, %rem3A_843, %get3A_4 : vector<16xi32>
    %add3A_848 = arith.constant 1 : i32
    %add3A_849 = vector.broadcast %add3A_848 : i32 to vector<16xi32>
    %add3A_850 = arith.addi %get3A_846, %add3A_849 : vector<16xi32>
    %jit3A_851 = arith.constant 0 : i32
    %broadcast_in_dim3A_852 = vector.broadcast %jit3A_851 : i32 to vector<16xi32>
    %select_n3A_853 = arith.select %lt3A_847, %add3A_850, %broadcast_in_dim3A_852 : vector<16xi1>, vector<16xi32>
    %swap3A_854 = arith.constant 624 : index
    %swap3A_855 = tpu.vector_load %arg6[%swap3A_854] {strides = array<i32>} : memref<25600xi32, #tpu.memory_space<vmem>>, vector<16xi32>,
    %swap3A_856 = vector.shape_cast %swap3A_855 : vector<16xi32> to vector<16xi32>
    %swap3A_857 = vector.shape_cast %select_n3A_853 : vector<16xi32> to vector<16xi32>
    tpu.vector_store %arg6[%swap3A_854], %swap3A_857 {strides = array<i32>} : memref<25600xi32, #tpu.memory_space<vmem>>, vector<16xi32>,
    %dma_start3A_858 = arith.constant 512 : i32
    %dma_start3A_859 = tpu.memref_slice %arg6[%dma_start3A_858] : memref<25600xi32, #tpu.memory_space<vmem>> -> memref<128xi32, #tpu.memory_space<vmem>>
    %dma_start3A_860 = arith.constant 0 : i32
    %dma_start3A_861 = arith.constant 0 : i32
    %dma_start3A_862 = tpu.memref_slice %arg4[%dma_start3A_860, %dma_start3A_861] : memref<100001x128xf32, #tpu.memory_space<hbm>> -> memref<100001x128xf32, #tpu.memory_space<hbm>>
    tpu.enqueue_indirect_dma source(%dma_start3A_862 : memref<100001x128xf32, #tpu.memory_space<hbm>>) target(%arg12 : memref<128x128xf32, #tpu.memory_space<vmem>>) offsets(%dma_start3A_859 : memref<128xi32, #tpu.memory_space<vmem>>) semaphore(%arg17 : memref<!tpu.dma_semaphore, #tpu.memory_space<semaphore_mem>>)
    %scan3A = arith.constant 0 : i32
    %scan3A_863 = arith.constant 39 : i32
    %scan3A_864 = arith.addi %scan3A, %scan3A_863 : i32
    %scan3A_865 = arith.constant 1 : i32
    scf.for %scan3A_951 = %scan3A to %scan3A_864 step %scan3A_865  : i32 {
      %mul3A_952 = arith.constant 5 : i32
      %mul3A_953 = arith.muli %scan3A_951, %mul3A_952 : i32
      %add3A_954 = arith.constant 0 : i32
      %add3A_955 = arith.addi %add3A_954, %mul3A_953 : i32
      %add3A_956 = arith.constant 0 : i32
      %add3A_957 = arith.addi %add3A_955, %add3A_956 : i32
      %add3A_958 = arith.constant 5 : i32
      %add3A_959 = arith.addi %add3A_957, %add3A_958 : i32
      %mul3A_960 = arith.constant 128 : i32
      %mul3A_961 = arith.muli %add3A_959, %mul3A_960 : i32
      %add3A_962 = arith.constant 0 : i32
      %add3A_963 = arith.addi %mul3A_961, %add3A_962 : i32
      %add3A_964 = arith.addi %mul3A_2, %add3A_963 : i32
      %add3A_965 = vector.broadcast %add3A_964 : i32 to vector<16xi32>
      %add3A_966 = arith.addi %add3A_965, %iota3A : vector<16xi32>
      %rem3A_967 = arith.constant 200 : i32
      %rem3A_968 = vector.broadcast %rem3A_967 : i32 to vector<16xi32>
      %rem3A_969 = arith.remsi %add3A_966, %rem3A_968 : vector<16xi32>
      %get3A_970 = arith.index_cast %add3A_963 : i32 to index
      %get3A_971 = tpu.vector_load %arg6[%get3A_970] {strides = array<i32>} : memref<25600xi32, #tpu.memory_space<vmem>>, vector<16xi32>,
      %get3A_972 = vector.shape_cast %get3A_971 : vector<16xi32> to vector<16xi32>
      %lt3A_973 = arith.cmpi slt, %rem3A_969, %get3A_4 : vector<16xi32>
      %add3A_974 = arith.constant 1 : i32
      %add3A_975 = vector.broadcast %add3A_974 : i32 to vector<16xi32>
      %add3A_976 = arith.addi %get3A_972, %add3A_975 : vector<16xi32>
      %jit3A_977 = arith.constant 0 : i32
      %broadcast_in_dim3A_978 = vector.broadcast %jit3A_977 : i32 to vector<16xi32>
      %select_n3A_979 = arith.select %lt3A_973, %add3A_976, %broadcast_in_dim3A_978 : vector<16xi1>, vector<16xi32>
      %swap3A_980 = arith.index_cast %add3A_963 : i32 to index
      %swap3A_981 = tpu.vector_load %arg6[%swap3A_980] {strides = array<i32>} : memref<25600xi32, #tpu.memory_space<vmem>>, vector<16xi32>,
      %swap3A_982 = vector.shape_cast %swap3A_981 : vector<16xi32> to vector<16xi32>
      %swap3A_983 = vector.shape_cast %select_n3A_979 : vector<16xi32> to vector<16xi32>
      tpu.vector_store %arg6[%swap3A_980], %swap3A_983 {strides = array<i32>} : memref<25600xi32, #tpu.memory_space<vmem>>, vector<16xi32>,
      %add3A_984 = arith.constant 16 : i32
      %add3A_985 = arith.addi %mul3A_961, %add3A_984 : i32
      %add3A_986 = arith.addi %mul3A_2, %add3A_985 : i32
      %add3A_987 = vector.broadcast %add3A_986 : i32 to vector<16xi32>
      %add3A_988 = arith.addi %add3A_987, %iota3A : vector<16xi32>
      %rem3A_989 = arith.constant 200 : i32
      %rem3A_990 = vector.broadcast %rem3A_989 : i32 to vector<16xi32>
      %rem3A_991 = arith.remsi %add3A_988, %rem3A_990 : vector<16xi32>
      %get3A_992 = arith.index_cast %add3A_985 : i32 to index
      %get3A_993 = tpu.vector_load %arg6[%get3A_992] {strides = array<i32>} : memref<25600xi32, #tpu.memory_space<vmem>>, vector<16xi32>,
      %get3A_994 = vector.shape_cast %get3A_993 : vector<16xi32> to vector<16xi32>
      %lt3A_995 = arith.cmpi slt, %rem3A_991, %get3A_4 : vector<16xi32>
      %add3A_996 = arith.constant 1 : i32
      %add3A_997 = vector.broadcast %add3A_996 : i32 to vector<16xi32>
      %add3A_998 = arith.addi %get3A_994, %add3A_997 : vector<16xi32>
      %jit3A_999 = arith.constant 0 : i32
      %broadcast_in_dim3A_1000 = vector.broadcast %jit3A_999 : i32 to vector<16xi32>
      %select_n3A_1001 = arith.select %lt3A_995, %add3A_998, %broadcast_in_dim3A_1000 : vector<16xi1>, vector<16xi32>
      %swap3A_1002 = arith.index_cast %add3A_985 : i32 to index
      %swap3A_1003 = tpu.vector_load %arg6[%swap3A_1002] {strides = array<i32>} : memref<25600xi32, #tpu.memory_space<vmem>>, vector<16xi32>,
      %swap3A_1004 = vector.shape_cast %swap3A_1003 : vector<16xi32> to vector<16xi32>
      %swap3A_1005 = vector.shape_cast %select_n3A_1001 : vector<16xi32> to vector<16xi32>
      tpu.vector_store %arg6[%swap3A_1002], %swap3A_1005 {strides = array<i32>} : memref<25600xi32, #tpu.memory_space<vmem>>, vector<16xi32>,
      %add3A_1006 = arith.constant 32 : i32
      %add3A_1007 = arith.addi %mul3A_961, %add3A_1006 : i32
      %add3A_1008 = arith.addi %mul3A_2, %add3A_1007 : i32
      %add3A_1009 = vector.broadcast %add3A_1008 : i32 to vector<16xi32>
      %add3A_1010 = arith.addi %add3A_1009, %iota3A : vector<16xi32>
      %rem3A_1011 = arith.constant 200 : i32
      %rem3A_1012 = vector.broadcast %rem3A_1011 : i32 to vector<16xi32>
      %rem3A_1013 = arith.remsi %add3A_1010, %rem3A_1012 : vector<16xi32>
      %get3A_1014 = arith.index_cast %add3A_1007 : i32 to index
      %get3A_1015 = tpu.vector_load %arg6[%get3A_1014] {strides = array<i32>} : memref<25600xi32, #tpu.memory_space<vmem>>, vector<16xi32>,
      %get3A_1016 = vector.shape_cast %get3A_1015 : vector<16xi32> to vector<16xi32>
      %lt3A_1017 = arith.cmpi slt, %rem3A_1013, %get3A_4 : vector<16xi32>
      %add3A_1018 = arith.constant 1 : i32
      %add3A_1019 = vector.broadcast %add3A_1018 : i32 to vector<16xi32>
      %add3A_1020 = arith.addi %get3A_1016, %add3A_1019 : vector<16xi32>
      %jit3A_1021 = arith.constant 0 : i32
      %broadcast_in_dim3A_1022 = vector.broadcast %jit3A_1021 : i32 to vector<16xi32>
      %select_n3A_1023 = arith.select %lt3A_1017, %add3A_1020, %broadcast_in_dim3A_1022 : vector<16xi1>, vector<16xi32>
      %swap3A_1024 = arith.index_cast %add3A_1007 : i32 to index
      %swap3A_1025 = tpu.vector_load %arg6[%swap3A_1024] {strides = array<i32>} : memref<25600xi32, #tpu.memory_space<vmem>>, vector<16xi32>,
      %swap3A_1026 = vector.shape_cast %swap3A_1025 : vector<16xi32> to vector<16xi32>
      %swap3A_1027 = vector.shape_cast %select_n3A_1023 : vector<16xi32> to vector<16xi32>
      tpu.vector_store %arg6[%swap3A_1024], %swap3A_1027 {strides = array<i32>} : memref<25600xi32, #tpu.memory_space<vmem>>, vector<16xi32>,
      %add3A_1028 = arith.constant 48 : i32
      %add3A_1029 = arith.addi %mul3A_961, %add3A_1028 : i32
      %add3A_1030 = arith.addi %mul3A_2, %add3A_1029 : i32
      %add3A_1031 = vector.broadcast %add3A_1030 : i32 to vector<16xi32>
      %add3A_1032 = arith.addi %add3A_1031, %iota3A : vector<16xi32>
      %rem3A_1033 = arith.constant 200 : i32
      %rem3A_1034 = vector.broadcast %rem3A_1033 : i32 to vector<16xi32>
      %rem3A_1035 = arith.remsi %add3A_1032, %rem3A_1034 : vector<16xi32>
      %get3A_1036 = arith.index_cast %add3A_1029 : i32 to index
      %get3A_1037 = tpu.vector_load %arg6[%get3A_1036] {strides = array<i32>} : memref<25600xi32, #tpu.memory_space<vmem>>, vector<16xi32>,
      %get3A_1038 = vector.shape_cast %get3A_1037 : vector<16xi32> to vector<16xi32>
      %lt3A_1039 = arith.cmpi slt, %rem3A_1035, %get3A_4 : vector<16xi32>
      %add3A_1040 = arith.constant 1 : i32
      %add3A_1041 = vector.broadcast %add3A_1040 : i32 to vector<16xi32>
      %add3A_1042 = arith.addi %get3A_1038, %add3A_1041 : vector<16xi32>
      %jit3A_1043 = arith.constant 0 : i32
      %broadcast_in_dim3A_1044 = vector.broadcast %jit3A_1043 : i32 to vector<16xi32>
      %select_n3A_1045 = arith.select %lt3A_1039, %add3A_1042, %broadcast_in_dim3A_1044 : vector<16xi1>, vector<16xi32>
      %swap3A_1046 = arith.index_cast %add3A_1029 : i32 to index
      %swap3A_1047 = tpu.vector_load %arg6[%swap3A_1046] {strides = array<i32>} : memref<25600xi32, #tpu.memory_space<vmem>>, vector<16xi32>,
      %swap3A_1048 = vector.shape_cast %swap3A_1047 : vector<16xi32> to vector<16xi32>
      %swap3A_1049 = vector.shape_cast %select_n3A_1045 : vector<16xi32> to vector<16xi32>
      tpu.vector_store %arg6[%swap3A_1046], %swap3A_1049 {strides = array<i32>} : memref<25600xi32, #tpu.memory_space<vmem>>, vector<16xi32>,
      %add3A_1050 = arith.constant 64 : i32
      %add3A_1051 = arith.addi %mul3A_961, %add3A_1050 : i32
      %add3A_1052 = arith.addi %mul3A_2, %add3A_1051 : i32
      %add3A_1053 = vector.broadcast %add3A_1052 : i32 to vector<16xi32>
      %add3A_1054 = arith.addi %add3A_1053, %iota3A : vector<16xi32>
      %rem3A_1055 = arith.constant 200 : i32
      %rem3A_1056 = vector.broadcast %rem3A_1055 : i32 to vector<16xi32>
      %rem3A_1057 = arith.remsi %add3A_1054, %rem3A_1056 : vector<16xi32>
      %get3A_1058 = arith.index_cast %add3A_1051 : i32 to index
      %get3A_1059 = tpu.vector_load %arg6[%get3A_1058] {strides = array<i32>} : memref<25600xi32, #tpu.memory_space<vmem>>, vector<16xi32>,
      %get3A_1060 = vector.shape_cast %get3A_1059 : vector<16xi32> to vector<16xi32>
      %lt3A_1061 = arith.cmpi slt, %rem3A_1057, %get3A_4 : vector<16xi32>
      %add3A_1062 = arith.constant 1 : i32
      %add3A_1063 = vector.broadcast %add3A_1062 : i32 to vector<16xi32>
      %add3A_1064 = arith.addi %get3A_1060, %add3A_1063 : vector<16xi32>
      %jit3A_1065 = arith.constant 0 : i32
      %broadcast_in_dim3A_1066 = vector.broadcast %jit3A_1065 : i32 to vector<16xi32>
      %select_n3A_1067 = arith.select %lt3A_1061, %add3A_1064, %broadcast_in_dim3A_1066 : vector<16xi1>, vector<16xi32>
      %swap3A_1068 = arith.index_cast %add3A_1051 : i32 to index
      %swap3A_1069 = tpu.vector_load %arg6[%swap3A_1068] {strides = array<i32>} : memref<25600xi32, #tpu.memory_space<vmem>>, vector<16xi32>,
      %swap3A_1070 = vector.shape_cast %swap3A_1069 : vector<16xi32> to vector<16xi32>
      %swap3A_1071 = vector.shape_cast %select_n3A_1067 : vector<16xi32> to vector<16xi32>
      tpu.vector_store %arg6[%swap3A_1068], %swap3A_1071 {strides = array<i32>} : memref<25600xi32, #tpu.memory_space<vmem>>, vector<16xi32>,
      %add3A_1072 = arith.constant 80 : i32
      %add3A_1073 = arith.addi %mul3A_961, %add3A_1072 : i32
      %add3A_1074 = arith.addi %mul3A_2, %add3A_1073 : i32
      %add3A_1075 = vector.broadcast %add3A_1074 : i32 to vector<16xi32>
      %add3A_1076 = arith.addi %add3A_1075, %iota3A : vector<16xi32>
      %rem3A_1077 = arith.constant 200 : i32
      %rem3A_1078 = vector.broadcast %rem3A_1077 : i32 to vector<16xi32>
      %rem3A_1079 = arith.remsi %add3A_1076, %rem3A_1078 : vector<16xi32>
      %get3A_1080 = arith.index_cast %add3A_1073 : i32 to index
      %get3A_1081 = tpu.vector_load %arg6[%get3A_1080] {strides = array<i32>} : memref<25600xi32, #tpu.memory_space<vmem>>, vector<16xi32>,
      %get3A_1082 = vector.shape_cast %get3A_1081 : vector<16xi32> to vector<16xi32>
      %lt3A_1083 = arith.cmpi slt, %rem3A_1079, %get3A_4 : vector<16xi32>
      %add3A_1084 = arith.constant 1 : i32
      %add3A_1085 = vector.broadcast %add3A_1084 : i32 to vector<16xi32>
      %add3A_1086 = arith.addi %get3A_1082, %add3A_1085 : vector<16xi32>
      %jit3A_1087 = arith.constant 0 : i32
      %broadcast_in_dim3A_1088 = vector.broadcast %jit3A_1087 : i32 to vector<16xi32>
      %select_n3A_1089 = arith.select %lt3A_1083, %add3A_1086, %broadcast_in_dim3A_1088 : vector<16xi1>, vector<16xi32>
      %swap3A_1090 = arith.index_cast %add3A_1073 : i32 to index
      %swap3A_1091 = tpu.vector_load %arg6[%swap3A_1090] {strides = array<i32>} : memref<25600xi32, #tpu.memory_space<vmem>>, vector<16xi32>,
      %swap3A_1092 = vector.shape_cast %swap3A_1091 : vector<16xi32> to vector<16xi32>
      %swap3A_1093 = vector.shape_cast %select_n3A_1089 : vector<16xi32> to vector<16xi32>
      tpu.vector_store %arg6[%swap3A_1090], %swap3A_1093 {strides = array<i32>} : memref<25600xi32, #tpu.memory_space<vmem>>, vector<16xi32>,
      %add3A_1094 = arith.constant 96 : i32
      %add3A_1095 = arith.addi %mul3A_961, %add3A_1094 : i32
      %add3A_1096 = arith.addi %mul3A_2, %add3A_1095 : i32
      %add3A_1097 = vector.broadcast %add3A_1096 : i32 to vector<16xi32>
      %add3A_1098 = arith.addi %add3A_1097, %iota3A : vector<16xi32>
      %rem3A_1099 = arith.constant 200 : i32
      %rem3A_1100 = vector.broadcast %rem3A_1099 : i32 to vector<16xi32>
      %rem3A_1101 = arith.remsi %add3A_1098, %rem3A_1100 : vector<16xi32>
      %get3A_1102 = arith.index_cast %add3A_1095 : i32 to index
      %get3A_1103 = tpu.vector_load %arg6[%get3A_1102] {strides = array<i32>} : memref<25600xi32, #tpu.memory_space<vmem>>, vector<16xi32>,
      %get3A_1104 = vector.shape_cast %get3A_1103 : vector<16xi32> to vector<16xi32>
      %lt3A_1105 = arith.cmpi slt, %rem3A_1101, %get3A_4 : vector<16xi32>
      %add3A_1106 = arith.constant 1 : i32
      %add3A_1107 = vector.broadcast %add3A_1106 : i32 to vector<16xi32>
      %add3A_1108 = arith.addi %get3A_1104, %add3A_1107 : vector<16xi32>
      %jit3A_1109 = arith.constant 0 : i32
      %broadcast_in_dim3A_1110 = vector.broadcast %jit3A_1109 : i32 to vector<16xi32>
      %select_n3A_1111 = arith.select %lt3A_1105, %add3A_1108, %broadcast_in_dim3A_1110 : vector<16xi1>, vector<16xi32>
      %swap3A_1112 = arith.index_cast %add3A_1095 : i32 to index
      %swap3A_1113 = tpu.vector_load %arg6[%swap3A_1112] {strides = array<i32>} : memref<25600xi32, #tpu.memory_space<vmem>>, vector<16xi32>,
      %swap3A_1114 = vector.shape_cast %swap3A_1113 : vector<16xi32> to vector<16xi32>
      %swap3A_1115 = vector.shape_cast %select_n3A_1111 : vector<16xi32> to vector<16xi32>
      tpu.vector_store %arg6[%swap3A_1112], %swap3A_1115 {strides = array<i32>} : memref<25600xi32, #tpu.memory_space<vmem>>, vector<16xi32>,
      %add3A_1116 = arith.constant 112 : i32
      %add3A_1117 = arith.addi %mul3A_961, %add3A_1116 : i32
      %add3A_1118 = arith.addi %mul3A_2, %add3A_1117 : i32
      %add3A_1119 = vector.broadcast %add3A_1118 : i32 to vector<16xi32>
      %add3A_1120 = arith.addi %add3A_1119, %iota3A : vector<16xi32>
      %rem3A_1121 = arith.constant 200 : i32
      %rem3A_1122 = vector.broadcast %rem3A_1121 : i32 to vector<16xi32>
      %rem3A_1123 = arith.remsi %add3A_1120, %rem3A_1122 : vector<16xi32>
      %get3A_1124 = arith.index_cast %add3A_1117 : i32 to index
      %get3A_1125 = tpu.vector_load %arg6[%get3A_1124] {strides = array<i32>} : memref<25600xi32, #tpu.memory_space<vmem>>, vector<16xi32>,
      %get3A_1126 = vector.shape_cast %get3A_1125 : vector<16xi32> to vector<16xi32>
      %lt3A_1127 = arith.cmpi slt, %rem3A_1123, %get3A_4 : vector<16xi32>
      %add3A_1128 = arith.constant 1 : i32
      %add3A_1129 = vector.broadcast %add3A_1128 : i32 to vector<16xi32>
      %add3A_1130 = arith.addi %get3A_1126, %add3A_1129 : vector<16xi32>
      %jit3A_1131 = arith.constant 0 : i32
      %broadcast_in_dim3A_1132 = vector.broadcast %jit3A_1131 : i32 to vector<16xi32>
      %select_n3A_1133 = arith.select %lt3A_1127, %add3A_1130, %broadcast_in_dim3A_1132 : vector<16xi1>, vector<16xi32>
      %swap3A_1134 = arith.index_cast %add3A_1117 : i32 to index
      %swap3A_1135 = tpu.vector_load %arg6[%swap3A_1134] {strides = array<i32>} : memref<25600xi32, #tpu.memory_space<vmem>>, vector<16xi32>,
      %swap3A_1136 = vector.shape_cast %swap3A_1135 : vector<16xi32> to vector<16xi32>
      %swap3A_1137 = vector.shape_cast %select_n3A_1133 : vector<16xi32> to vector<16xi32>
      tpu.vector_store %arg6[%swap3A_1134], %swap3A_1137 {strides = array<i32>} : memref<25600xi32, #tpu.memory_space<vmem>>, vector<16xi32>,
      %mul3A_1138 = arith.constant 128 : i32
      %mul3A_1139 = arith.muli %add3A_957, %mul3A_1138 : i32
      %dma_wait3A_1140 = tpu.memref_slice %arg6[%mul3A_1139] : memref<25600xi32, #tpu.memory_space<vmem>> -> memref<128xi32, #tpu.memory_space<vmem>>
      %dma_wait3A_1141 = arith.constant 0 : i32
      %dma_wait3A_1142 = arith.constant 0 : i32
      %dma_wait3A_1143 = tpu.memref_slice %arg4[%dma_wait3A_1141, %dma_wait3A_1142] : memref<100001x128xf32, #tpu.memory_space<hbm>> -> memref<100001x128xf32, #tpu.memory_space<hbm>>
      tpu.wait_indirect_dma semaphore(%arg13 : memref<!tpu.dma_semaphore, #tpu.memory_space<semaphore_mem>>) src(%dma_wait3A_1143 : memref<100001x128xf32, #tpu.memory_space<hbm>>) dst(%arg8 : memref<128x128xf32, #tpu.memory_space<vmem>>)
      %mul3A_1144 = arith.constant 128 : i32
      %mul3A_1145 = arith.muli %add3A_957, %mul3A_1144 : i32
      %add3A_1146 = arith.addi %mul3A_2, %mul3A_1145 : i32
      %dma_start3A_1147 = arith.constant 0 : i32
      %dma_start3A_1148 = tpu.memref_slice %arg5[%add3A_1146, %dma_start3A_1147] : memref<819200x128xf32, #tpu.memory_space<hbm>> -> memref<128x128xf32, #tpu.memory_space<hbm>>
      %dma_start3A_1149 = arith.constant 0 : i32
      %dma_start3A_1150 = tpu.memref_slice %arg5[%add3A_1146, %dma_start3A_1149] : memref<819200x128xf32, #tpu.memory_space<hbm>> -> memref<128x128xf32, #tpu.memory_space<hbm>>
      tpu.enqueue_dma source(%arg8 : memref<128x128xf32, #tpu.memory_space<vmem>>) target(%dma_start3A_1150 : memref<128x128xf32, #tpu.memory_space<hbm>>) target_semaphore(%arg18 : memref<!tpu.dma_semaphore, #tpu.memory_space<semaphore_mem>>)
      %mul3A_1151 = arith.constant 128 : i32
      %mul3A_1152 = arith.muli %add3A_957, %mul3A_1151 : i32
      %add3A_1153 = arith.addi %mul3A_2, %mul3A_1152 : i32
      %dma_wait3A_1154 = arith.constant 0 : i32
      %dma_wait3A_1155 = tpu.memref_slice %arg5[%add3A_1153, %dma_wait3A_1154] : memref<819200x128xf32, #tpu.memory_space<hbm>> -> memref<128x128xf32, #tpu.memory_space<hbm>>
      %dma_wait3A_1156 = arith.constant 0 : i32
      %dma_wait3A_1157 = tpu.memref_slice %arg5[%add3A_1153, %dma_wait3A_1156] : memref<819200x128xf32, #tpu.memory_space<hbm>> -> memref<128x128xf32, #tpu.memory_space<hbm>>
      tpu.wait_dma2 semaphore(%arg18 : memref<!tpu.dma_semaphore, #tpu.memory_space<semaphore_mem>>) src(%arg8 : memref<128x128xf32, #tpu.memory_space<vmem>>) dst(%dma_wait3A_1157 : memref<128x128xf32, #tpu.memory_space<hbm>>)
      %add3A_1158 = arith.constant 5 : i32
      %add3A_1159 = arith.addi %add3A_957, %add3A_1158 : i32
      %mul3A_1160 = arith.constant 128 : i32
      %mul3A_1161 = arith.muli %add3A_1159, %mul3A_1160 : i32
      %dma_start3A_1162 = tpu.memref_slice %arg6[%mul3A_1161] : memref<25600xi32, #tpu.memory_space<vmem>> -> memref<128xi32, #tpu.memory_space<vmem>>
      %dma_start3A_1163 = arith.constant 0 : i32
      %dma_start3A_1164 = arith.constant 0 : i32
      %dma_start3A_1165 = tpu.memref_slice %arg4[%dma_start3A_1163, %dma_start3A_1164] : memref<100001x128xf32, #tpu.memory_space<hbm>> -> memref<100001x128xf32, #tpu.memory_space<hbm>>
      tpu.enqueue_indirect_dma source(%dma_start3A_1165 : memref<100001x128xf32, #tpu.memory_space<hbm>>) target(%arg8 : memref<128x128xf32, #tpu.memory_space<vmem>>) offsets(%dma_start3A_1162 : memref<128xi32, #tpu.memory_space<vmem>>) semaphore(%arg13 : memref<!tpu.dma_semaphore, #tpu.memory_space<semaphore_mem>>)
      %add3A_1166 = arith.constant 1 : i32
      %add3A_1167 = arith.addi %add3A_955, %add3A_1166 : i32
      %add3A_1168 = arith.constant 5 : i32
      %add3A_1169 = arith.addi %add3A_1167, %add3A_1168 : i32
      %mul3A_1170 = arith.constant 128 : i32
      %mul3A_1171 = arith.muli %add3A_1169, %mul3A_1170 : i32
      %add3A_1172 = arith.constant 0 : i32
      %add3A_1173 = arith.addi %mul3A_1171, %add3A_1172 : i32
      %add3A_1174 = arith.addi %mul3A_2, %add3A_1173 : i32
      %add3A_1175 = vector.broadcast %add3A_1174 : i32 to vector<16xi32>
      %add3A_1176 = arith.addi %add3A_1175, %iota3A : vector<16xi32>
      %rem3A_1177 = arith.constant 200 : i32
      %rem3A_1178 = vector.broadcast %rem3A_1177 : i32 to vector<16xi32>
      %rem3A_1179 = arith.remsi %add3A_1176, %rem3A_1178 : vector<16xi32>
      %get3A_1180 = arith.index_cast %add3A_1173 : i32 to index
      %get3A_1181 = tpu.vector_load %arg6[%get3A_1180] {strides = array<i32>} : memref<25600xi32, #tpu.memory_space<vmem>>, vector<16xi32>,
      %get3A_1182 = vector.shape_cast %get3A_1181 : vector<16xi32> to vector<16xi32>
      %lt3A_1183 = arith.cmpi slt, %rem3A_1179, %get3A_4 : vector<16xi32>
      %add3A_1184 = arith.constant 1 : i32
      %add3A_1185 = vector.broadcast %add3A_1184 : i32 to vector<16xi32>
      %add3A_1186 = arith.addi %get3A_1182, %add3A_1185 : vector<16xi32>
      %jit3A_1187 = arith.constant 0 : i32
      %broadcast_in_dim3A_1188 = vector.broadcast %jit3A_1187 : i32 to vector<16xi32>
      %select_n3A_1189 = arith.select %lt3A_1183, %add3A_1186, %broadcast_in_dim3A_1188 : vector<16xi1>, vector<16xi32>
      %swap3A_1190 = arith.index_cast %add3A_1173 : i32 to index
      %swap3A_1191 = tpu.vector_load %arg6[%swap3A_1190] {strides = array<i32>} : memref<25600xi32, #tpu.memory_space<vmem>>, vector<16xi32>,
      %swap3A_1192 = vector.shape_cast %swap3A_1191 : vector<16xi32> to vector<16xi32>
      %swap3A_1193 = vector.shape_cast %select_n3A_1189 : vector<16xi32> to vector<16xi32>
      tpu.vector_store %arg6[%swap3A_1190], %swap3A_1193 {strides = array<i32>} : memref<25600xi32, #tpu.memory_space<vmem>>, vector<16xi32>,
      %add3A_1194 = arith.constant 16 : i32
      %add3A_1195 = arith.addi %mul3A_1171, %add3A_1194 : i32
      %add3A_1196 = arith.addi %mul3A_2, %add3A_1195 : i32
      %add3A_1197 = vector.broadcast %add3A_1196 : i32 to vector<16xi32>
      %add3A_1198 = arith.addi %add3A_1197, %iota3A : vector<16xi32>
      %rem3A_1199 = arith.constant 200 : i32
      %rem3A_1200 = vector.broadcast %rem3A_1199 : i32 to vector<16xi32>
      %rem3A_1201 = arith.remsi %add3A_1198, %rem3A_1200 : vector<16xi32>
      %get3A_1202 = arith.index_cast %add3A_1195 : i32 to index
      %get3A_1203 = tpu.vector_load %arg6[%get3A_1202] {strides = array<i32>} : memref<25600xi32, #tpu.memory_space<vmem>>, vector<16xi32>,
      %get3A_1204 = vector.shape_cast %get3A_1203 : vector<16xi32> to vector<16xi32>
      %lt3A_1205 = arith.cmpi slt, %rem3A_1201, %get3A_4 : vector<16xi32>
      %add3A_1206 = arith.constant 1 : i32
      %add3A_1207 = vector.broadcast %add3A_1206 : i32 to vector<16xi32>
      %add3A_1208 = arith.addi %get3A_1204, %add3A_1207 : vector<16xi32>
      %jit3A_1209 = arith.constant 0 : i32
      %broadcast_in_dim3A_1210 = vector.broadcast %jit3A_1209 : i32 to vector<16xi32>
      %select_n3A_1211 = arith.select %lt3A_1205, %add3A_1208, %broadcast_in_dim3A_1210 : vector<16xi1>, vector<16xi32>
      %swap3A_1212 = arith.index_cast %add3A_1195 : i32 to index
      %swap3A_1213 = tpu.vector_load %arg6[%swap3A_1212] {strides = array<i32>} : memref<25600xi32, #tpu.memory_space<vmem>>, vector<16xi32>,
      %swap3A_1214 = vector.shape_cast %swap3A_1213 : vector<16xi32> to vector<16xi32>
      %swap3A_1215 = vector.shape_cast %select_n3A_1211 : vector<16xi32> to vector<16xi32>
      tpu.vector_store %arg6[%swap3A_1212], %swap3A_1215 {strides = array<i32>} : memref<25600xi32, #tpu.memory_space<vmem>>, vector<16xi32>,
      %add3A_1216 = arith.constant 32 : i32
      %add3A_1217 = arith.addi %mul3A_1171, %add3A_1216 : i32
      %add3A_1218 = arith.addi %mul3A_2, %add3A_1217 : i32
      %add3A_1219 = vector.broadcast %add3A_1218 : i32 to vector<16xi32>
      %add3A_1220 = arith.addi %add3A_1219, %iota3A : vector<16xi32>
      %rem3A_1221 = arith.constant 200 : i32
      %rem3A_1222 = vector.broadcast %rem3A_1221 : i32 to vector<16xi32>
      %rem3A_1223 = arith.remsi %add3A_1220, %rem3A_1222 : vector<16xi32>
      %get3A_1224 = arith.index_cast %add3A_1217 : i32 to index
      %get3A_1225 = tpu.vector_load %arg6[%get3A_1224] {strides = array<i32>} : memref<25600xi32, #tpu.memory_space<vmem>>, vector<16xi32>,
      %get3A_1226 = vector.shape_cast %get3A_1225 : vector<16xi32> to vector<16xi32>
      %lt3A_1227 = arith.cmpi slt, %rem3A_1223, %get3A_4 : vector<16xi32>
      %add3A_1228 = arith.constant 1 : i32
      %add3A_1229 = vector.broadcast %add3A_1228 : i32 to vector<16xi32>
      %add3A_1230 = arith.addi %get3A_1226, %add3A_1229 : vector<16xi32>
      %jit3A_1231 = arith.constant 0 : i32
      %broadcast_in_dim3A_1232 = vector.broadcast %jit3A_1231 : i32 to vector<16xi32>
      %select_n3A_1233 = arith.select %lt3A_1227, %add3A_1230, %broadcast_in_dim3A_1232 : vector<16xi1>, vector<16xi32>
      %swap3A_1234 = arith.index_cast %add3A_1217 : i32 to index
      %swap3A_1235 = tpu.vector_load %arg6[%swap3A_1234] {strides = array<i32>} : memref<25600xi32, #tpu.memory_space<vmem>>, vector<16xi32>,
      %swap3A_1236 = vector.shape_cast %swap3A_1235 : vector<16xi32> to vector<16xi32>
      %swap3A_1237 = vector.shape_cast %select_n3A_1233 : vector<16xi32> to vector<16xi32>
      tpu.vector_store %arg6[%swap3A_1234], %swap3A_1237 {strides = array<i32>} : memref<25600xi32, #tpu.memory_space<vmem>>, vector<16xi32>,
      %add3A_1238 = arith.constant 48 : i32
      %add3A_1239 = arith.addi %mul3A_1171, %add3A_1238 : i32
      %add3A_1240 = arith.addi %mul3A_2, %add3A_1239 : i32
      %add3A_1241 = vector.broadcast %add3A_1240 : i32 to vector<16xi32>
      %add3A_1242 = arith.addi %add3A_1241, %iota3A : vector<16xi32>
      %rem3A_1243 = arith.constant 200 : i32
      %rem3A_1244 = vector.broadcast %rem3A_1243 : i32 to vector<16xi32>
      %rem3A_1245 = arith.remsi %add3A_1242, %rem3A_1244 : vector<16xi32>
      %get3A_1246 = arith.index_cast %add3A_1239 : i32 to index
      %get3A_1247 = tpu.vector_load %arg6[%get3A_1246] {strides = array<i32>} : memref<25600xi32, #tpu.memory_space<vmem>>, vector<16xi32>,
      %get3A_1248 = vector.shape_cast %get3A_1247 : vector<16xi32> to vector<16xi32>
      %lt3A_1249 = arith.cmpi slt, %rem3A_1245, %get3A_4 : vector<16xi32>
      %add3A_1250 = arith.constant 1 : i32
      %add3A_1251 = vector.broadcast %add3A_1250 : i32 to vector<16xi32>
      %add3A_1252 = arith.addi %get3A_1248, %add3A_1251 : vector<16xi32>
      %jit3A_1253 = arith.constant 0 : i32
      %broadcast_in_dim3A_1254 = vector.broadcast %jit3A_1253 : i32 to vector<16xi32>
      %select_n3A_1255 = arith.select %lt3A_1249, %add3A_1252, %broadcast_in_dim3A_1254 : vector<16xi1>, vector<16xi32>
      %swap3A_1256 = arith.index_cast %add3A_1239 : i32 to index
      %swap3A_1257 = tpu.vector_load %arg6[%swap3A_1256] {strides = array<i32>} : memref<25600xi32, #tpu.memory_space<vmem>>, vector<16xi32>,
      %swap3A_1258 = vector.shape_cast %swap3A_1257 : vector<16xi32> to vector<16xi32>
      %swap3A_1259 = vector.shape_cast %select_n3A_1255 : vector<16xi32> to vector<16xi32>
      tpu.vector_store %arg6[%swap3A_1256], %swap3A_1259 {strides = array<i32>} : memref<25600xi32, #tpu.memory_space<vmem>>, vector<16xi32>,
      %add3A_1260 = arith.constant 64 : i32
      %add3A_1261 = arith.addi %mul3A_1171, %add3A_1260 : i32
      %add3A_1262 = arith.addi %mul3A_2, %add3A_1261 : i32
      %add3A_1263 = vector.broadcast %add3A_1262 : i32 to vector<16xi32>
      %add3A_1264 = arith.addi %add3A_1263, %iota3A : vector<16xi32>
      %rem3A_1265 = arith.constant 200 : i32
      %rem3A_1266 = vector.broadcast %rem3A_1265 : i32 to vector<16xi32>
      %rem3A_1267 = arith.remsi %add3A_1264, %rem3A_1266 : vector<16xi32>
      %get3A_1268 = arith.index_cast %add3A_1261 : i32 to index
      %get3A_1269 = tpu.vector_load %arg6[%get3A_1268] {strides = array<i32>} : memref<25600xi32, #tpu.memory_space<vmem>>, vector<16xi32>,
      %get3A_1270 = vector.shape_cast %get3A_1269 : vector<16xi32> to vector<16xi32>
      %lt3A_1271 = arith.cmpi slt, %rem3A_1267, %get3A_4 : vector<16xi32>
      %add3A_1272 = arith.constant 1 : i32
      %add3A_1273 = vector.broadcast %add3A_1272 : i32 to vector<16xi32>
      %add3A_1274 = arith.addi %get3A_1270, %add3A_1273 : vector<16xi32>
      %jit3A_1275 = arith.constant 0 : i32
      %broadcast_in_dim3A_1276 = vector.broadcast %jit3A_1275 : i32 to vector<16xi32>
      %select_n3A_1277 = arith.select %lt3A_1271, %add3A_1274, %broadcast_in_dim3A_1276 : vector<16xi1>, vector<16xi32>
      %swap3A_1278 = arith.index_cast %add3A_1261 : i32 to index
      %swap3A_1279 = tpu.vector_load %arg6[%swap3A_1278] {strides = array<i32>} : memref<25600xi32, #tpu.memory_space<vmem>>, vector<16xi32>,
      %swap3A_1280 = vector.shape_cast %swap3A_1279 : vector<16xi32> to vector<16xi32>
      %swap3A_1281 = vector.shape_cast %select_n3A_1277 : vector<16xi32> to vector<16xi32>
      tpu.vector_store %arg6[%swap3A_1278], %swap3A_1281 {strides = array<i32>} : memref<25600xi32, #tpu.memory_space<vmem>>, vector<16xi32>,
      %add3A_1282 = arith.constant 80 : i32
      %add3A_1283 = arith.addi %mul3A_1171, %add3A_1282 : i32
      %add3A_1284 = arith.addi %mul3A_2, %add3A_1283 : i32
      %add3A_1285 = vector.broadcast %add3A_1284 : i32 to vector<16xi32>
      %add3A_1286 = arith.addi %add3A_1285, %iota3A : vector<16xi32>
      %rem3A_1287 = arith.constant 200 : i32
      %rem3A_1288 = vector.broadcast %rem3A_1287 : i32 to vector<16xi32>
      %rem3A_1289 = arith.remsi %add3A_1286, %rem3A_1288 : vector<16xi32>
      %get3A_1290 = arith.index_cast %add3A_1283 : i32 to index
      %get3A_1291 = tpu.vector_load %arg6[%get3A_1290] {strides = array<i32>} : memref<25600xi32, #tpu.memory_space<vmem>>, vector<16xi32>,
      %get3A_1292 = vector.shape_cast %get3A_1291 : vector<16xi32> to vector<16xi32>
      %lt3A_1293 = arith.cmpi slt, %rem3A_1289, %get3A_4 : vector<16xi32>
      %add3A_1294 = arith.constant 1 : i32
      %add3A_1295 = vector.broadcast %add3A_1294 : i32 to vector<16xi32>
      %add3A_1296 = arith.addi %get3A_1292, %add3A_1295 : vector<16xi32>
      %jit3A_1297 = arith.constant 0 : i32
      %broadcast_in_dim3A_1298 = vector.broadcast %jit3A_1297 : i32 to vector<16xi32>
      %select_n3A_1299 = arith.select %lt3A_1293, %add3A_1296, %broadcast_in_dim3A_1298 : vector<16xi1>, vector<16xi32>
      %swap3A_1300 = arith.index_cast %add3A_1283 : i32 to index
      %swap3A_1301 = tpu.vector_load %arg6[%swap3A_1300] {strides = array<i32>} : memref<25600xi32, #tpu.memory_space<vmem>>, vector<16xi32>,
      %swap3A_1302 = vector.shape_cast %swap3A_1301 : vector<16xi32> to vector<16xi32>
      %swap3A_1303 = vector.shape_cast %select_n3A_1299 : vector<16xi32> to vector<16xi32>
      tpu.vector_store %arg6[%swap3A_1300], %swap3A_1303 {strides = array<i32>} : memref<25600xi32, #tpu.memory_space<vmem>>, vector<16xi32>,
      %add3A_1304 = arith.constant 96 : i32
      %add3A_1305 = arith.addi %mul3A_1171, %add3A_1304 : i32
      %add3A_1306 = arith.addi %mul3A_2, %add3A_1305 : i32
      %add3A_1307 = vector.broadcast %add3A_1306 : i32 to vector<16xi32>
      %add3A_1308 = arith.addi %add3A_1307, %iota3A : vector<16xi32>
      %rem3A_1309 = arith.constant 200 : i32
      %rem3A_1310 = vector.broadcast %rem3A_1309 : i32 to vector<16xi32>
      %rem3A_1311 = arith.remsi %add3A_1308, %rem3A_1310 : vector<16xi32>
      %get3A_1312 = arith.index_cast %add3A_1305 : i32 to index
      %get3A_1313 = tpu.vector_load %arg6[%get3A_1312] {strides = array<i32>} : memref<25600xi32, #tpu.memory_space<vmem>>, vector<16xi32>,
      %get3A_1314 = vector.shape_cast %get3A_1313 : vector<16xi32> to vector<16xi32>
      %lt3A_1315 = arith.cmpi slt, %rem3A_1311, %get3A_4 : vector<16xi32>
      %add3A_1316 = arith.constant 1 : i32
      %add3A_1317 = vector.broadcast %add3A_1316 : i32 to vector<16xi32>
      %add3A_1318 = arith.addi %get3A_1314, %add3A_1317 : vector<16xi32>
      %jit3A_1319 = arith.constant 0 : i32
      %broadcast_in_dim3A_1320 = vector.broadcast %jit3A_1319 : i32 to vector<16xi32>
      %select_n3A_1321 = arith.select %lt3A_1315, %add3A_1318, %broadcast_in_dim3A_1320 : vector<16xi1>, vector<16xi32>
      %swap3A_1322 = arith.index_cast %add3A_1305 : i32 to index
      %swap3A_1323 = tpu.vector_load %arg6[%swap3A_1322] {strides = array<i32>} : memref<25600xi32, #tpu.memory_space<vmem>>, vector<16xi32>,
      %swap3A_1324 = vector.shape_cast %swap3A_1323 : vector<16xi32> to vector<16xi32>
      %swap3A_1325 = vector.shape_cast %select_n3A_1321 : vector<16xi32> to vector<16xi32>
      tpu.vector_store %arg6[%swap3A_1322], %swap3A_1325 {strides = array<i32>} : memref<25600xi32, #tpu.memory_space<vmem>>, vector<16xi32>,
      %add3A_1326 = arith.constant 112 : i32
      %add3A_1327 = arith.addi %mul3A_1171, %add3A_1326 : i32
      %add3A_1328 = arith.addi %mul3A_2, %add3A_1327 : i32
      %add3A_1329 = vector.broadcast %add3A_1328 : i32 to vector<16xi32>
      %add3A_1330 = arith.addi %add3A_1329, %iota3A : vector<16xi32>
      %rem3A_1331 = arith.constant 200 : i32
      %rem3A_1332 = vector.broadcast %rem3A_1331 : i32 to vector<16xi32>
      %rem3A_1333 = arith.remsi %add3A_1330, %rem3A_1332 : vector<16xi32>
      %get3A_1334 = arith.index_cast %add3A_1327 : i32 to index
      %get3A_1335 = tpu.vector_load %arg6[%get3A_1334] {strides = array<i32>} : memref<25600xi32, #tpu.memory_space<vmem>>, vector<16xi32>,
      %get3A_1336 = vector.shape_cast %get3A_1335 : vector<16xi32> to vector<16xi32>
      %lt3A_1337 = arith.cmpi slt, %rem3A_1333, %get3A_4 : vector<16xi32>
      %add3A_1338 = arith.constant 1 : i32
      %add3A_1339 = vector.broadcast %add3A_1338 : i32 to vector<16xi32>
      %add3A_1340 = arith.addi %get3A_1336, %add3A_1339 : vector<16xi32>
      %jit3A_1341 = arith.constant 0 : i32
      %broadcast_in_dim3A_1342 = vector.broadcast %jit3A_1341 : i32 to vector<16xi32>
      %select_n3A_1343 = arith.select %lt3A_1337, %add3A_1340, %broadcast_in_dim3A_1342 : vector<16xi1>, vector<16xi32>
      %swap3A_1344 = arith.index_cast %add3A_1327 : i32 to index
      %swap3A_1345 = tpu.vector_load %arg6[%swap3A_1344] {strides = array<i32>} : memref<25600xi32, #tpu.memory_space<vmem>>, vector<16xi32>,
      %swap3A_1346 = vector.shape_cast %swap3A_1345 : vector<16xi32> to vector<16xi32>
      %swap3A_1347 = vector.shape_cast %select_n3A_1343 : vector<16xi32> to vector<16xi32>
      tpu.vector_store %arg6[%swap3A_1344], %swap3A_1347 {strides = array<i32>} : memref<25600xi32, #tpu.memory_space<vmem>>, vector<16xi32>,
      %mul3A_1348 = arith.constant 128 : i32
      %mul3A_1349 = arith.muli %add3A_1167, %mul3A_1348 : i32
      %dma_wait3A_1350 = tpu.memref_slice %arg6[%mul3A_1349] : memref<25600xi32, #tpu.memory_space<vmem>> -> memref<128xi32, #tpu.memory_space<vmem>>
      %dma_wait3A_1351 = arith.constant 0 : i32
      %dma_wait3A_1352 = arith.constant 0 : i32
      %dma_wait3A_1353 = tpu.memref_slice %arg4[%dma_wait3A_1351, %dma_wait3A_1352] : memref<100001x128xf32, #tpu.memory_space<hbm>> -> memref<100001x128xf32, #tpu.memory_space<hbm>>
      tpu.wait_indirect_dma semaphore(%arg14 : memref<!tpu.dma_semaphore, #tpu.memory_space<semaphore_mem>>) src(%dma_wait3A_1353 : memref<100001x128xf32, #tpu.memory_space<hbm>>) dst(%arg9 : memref<128x128xf32, #tpu.memory_space<vmem>>)
      %mul3A_1354 = arith.constant 128 : i32
      %mul3A_1355 = arith.muli %add3A_1167, %mul3A_1354 : i32
      %add3A_1356 = arith.addi %mul3A_2, %mul3A_1355 : i32
      %dma_start3A_1357 = arith.constant 0 : i32
      %dma_start3A_1358 = tpu.memref_slice %arg5[%add3A_1356, %dma_start3A_1357] : memref<819200x128xf32, #tpu.memory_space<hbm>> -> memref<128x128xf32, #tpu.memory_space<hbm>>
      %dma_start3A_1359 = arith.constant 0 : i32
      %dma_start3A_1360 = tpu.memref_slice %arg5[%add3A_1356, %dma_start3A_1359] : memref<819200x128xf32, #tpu.memory_space<hbm>> -> memref<128x128xf32, #tpu.memory_space<hbm>>
      tpu.enqueue_dma source(%arg9 : memref<128x128xf32, #tpu.memory_space<vmem>>) target(%dma_start3A_1360 : memref<128x128xf32, #tpu.memory_space<hbm>>) target_semaphore(%arg19 : memref<!tpu.dma_semaphore, #tpu.memory_space<semaphore_mem>>)
      %mul3A_1361 = arith.constant 128 : i32
      %mul3A_1362 = arith.muli %add3A_1167, %mul3A_1361 : i32
      %add3A_1363 = arith.addi %mul3A_2, %mul3A_1362 : i32
      %dma_wait3A_1364 = arith.constant 0 : i32
      %dma_wait3A_1365 = tpu.memref_slice %arg5[%add3A_1363, %dma_wait3A_1364] : memref<819200x128xf32, #tpu.memory_space<hbm>> -> memref<128x128xf32, #tpu.memory_space<hbm>>
      %dma_wait3A_1366 = arith.constant 0 : i32
      %dma_wait3A_1367 = tpu.memref_slice %arg5[%add3A_1363, %dma_wait3A_1366] : memref<819200x128xf32, #tpu.memory_space<hbm>> -> memref<128x128xf32, #tpu.memory_space<hbm>>
      tpu.wait_dma2 semaphore(%arg19 : memref<!tpu.dma_semaphore, #tpu.memory_space<semaphore_mem>>) src(%arg9 : memref<128x128xf32, #tpu.memory_space<vmem>>) dst(%dma_wait3A_1367 : memref<128x128xf32, #tpu.memory_space<hbm>>)
      %add3A_1368 = arith.constant 5 : i32
      %add3A_1369 = arith.addi %add3A_1167, %add3A_1368 : i32
      %mul3A_1370 = arith.constant 128 : i32
      %mul3A_1371 = arith.muli %add3A_1369, %mul3A_1370 : i32
      %dma_start3A_1372 = tpu.memref_slice %arg6[%mul3A_1371] : memref<25600xi32, #tpu.memory_space<vmem>> -> memref<128xi32, #tpu.memory_space<vmem>>
      %dma_start3A_1373 = arith.constant 0 : i32
      %dma_start3A_1374 = arith.constant 0 : i32
      %dma_start3A_1375 = tpu.memref_slice %arg4[%dma_start3A_1373, %dma_start3A_1374] : memref<100001x128xf32, #tpu.memory_space<hbm>> -> memref<100001x128xf32, #tpu.memory_space<hbm>>
      tpu.enqueue_indirect_dma source(%dma_start3A_1375 : memref<100001x128xf32, #tpu.memory_space<hbm>>) target(%arg9 : memref<128x128xf32, #tpu.memory_space<vmem>>) offsets(%dma_start3A_1372 : memref<128xi32, #tpu.memory_space<vmem>>) semaphore(%arg14 : memref<!tpu.dma_semaphore, #tpu.memory_space<semaphore_mem>>)
      %add3A_1376 = arith.constant 2 : i32
      %add3A_1377 = arith.addi %add3A_955, %add3A_1376 : i32
      %add3A_1378 = arith.constant 5 : i32
      %add3A_1379 = arith.addi %add3A_1377, %add3A_1378 : i32
      %mul3A_1380 = arith.constant 128 : i32
      %mul3A_1381 = arith.muli %add3A_1379, %mul3A_1380 : i32
      %add3A_1382 = arith.constant 0 : i32
      %add3A_1383 = arith.addi %mul3A_1381, %add3A_1382 : i32
      %add3A_1384 = arith.addi %mul3A_2, %add3A_1383 : i32
      %add3A_1385 = vector.broadcast %add3A_1384 : i32 to vector<16xi32>
      %add3A_1386 = arith.addi %add3A_1385, %iota3A : vector<16xi32>
      %rem3A_1387 = arith.constant 200 : i32
      %rem3A_1388 = vector.broadcast %rem3A_1387 : i32 to vector<16xi32>
      %rem3A_1389 = arith.remsi %add3A_1386, %rem3A_1388 : vector<16xi32>
      %get3A_1390 = arith.index_cast %add3A_1383 : i32 to index
      %get3A_1391 = tpu.vector_load %arg6[%get3A_1390] {strides = array<i32>} : memref<25600xi32, #tpu.memory_space<vmem>>, vector<16xi32>,
      %get3A_1392 = vector.shape_cast %get3A_1391 : vector<16xi32> to vector<16xi32>
      %lt3A_1393 = arith.cmpi slt, %rem3A_1389, %get3A_4 : vector<16xi32>
      %add3A_1394 = arith.constant 1 : i32
      %add3A_1395 = vector.broadcast %add3A_1394 : i32 to vector<16xi32>
      %add3A_1396 = arith.addi %get3A_1392, %add3A_1395 : vector<16xi32>
      %jit3A_1397 = arith.constant 0 : i32
      %broadcast_in_dim3A_1398 = vector.broadcast %jit3A_1397 : i32 to vector<16xi32>
      %select_n3A_1399 = arith.select %lt3A_1393, %add3A_1396, %broadcast_in_dim3A_1398 : vector<16xi1>, vector<16xi32>
      %swap3A_1400 = arith.index_cast %add3A_1383 : i32 to index
      %swap3A_1401 = tpu.vector_load %arg6[%swap3A_1400] {strides = array<i32>} : memref<25600xi32, #tpu.memory_space<vmem>>, vector<16xi32>,
      %swap3A_1402 = vector.shape_cast %swap3A_1401 : vector<16xi32> to vector<16xi32>
      %swap3A_1403 = vector.shape_cast %select_n3A_1399 : vector<16xi32> to vector<16xi32>
      tpu.vector_store %arg6[%swap3A_1400], %swap3A_1403 {strides = array<i32>} : memref<25600xi32, #tpu.memory_space<vmem>>, vector<16xi32>,
      %add3A_1404 = arith.constant 16 : i32
      %add3A_1405 = arith.addi %mul3A_1381, %add3A_1404 : i32
      %add3A_1406 = arith.addi %mul3A_2, %add3A_1405 : i32
      %add3A_1407 = vector.broadcast %add3A_1406 : i32 to vector<16xi32>
      %add3A_1408 = arith.addi %add3A_1407, %iota3A : vector<16xi32>
      %rem3A_1409 = arith.constant 200 : i32
      %rem3A_1410 = vector.broadcast %rem3A_1409 : i32 to vector<16xi32>
      %rem3A_1411 = arith.remsi %add3A_1408, %rem3A_1410 : vector<16xi32>
      %get3A_1412 = arith.index_cast %add3A_1405 : i32 to index
      %get3A_1413 = tpu.vector_load %arg6[%get3A_1412] {strides = array<i32>} : memref<25600xi32, #tpu.memory_space<vmem>>, vector<16xi32>,
      %get3A_1414 = vector.shape_cast %get3A_1413 : vector<16xi32> to vector<16xi32>
      %lt3A_1415 = arith.cmpi slt, %rem3A_1411, %get3A_4 : vector<16xi32>
      %add3A_1416 = arith.constant 1 : i32
      %add3A_1417 = vector.broadcast %add3A_1416 : i32 to vector<16xi32>
      %add3A_1418 = arith.addi %get3A_1414, %add3A_1417 : vector<16xi32>
      %jit3A_1419 = arith.constant 0 : i32
      %broadcast_in_dim3A_1420 = vector.broadcast %jit3A_1419 : i32 to vector<16xi32>
      %select_n3A_1421 = arith.select %lt3A_1415, %add3A_1418, %broadcast_in_dim3A_1420 : vector<16xi1>, vector<16xi32>
      %swap3A_1422 = arith.index_cast %add3A_1405 : i32 to index
      %swap3A_1423 = tpu.vector_load %arg6[%swap3A_1422] {strides = array<i32>} : memref<25600xi32, #tpu.memory_space<vmem>>, vector<16xi32>,
      %swap3A_1424 = vector.shape_cast %swap3A_1423 : vector<16xi32> to vector<16xi32>
      %swap3A_1425 = vector.shape_cast %select_n3A_1421 : vector<16xi32> to vector<16xi32>
      tpu.vector_store %arg6[%swap3A_1422], %swap3A_1425 {strides = array<i32>} : memref<25600xi32, #tpu.memory_space<vmem>>, vector<16xi32>,
      %add3A_1426 = arith.constant 32 : i32
      %add3A_1427 = arith.addi %mul3A_1381, %add3A_1426 : i32
      %add3A_1428 = arith.addi %mul3A_2, %add3A_1427 : i32
      %add3A_1429 = vector.broadcast %add3A_1428 : i32 to vector<16xi32>
      %add3A_1430 = arith.addi %add3A_1429, %iota3A : vector<16xi32>
      %rem3A_1431 = arith.constant 200 : i32
      %rem3A_1432 = vector.broadcast %rem3A_1431 : i32 to vector<16xi32>
      %rem3A_1433 = arith.remsi %add3A_1430, %rem3A_1432 : vector<16xi32>
      %get3A_1434 = arith.index_cast %add3A_1427 : i32 to index
      %get3A_1435 = tpu.vector_load %arg6[%get3A_1434] {strides = array<i32>} : memref<25600xi32, #tpu.memory_space<vmem>>, vector<16xi32>,
      %get3A_1436 = vector.shape_cast %get3A_1435 : vector<16xi32> to vector<16xi32>
      %lt3A_1437 = arith.cmpi slt, %rem3A_1433, %get3A_4 : vector<16xi32>
      %add3A_1438 = arith.constant 1 : i32
      %add3A_1439 = vector.broadcast %add3A_1438 : i32 to vector<16xi32>
      %add3A_1440 = arith.addi %get3A_1436, %add3A_1439 : vector<16xi32>
      %jit3A_1441 = arith.constant 0 : i32
      %broadcast_in_dim3A_1442 = vector.broadcast %jit3A_1441 : i32 to vector<16xi32>
      %select_n3A_1443 = arith.select %lt3A_1437, %add3A_1440, %broadcast_in_dim3A_1442 : vector<16xi1>, vector<16xi32>
      %swap3A_1444 = arith.index_cast %add3A_1427 : i32 to index
      %swap3A_1445 = tpu.vector_load %arg6[%swap3A_1444] {strides = array<i32>} : memref<25600xi32, #tpu.memory_space<vmem>>, vector<16xi32>,
      %swap3A_1446 = vector.shape_cast %swap3A_1445 : vector<16xi32> to vector<16xi32>
      %swap3A_1447 = vector.shape_cast %select_n3A_1443 : vector<16xi32> to vector<16xi32>
      tpu.vector_store %arg6[%swap3A_1444], %swap3A_1447 {strides = array<i32>} : memref<25600xi32, #tpu.memory_space<vmem>>, vector<16xi32>,
      %add3A_1448 = arith.constant 48 : i32
      %add3A_1449 = arith.addi %mul3A_1381, %add3A_1448 : i32
      %add3A_1450 = arith.addi %mul3A_2, %add3A_1449 : i32
      %add3A_1451 = vector.broadcast %add3A_1450 : i32 to vector<16xi32>
      %add3A_1452 = arith.addi %add3A_1451, %iota3A : vector<16xi32>
      %rem3A_1453 = arith.constant 200 : i32
      %rem3A_1454 = vector.broadcast %rem3A_1453 : i32 to vector<16xi32>
      %rem3A_1455 = arith.remsi %add3A_1452, %rem3A_1454 : vector<16xi32>
      %get3A_1456 = arith.index_cast %add3A_1449 : i32 to index
      %get3A_1457 = tpu.vector_load %arg6[%get3A_1456] {strides = array<i32>} : memref<25600xi32, #tpu.memory_space<vmem>>, vector<16xi32>,
      %get3A_1458 = vector.shape_cast %get3A_1457 : vector<16xi32> to vector<16xi32>
      %lt3A_1459 = arith.cmpi slt, %rem3A_1455, %get3A_4 : vector<16xi32>
      %add3A_1460 = arith.constant 1 : i32
      %add3A_1461 = vector.broadcast %add3A_1460 : i32 to vector<16xi32>
      %add3A_1462 = arith.addi %get3A_1458, %add3A_1461 : vector<16xi32>
      %jit3A_1463 = arith.constant 0 : i32
      %broadcast_in_dim3A_1464 = vector.broadcast %jit3A_1463 : i32 to vector<16xi32>
      %select_n3A_1465 = arith.select %lt3A_1459, %add3A_1462, %broadcast_in_dim3A_1464 : vector<16xi1>, vector<16xi32>
      %swap3A_1466 = arith.index_cast %add3A_1449 : i32 to index
      %swap3A_1467 = tpu.vector_load %arg6[%swap3A_1466] {strides = array<i32>} : memref<25600xi32, #tpu.memory_space<vmem>>, vector<16xi32>,
      %swap3A_1468 = vector.shape_cast %swap3A_1467 : vector<16xi32> to vector<16xi32>
      %swap3A_1469 = vector.shape_cast %select_n3A_1465 : vector<16xi32> to vector<16xi32>
      tpu.vector_store %arg6[%swap3A_1466], %swap3A_1469 {strides = array<i32>} : memref<25600xi32, #tpu.memory_space<vmem>>, vector<16xi32>,
      %add3A_1470 = arith.constant 64 : i32
      %add3A_1471 = arith.addi %mul3A_1381, %add3A_1470 : i32
      %add3A_1472 = arith.addi %mul3A_2, %add3A_1471 : i32
      %add3A_1473 = vector.broadcast %add3A_1472 : i32 to vector<16xi32>
      %add3A_1474 = arith.addi %add3A_1473, %iota3A : vector<16xi32>
      %rem3A_1475 = arith.constant 200 : i32
      %rem3A_1476 = vector.broadcast %rem3A_1475 : i32 to vector<16xi32>
      %rem3A_1477 = arith.remsi %add3A_1474, %rem3A_1476 : vector<16xi32>
      %get3A_1478 = arith.index_cast %add3A_1471 : i32 to index
      %get3A_1479 = tpu.vector_load %arg6[%get3A_1478] {strides = array<i32>} : memref<25600xi32, #tpu.memory_space<vmem>>, vector<16xi32>,
      %get3A_1480 = vector.shape_cast %get3A_1479 : vector<16xi32> to vector<16xi32>
      %lt3A_1481 = arith.cmpi slt, %rem3A_1477, %get3A_4 : vector<16xi32>
      %add3A_1482 = arith.constant 1 : i32
      %add3A_1483 = vector.broadcast %add3A_1482 : i32 to vector<16xi32>
      %add3A_1484 = arith.addi %get3A_1480, %add3A_1483 : vector<16xi32>
      %jit3A_1485 = arith.constant 0 : i32
      %broadcast_in_dim3A_1486 = vector.broadcast %jit3A_1485 : i32 to vector<16xi32>
      %select_n3A_1487 = arith.select %lt3A_1481, %add3A_1484, %broadcast_in_dim3A_1486 : vector<16xi1>, vector<16xi32>
      %swap3A_1488 = arith.index_cast %add3A_1471 : i32 to index
      %swap3A_1489 = tpu.vector_load %arg6[%swap3A_1488] {strides = array<i32>} : memref<25600xi32, #tpu.memory_space<vmem>>, vector<16xi32>,
      %swap3A_1490 = vector.shape_cast %swap3A_1489 : vector<16xi32> to vector<16xi32>
      %swap3A_1491 = vector.shape_cast %select_n3A_1487 : vector<16xi32> to vector<16xi32>
      tpu.vector_store %arg6[%swap3A_1488], %swap3A_1491 {strides = array<i32>} : memref<25600xi32, #tpu.memory_space<vmem>>, vector<16xi32>,
      %add3A_1492 = arith.constant 80 : i32
      %add3A_1493 = arith.addi %mul3A_1381, %add3A_1492 : i32
      %add3A_1494 = arith.addi %mul3A_2, %add3A_1493 : i32
      %add3A_1495 = vector.broadcast %add3A_1494 : i32 to vector<16xi32>
      %add3A_1496 = arith.addi %add3A_1495, %iota3A : vector<16xi32>
      %rem3A_1497 = arith.constant 200 : i32
      %rem3A_1498 = vector.broadcast %rem3A_1497 : i32 to vector<16xi32>
      %rem3A_1499 = arith.remsi %add3A_1496, %rem3A_1498 : vector<16xi32>
      %get3A_1500 = arith.index_cast %add3A_1493 : i32 to index
      %get3A_1501 = tpu.vector_load %arg6[%get3A_1500] {strides = array<i32>} : memref<25600xi32, #tpu.memory_space<vmem>>, vector<16xi32>,
      %get3A_1502 = vector.shape_cast %get3A_1501 : vector<16xi32> to vector<16xi32>
      %lt3A_1503 = arith.cmpi slt, %rem3A_1499, %get3A_4 : vector<16xi32>
      %add3A_1504 = arith.constant 1 : i32
      %add3A_1505 = vector.broadcast %add3A_1504 : i32 to vector<16xi32>
      %add3A_1506 = arith.addi %get3A_1502, %add3A_1505 : vector<16xi32>
      %jit3A_1507 = arith.constant 0 : i32
      %broadcast_in_dim3A_1508 = vector.broadcast %jit3A_1507 : i32 to vector<16xi32>
      %select_n3A_1509 = arith.select %lt3A_1503, %add3A_1506, %broadcast_in_dim3A_1508 : vector<16xi1>, vector<16xi32>
      %swap3A_1510 = arith.index_cast %add3A_1493 : i32 to index
      %swap3A_1511 = tpu.vector_load %arg6[%swap3A_1510] {strides = array<i32>} : memref<25600xi32, #tpu.memory_space<vmem>>, vector<16xi32>,
      %swap3A_1512 = vector.shape_cast %swap3A_1511 : vector<16xi32> to vector<16xi32>
      %swap3A_1513 = vector.shape_cast %select_n3A_1509 : vector<16xi32> to vector<16xi32>
      tpu.vector_store %arg6[%swap3A_1510], %swap3A_1513 {strides = array<i32>} : memref<25600xi32, #tpu.memory_space<vmem>>, vector<16xi32>,
      %add3A_1514 = arith.constant 96 : i32
      %add3A_1515 = arith.addi %mul3A_1381, %add3A_1514 : i32
      %add3A_1516 = arith.addi %mul3A_2, %add3A_1515 : i32
      %add3A_1517 = vector.broadcast %add3A_1516 : i32 to vector<16xi32>
      %add3A_1518 = arith.addi %add3A_1517, %iota3A : vector<16xi32>
      %rem3A_1519 = arith.constant 200 : i32
      %rem3A_1520 = vector.broadcast %rem3A_1519 : i32 to vector<16xi32>
      %rem3A_1521 = arith.remsi %add3A_1518, %rem3A_1520 : vector<16xi32>
      %get3A_1522 = arith.index_cast %add3A_1515 : i32 to index
      %get3A_1523 = tpu.vector_load %arg6[%get3A_1522] {strides = array<i32>} : memref<25600xi32, #tpu.memory_space<vmem>>, vector<16xi32>,
      %get3A_1524 = vector.shape_cast %get3A_1523 : vector<16xi32> to vector<16xi32>
      %lt3A_1525 = arith.cmpi slt, %rem3A_1521, %get3A_4 : vector<16xi32>
      %add3A_1526 = arith.constant 1 : i32
      %add3A_1527 = vector.broadcast %add3A_1526 : i32 to vector<16xi32>
      %add3A_1528 = arith.addi %get3A_1524, %add3A_1527 : vector<16xi32>
      %jit3A_1529 = arith.constant 0 : i32
      %broadcast_in_dim3A_1530 = vector.broadcast %jit3A_1529 : i32 to vector<16xi32>
      %select_n3A_1531 = arith.select %lt3A_1525, %add3A_1528, %broadcast_in_dim3A_1530 : vector<16xi1>, vector<16xi32>
      %swap3A_1532 = arith.index_cast %add3A_1515 : i32 to index
      %swap3A_1533 = tpu.vector_load %arg6[%swap3A_1532] {strides = array<i32>} : memref<25600xi32, #tpu.memory_space<vmem>>, vector<16xi32>,
      %swap3A_1534 = vector.shape_cast %swap3A_1533 : vector<16xi32> to vector<16xi32>
      %swap3A_1535 = vector.shape_cast %select_n3A_1531 : vector<16xi32> to vector<16xi32>
      tpu.vector_store %arg6[%swap3A_1532], %swap3A_1535 {strides = array<i32>} : memref<25600xi32, #tpu.memory_space<vmem>>, vector<16xi32>,
      %add3A_1536 = arith.constant 112 : i32
      %add3A_1537 = arith.addi %mul3A_1381, %add3A_1536 : i32
      %add3A_1538 = arith.addi %mul3A_2, %add3A_1537 : i32
      %add3A_1539 = vector.broadcast %add3A_1538 : i32 to vector<16xi32>
      %add3A_1540 = arith.addi %add3A_1539, %iota3A : vector<16xi32>
      %rem3A_1541 = arith.constant 200 : i32
      %rem3A_1542 = vector.broadcast %rem3A_1541 : i32 to vector<16xi32>
      %rem3A_1543 = arith.remsi %add3A_1540, %rem3A_1542 : vector<16xi32>
      %get3A_1544 = arith.index_cast %add3A_1537 : i32 to index
      %get3A_1545 = tpu.vector_load %arg6[%get3A_1544] {strides = array<i32>} : memref<25600xi32, #tpu.memory_space<vmem>>, vector<16xi32>,
      %get3A_1546 = vector.shape_cast %get3A_1545 : vector<16xi32> to vector<16xi32>
      %lt3A_1547 = arith.cmpi slt, %rem3A_1543, %get3A_4 : vector<16xi32>
      %add3A_1548 = arith.constant 1 : i32
      %add3A_1549 = vector.broadcast %add3A_1548 : i32 to vector<16xi32>
      %add3A_1550 = arith.addi %get3A_1546, %add3A_1549 : vector<16xi32>
      %jit3A_1551 = arith.constant 0 : i32
      %broadcast_in_dim3A_1552 = vector.broadcast %jit3A_1551 : i32 to vector<16xi32>
      %select_n3A_1553 = arith.select %lt3A_1547, %add3A_1550, %broadcast_in_dim3A_1552 : vector<16xi1>, vector<16xi32>
      %swap3A_1554 = arith.index_cast %add3A_1537 : i32 to index
      %swap3A_1555 = tpu.vector_load %arg6[%swap3A_1554] {strides = array<i32>} : memref<25600xi32, #tpu.memory_space<vmem>>, vector<16xi32>,
      %swap3A_1556 = vector.shape_cast %swap3A_1555 : vector<16xi32> to vector<16xi32>
      %swap3A_1557 = vector.shape_cast %select_n3A_1553 : vector<16xi32> to vector<16xi32>
      tpu.vector_store %arg6[%swap3A_1554], %swap3A_1557 {strides = array<i32>} : memref<25600xi32, #tpu.memory_space<vmem>>, vector<16xi32>,
      %mul3A_1558 = arith.constant 128 : i32
      %mul3A_1559 = arith.muli %add3A_1377, %mul3A_1558 : i32
      %dma_wait3A_1560 = tpu.memref_slice %arg6[%mul3A_1559] : memref<25600xi32, #tpu.memory_space<vmem>> -> memref<128xi32, #tpu.memory_space<vmem>>
      %dma_wait3A_1561 = arith.constant 0 : i32
      %dma_wait3A_1562 = arith.constant 0 : i32
      %dma_wait3A_1563 = tpu.memref_slice %arg4[%dma_wait3A_1561, %dma_wait3A_1562] : memref<100001x128xf32, #tpu.memory_space<hbm>> -> memref<100001x128xf32, #tpu.memory_space<hbm>>
      tpu.wait_indirect_dma semaphore(%arg15 : memref<!tpu.dma_semaphore, #tpu.memory_space<semaphore_mem>>) src(%dma_wait3A_1563 : memref<100001x128xf32, #tpu.memory_space<hbm>>) dst(%arg10 : memref<128x128xf32, #tpu.memory_space<vmem>>)
      %mul3A_1564 = arith.constant 128 : i32
      %mul3A_1565 = arith.muli %add3A_1377, %mul3A_1564 : i32
      %add3A_1566 = arith.addi %mul3A_2, %mul3A_1565 : i32
      %dma_start3A_1567 = arith.constant 0 : i32
      %dma_start3A_1568 = tpu.memref_slice %arg5[%add3A_1566, %dma_start3A_1567] : memref<819200x128xf32, #tpu.memory_space<hbm>> -> memref<128x128xf32, #tpu.memory_space<hbm>>
      %dma_start3A_1569 = arith.constant 0 : i32
      %dma_start3A_1570 = tpu.memref_slice %arg5[%add3A_1566, %dma_start3A_1569] : memref<819200x128xf32, #tpu.memory_space<hbm>> -> memref<128x128xf32, #tpu.memory_space<hbm>>
      tpu.enqueue_dma source(%arg10 : memref<128x128xf32, #tpu.memory_space<vmem>>) target(%dma_start3A_1570 : memref<128x128xf32, #tpu.memory_space<hbm>>) target_semaphore(%arg20 : memref<!tpu.dma_semaphore, #tpu.memory_space<semaphore_mem>>)
      %mul3A_1571 = arith.constant 128 : i32
      %mul3A_1572 = arith.muli %add3A_1377, %mul3A_1571 : i32
      %add3A_1573 = arith.addi %mul3A_2, %mul3A_1572 : i32
      %dma_wait3A_1574 = arith.constant 0 : i32
      %dma_wait3A_1575 = tpu.memref_slice %arg5[%add3A_1573, %dma_wait3A_1574] : memref<819200x128xf32, #tpu.memory_space<hbm>> -> memref<128x128xf32, #tpu.memory_space<hbm>>
      %dma_wait3A_1576 = arith.constant 0 : i32
      %dma_wait3A_1577 = tpu.memref_slice %arg5[%add3A_1573, %dma_wait3A_1576] : memref<819200x128xf32, #tpu.memory_space<hbm>> -> memref<128x128xf32, #tpu.memory_space<hbm>>
      tpu.wait_dma2 semaphore(%arg20 : memref<!tpu.dma_semaphore, #tpu.memory_space<semaphore_mem>>) src(%arg10 : memref<128x128xf32, #tpu.memory_space<vmem>>) dst(%dma_wait3A_1577 : memref<128x128xf32, #tpu.memory_space<hbm>>)
      %add3A_1578 = arith.constant 5 : i32
      %add3A_1579 = arith.addi %add3A_1377, %add3A_1578 : i32
      %mul3A_1580 = arith.constant 128 : i32
      %mul3A_1581 = arith.muli %add3A_1579, %mul3A_1580 : i32
      %dma_start3A_1582 = tpu.memref_slice %arg6[%mul3A_1581] : memref<25600xi32, #tpu.memory_space<vmem>> -> memref<128xi32, #tpu.memory_space<vmem>>
      %dma_start3A_1583 = arith.constant 0 : i32
      %dma_start3A_1584 = arith.constant 0 : i32
      %dma_start3A_1585 = tpu.memref_slice %arg4[%dma_start3A_1583, %dma_start3A_1584] : memref<100001x128xf32, #tpu.memory_space<hbm>> -> memref<100001x128xf32, #tpu.memory_space<hbm>>
      tpu.enqueue_indirect_dma source(%dma_start3A_1585 : memref<100001x128xf32, #tpu.memory_space<hbm>>) target(%arg10 : memref<128x128xf32, #tpu.memory_space<vmem>>) offsets(%dma_start3A_1582 : memref<128xi32, #tpu.memory_space<vmem>>) semaphore(%arg15 : memref<!tpu.dma_semaphore, #tpu.memory_space<semaphore_mem>>)
      %add3A_1586 = arith.constant 3 : i32
      %add3A_1587 = arith.addi %add3A_955, %add3A_1586 : i32
      %add3A_1588 = arith.constant 5 : i32
      %add3A_1589 = arith.addi %add3A_1587, %add3A_1588 : i32
      %mul3A_1590 = arith.constant 128 : i32
      %mul3A_1591 = arith.muli %add3A_1589, %mul3A_1590 : i32
      %add3A_1592 = arith.constant 0 : i32
      %add3A_1593 = arith.addi %mul3A_1591, %add3A_1592 : i32
      %add3A_1594 = arith.addi %mul3A_2, %add3A_1593 : i32
      %add3A_1595 = vector.broadcast %add3A_1594 : i32 to vector<16xi32>
      %add3A_1596 = arith.addi %add3A_1595, %iota3A : vector<16xi32>
      %rem3A_1597 = arith.constant 200 : i32
      %rem3A_1598 = vector.broadcast %rem3A_1597 : i32 to vector<16xi32>
      %rem3A_1599 = arith.remsi %add3A_1596, %rem3A_1598 : vector<16xi32>
      %get3A_1600 = arith.index_cast %add3A_1593 : i32 to index
      %get3A_1601 = tpu.vector_load %arg6[%get3A_1600] {strides = array<i32>} : memref<25600xi32, #tpu.memory_space<vmem>>, vector<16xi32>,
      %get3A_1602 = vector.shape_cast %get3A_1601 : vector<16xi32> to vector<16xi32>
      %lt3A_1603 = arith.cmpi slt, %rem3A_1599, %get3A_4 : vector<16xi32>
      %add3A_1604 = arith.constant 1 : i32
      %add3A_1605 = vector.broadcast %add3A_1604 : i32 to vector<16xi32>
      %add3A_1606 = arith.addi %get3A_1602, %add3A_1605 : vector<16xi32>
      %jit3A_1607 = arith.constant 0 : i32
      %broadcast_in_dim3A_1608 = vector.broadcast %jit3A_1607 : i32 to vector<16xi32>
      %select_n3A_1609 = arith.select %lt3A_1603, %add3A_1606, %broadcast_in_dim3A_1608 : vector<16xi1>, vector<16xi32>
      %swap3A_1610 = arith.index_cast %add3A_1593 : i32 to index
      %swap3A_1611 = tpu.vector_load %arg6[%swap3A_1610] {strides = array<i32>} : memref<25600xi32, #tpu.memory_space<vmem>>, vector<16xi32>,
      %swap3A_1612 = vector.shape_cast %swap3A_1611 : vector<16xi32> to vector<16xi32>
      %swap3A_1613 = vector.shape_cast %select_n3A_1609 : vector<16xi32> to vector<16xi32>
      tpu.vector_store %arg6[%swap3A_1610], %swap3A_1613 {strides = array<i32>} : memref<25600xi32, #tpu.memory_space<vmem>>, vector<16xi32>,
      %add3A_1614 = arith.constant 16 : i32
      %add3A_1615 = arith.addi %mul3A_1591, %add3A_1614 : i32
      %add3A_1616 = arith.addi %mul3A_2, %add3A_1615 : i32
      %add3A_1617 = vector.broadcast %add3A_1616 : i32 to vector<16xi32>
      %add3A_1618 = arith.addi %add3A_1617, %iota3A : vector<16xi32>
      %rem3A_1619 = arith.constant 200 : i32
      %rem3A_1620 = vector.broadcast %rem3A_1619 : i32 to vector<16xi32>
      %rem3A_1621 = arith.remsi %add3A_1618, %rem3A_1620 : vector<16xi32>
      %get3A_1622 = arith.index_cast %add3A_1615 : i32 to index
      %get3A_1623 = tpu.vector_load %arg6[%get3A_1622] {strides = array<i32>} : memref<25600xi32, #tpu.memory_space<vmem>>, vector<16xi32>,
      %get3A_1624 = vector.shape_cast %get3A_1623 : vector<16xi32> to vector<16xi32>
      %lt3A_1625 = arith.cmpi slt, %rem3A_1621, %get3A_4 : vector<16xi32>
      %add3A_1626 = arith.constant 1 : i32
      %add3A_1627 = vector.broadcast %add3A_1626 : i32 to vector<16xi32>
      %add3A_1628 = arith.addi %get3A_1624, %add3A_1627 : vector<16xi32>
      %jit3A_1629 = arith.constant 0 : i32
      %broadcast_in_dim3A_1630 = vector.broadcast %jit3A_1629 : i32 to vector<16xi32>
      %select_n3A_1631 = arith.select %lt3A_1625, %add3A_1628, %broadcast_in_dim3A_1630 : vector<16xi1>, vector<16xi32>
      %swap3A_1632 = arith.index_cast %add3A_1615 : i32 to index
      %swap3A_1633 = tpu.vector_load %arg6[%swap3A_1632] {strides = array<i32>} : memref<25600xi32, #tpu.memory_space<vmem>>, vector<16xi32>,
      %swap3A_1634 = vector.shape_cast %swap3A_1633 : vector<16xi32> to vector<16xi32>
      %swap3A_1635 = vector.shape_cast %select_n3A_1631 : vector<16xi32> to vector<16xi32>
      tpu.vector_store %arg6[%swap3A_1632], %swap3A_1635 {strides = array<i32>} : memref<25600xi32, #tpu.memory_space<vmem>>, vector<16xi32>,
      %add3A_1636 = arith.constant 32 : i32
      %add3A_1637 = arith.addi %mul3A_1591, %add3A_1636 : i32
      %add3A_1638 = arith.addi %mul3A_2, %add3A_1637 : i32
      %add3A_1639 = vector.broadcast %add3A_1638 : i32 to vector<16xi32>
      %add3A_1640 = arith.addi %add3A_1639, %iota3A : vector<16xi32>
      %rem3A_1641 = arith.constant 200 : i32
      %rem3A_1642 = vector.broadcast %rem3A_1641 : i32 to vector<16xi32>
      %rem3A_1643 = arith.remsi %add3A_1640, %rem3A_1642 : vector<16xi32>
      %get3A_1644 = arith.index_cast %add3A_1637 : i32 to index
      %get3A_1645 = tpu.vector_load %arg6[%get3A_1644] {strides = array<i32>} : memref<25600xi32, #tpu.memory_space<vmem>>, vector<16xi32>,
      %get3A_1646 = vector.shape_cast %get3A_1645 : vector<16xi32> to vector<16xi32>
      %lt3A_1647 = arith.cmpi slt, %rem3A_1643, %get3A_4 : vector<16xi32>
      %add3A_1648 = arith.constant 1 : i32
      %add3A_1649 = vector.broadcast %add3A_1648 : i32 to vector<16xi32>
      %add3A_1650 = arith.addi %get3A_1646, %add3A_1649 : vector<16xi32>
      %jit3A_1651 = arith.constant 0 : i32
      %broadcast_in_dim3A_1652 = vector.broadcast %jit3A_1651 : i32 to vector<16xi32>
      %select_n3A_1653 = arith.select %lt3A_1647, %add3A_1650, %broadcast_in_dim3A_1652 : vector<16xi1>, vector<16xi32>
      %swap3A_1654 = arith.index_cast %add3A_1637 : i32 to index
      %swap3A_1655 = tpu.vector_load %arg6[%swap3A_1654] {strides = array<i32>} : memref<25600xi32, #tpu.memory_space<vmem>>, vector<16xi32>,
      %swap3A_1656 = vector.shape_cast %swap3A_1655 : vector<16xi32> to vector<16xi32>
      %swap3A_1657 = vector.shape_cast %select_n3A_1653 : vector<16xi32> to vector<16xi32>
      tpu.vector_store %arg6[%swap3A_1654], %swap3A_1657 {strides = array<i32>} : memref<25600xi32, #tpu.memory_space<vmem>>, vector<16xi32>,
      %add3A_1658 = arith.constant 48 : i32
      %add3A_1659 = arith.addi %mul3A_1591, %add3A_1658 : i32
      %add3A_1660 = arith.addi %mul3A_2, %add3A_1659 : i32
      %add3A_1661 = vector.broadcast %add3A_1660 : i32 to vector<16xi32>
      %add3A_1662 = arith.addi %add3A_1661, %iota3A : vector<16xi32>
      %rem3A_1663 = arith.constant 200 : i32
      %rem3A_1664 = vector.broadcast %rem3A_1663 : i32 to vector<16xi32>
      %rem3A_1665 = arith.remsi %add3A_1662, %rem3A_1664 : vector<16xi32>
      %get3A_1666 = arith.index_cast %add3A_1659 : i32 to index
      %get3A_1667 = tpu.vector_load %arg6[%get3A_1666] {strides = array<i32>} : memref<25600xi32, #tpu.memory_space<vmem>>, vector<16xi32>,
      %get3A_1668 = vector.shape_cast %get3A_1667 : vector<16xi32> to vector<16xi32>
      %lt3A_1669 = arith.cmpi slt, %rem3A_1665, %get3A_4 : vector<16xi32>
      %add3A_1670 = arith.constant 1 : i32
      %add3A_1671 = vector.broadcast %add3A_1670 : i32 to vector<16xi32>
      %add3A_1672 = arith.addi %get3A_1668, %add3A_1671 : vector<16xi32>
      %jit3A_1673 = arith.constant 0 : i32
      %broadcast_in_dim3A_1674 = vector.broadcast %jit3A_1673 : i32 to vector<16xi32>
      %select_n3A_1675 = arith.select %lt3A_1669, %add3A_1672, %broadcast_in_dim3A_1674 : vector<16xi1>, vector<16xi32>
      %swap3A_1676 = arith.index_cast %add3A_1659 : i32 to index
      %swap3A_1677 = tpu.vector_load %arg6[%swap3A_1676] {strides = array<i32>} : memref<25600xi32, #tpu.memory_space<vmem>>, vector<16xi32>,
      %swap3A_1678 = vector.shape_cast %swap3A_1677 : vector<16xi32> to vector<16xi32>
      %swap3A_1679 = vector.shape_cast %select_n3A_1675 : vector<16xi32> to vector<16xi32>
      tpu.vector_store %arg6[%swap3A_1676], %swap3A_1679 {strides = array<i32>} : memref<25600xi32, #tpu.memory_space<vmem>>, vector<16xi32>,
      %add3A_1680 = arith.constant 64 : i32
      %add3A_1681 = arith.addi %mul3A_1591, %add3A_1680 : i32
      %add3A_1682 = arith.addi %mul3A_2, %add3A_1681 : i32
      %add3A_1683 = vector.broadcast %add3A_1682 : i32 to vector<16xi32>
      %add3A_1684 = arith.addi %add3A_1683, %iota3A : vector<16xi32>
      %rem3A_1685 = arith.constant 200 : i32
      %rem3A_1686 = vector.broadcast %rem3A_1685 : i32 to vector<16xi32>
      %rem3A_1687 = arith.remsi %add3A_1684, %rem3A_1686 : vector<16xi32>
      %get3A_1688 = arith.index_cast %add3A_1681 : i32 to index
      %get3A_1689 = tpu.vector_load %arg6[%get3A_1688] {strides = array<i32>} : memref<25600xi32, #tpu.memory_space<vmem>>, vector<16xi32>,
      %get3A_1690 = vector.shape_cast %get3A_1689 : vector<16xi32> to vector<16xi32>
      %lt3A_1691 = arith.cmpi slt, %rem3A_1687, %get3A_4 : vector<16xi32>
      %add3A_1692 = arith.constant 1 : i32
      %add3A_1693 = vector.broadcast %add3A_1692 : i32 to vector<16xi32>
      %add3A_1694 = arith.addi %get3A_1690, %add3A_1693 : vector<16xi32>
      %jit3A_1695 = arith.constant 0 : i32
      %broadcast_in_dim3A_1696 = vector.broadcast %jit3A_1695 : i32 to vector<16xi32>
      %select_n3A_1697 = arith.select %lt3A_1691, %add3A_1694, %broadcast_in_dim3A_1696 : vector<16xi1>, vector<16xi32>
      %swap3A_1698 = arith.index_cast %add3A_1681 : i32 to index
      %swap3A_1699 = tpu.vector_load %arg6[%swap3A_1698] {strides = array<i32>} : memref<25600xi32, #tpu.memory_space<vmem>>, vector<16xi32>,
      %swap3A_1700 = vector.shape_cast %swap3A_1699 : vector<16xi32> to vector<16xi32>
      %swap3A_1701 = vector.shape_cast %select_n3A_1697 : vector<16xi32> to vector<16xi32>
      tpu.vector_store %arg6[%swap3A_1698], %swap3A_1701 {strides = array<i32>} : memref<25600xi32, #tpu.memory_space<vmem>>, vector<16xi32>,
      %add3A_1702 = arith.constant 80 : i32
      %add3A_1703 = arith.addi %mul3A_1591, %add3A_1702 : i32
      %add3A_1704 = arith.addi %mul3A_2, %add3A_1703 : i32
      %add3A_1705 = vector.broadcast %add3A_1704 : i32 to vector<16xi32>
      %add3A_1706 = arith.addi %add3A_1705, %iota3A : vector<16xi32>
      %rem3A_1707 = arith.constant 200 : i32
      %rem3A_1708 = vector.broadcast %rem3A_1707 : i32 to vector<16xi32>
      %rem3A_1709 = arith.remsi %add3A_1706, %rem3A_1708 : vector<16xi32>
      %get3A_1710 = arith.index_cast %add3A_1703 : i32 to index
      %get3A_1711 = tpu.vector_load %arg6[%get3A_1710] {strides = array<i32>} : memref<25600xi32, #tpu.memory_space<vmem>>, vector<16xi32>,
      %get3A_1712 = vector.shape_cast %get3A_1711 : vector<16xi32> to vector<16xi32>
      %lt3A_1713 = arith.cmpi slt, %rem3A_1709, %get3A_4 : vector<16xi32>
      %add3A_1714 = arith.constant 1 : i32
      %add3A_1715 = vector.broadcast %add3A_1714 : i32 to vector<16xi32>
      %add3A_1716 = arith.addi %get3A_1712, %add3A_1715 : vector<16xi32>
      %jit3A_1717 = arith.constant 0 : i32
      %broadcast_in_dim3A_1718 = vector.broadcast %jit3A_1717 : i32 to vector<16xi32>
      %select_n3A_1719 = arith.select %lt3A_1713, %add3A_1716, %broadcast_in_dim3A_1718 : vector<16xi1>, vector<16xi32>
      %swap3A_1720 = arith.index_cast %add3A_1703 : i32 to index
      %swap3A_1721 = tpu.vector_load %arg6[%swap3A_1720] {strides = array<i32>} : memref<25600xi32, #tpu.memory_space<vmem>>, vector<16xi32>,
      %swap3A_1722 = vector.shape_cast %swap3A_1721 : vector<16xi32> to vector<16xi32>
      %swap3A_1723 = vector.shape_cast %select_n3A_1719 : vector<16xi32> to vector<16xi32>
      tpu.vector_store %arg6[%swap3A_1720], %swap3A_1723 {strides = array<i32>} : memref<25600xi32, #tpu.memory_space<vmem>>, vector<16xi32>,
      %add3A_1724 = arith.constant 96 : i32
      %add3A_1725 = arith.addi %mul3A_1591, %add3A_1724 : i32
      %add3A_1726 = arith.addi %mul3A_2, %add3A_1725 : i32
      %add3A_1727 = vector.broadcast %add3A_1726 : i32 to vector<16xi32>
      %add3A_1728 = arith.addi %add3A_1727, %iota3A : vector<16xi32>
      %rem3A_1729 = arith.constant 200 : i32
      %rem3A_1730 = vector.broadcast %rem3A_1729 : i32 to vector<16xi32>
      %rem3A_1731 = arith.remsi %add3A_1728, %rem3A_1730 : vector<16xi32>
      %get3A_1732 = arith.index_cast %add3A_1725 : i32 to index
      %get3A_1733 = tpu.vector_load %arg6[%get3A_1732] {strides = array<i32>} : memref<25600xi32, #tpu.memory_space<vmem>>, vector<16xi32>,
      %get3A_1734 = vector.shape_cast %get3A_1733 : vector<16xi32> to vector<16xi32>
      %lt3A_1735 = arith.cmpi slt, %rem3A_1731, %get3A_4 : vector<16xi32>
      %add3A_1736 = arith.constant 1 : i32
      %add3A_1737 = vector.broadcast %add3A_1736 : i32 to vector<16xi32>
      %add3A_1738 = arith.addi %get3A_1734, %add3A_1737 : vector<16xi32>
      %jit3A_1739 = arith.constant 0 : i32
      %broadcast_in_dim3A_1740 = vector.broadcast %jit3A_1739 : i32 to vector<16xi32>
      %select_n3A_1741 = arith.select %lt3A_1735, %add3A_1738, %broadcast_in_dim3A_1740 : vector<16xi1>, vector<16xi32>
      %swap3A_1742 = arith.index_cast %add3A_1725 : i32 to index
      %swap3A_1743 = tpu.vector_load %arg6[%swap3A_1742] {strides = array<i32>} : memref<25600xi32, #tpu.memory_space<vmem>>, vector<16xi32>,
      %swap3A_1744 = vector.shape_cast %swap3A_1743 : vector<16xi32> to vector<16xi32>
      %swap3A_1745 = vector.shape_cast %select_n3A_1741 : vector<16xi32> to vector<16xi32>
      tpu.vector_store %arg6[%swap3A_1742], %swap3A_1745 {strides = array<i32>} : memref<25600xi32, #tpu.memory_space<vmem>>, vector<16xi32>,
      %add3A_1746 = arith.constant 112 : i32
      %add3A_1747 = arith.addi %mul3A_1591, %add3A_1746 : i32
      %add3A_1748 = arith.addi %mul3A_2, %add3A_1747 : i32
      %add3A_1749 = vector.broadcast %add3A_1748 : i32 to vector<16xi32>
      %add3A_1750 = arith.addi %add3A_1749, %iota3A : vector<16xi32>
      %rem3A_1751 = arith.constant 200 : i32
      %rem3A_1752 = vector.broadcast %rem3A_1751 : i32 to vector<16xi32>
      %rem3A_1753 = arith.remsi %add3A_1750, %rem3A_1752 : vector<16xi32>
      %get3A_1754 = arith.index_cast %add3A_1747 : i32 to index
      %get3A_1755 = tpu.vector_load %arg6[%get3A_1754] {strides = array<i32>} : memref<25600xi32, #tpu.memory_space<vmem>>, vector<16xi32>,
      %get3A_1756 = vector.shape_cast %get3A_1755 : vector<16xi32> to vector<16xi32>
      %lt3A_1757 = arith.cmpi slt, %rem3A_1753, %get3A_4 : vector<16xi32>
      %add3A_1758 = arith.constant 1 : i32
      %add3A_1759 = vector.broadcast %add3A_1758 : i32 to vector<16xi32>
      %add3A_1760 = arith.addi %get3A_1756, %add3A_1759 : vector<16xi32>
      %jit3A_1761 = arith.constant 0 : i32
      %broadcast_in_dim3A_1762 = vector.broadcast %jit3A_1761 : i32 to vector<16xi32>
      %select_n3A_1763 = arith.select %lt3A_1757, %add3A_1760, %broadcast_in_dim3A_1762 : vector<16xi1>, vector<16xi32>
      %swap3A_1764 = arith.index_cast %add3A_1747 : i32 to index
      %swap3A_1765 = tpu.vector_load %arg6[%swap3A_1764] {strides = array<i32>} : memref<25600xi32, #tpu.memory_space<vmem>>, vector<16xi32>,
      %swap3A_1766 = vector.shape_cast %swap3A_1765 : vector<16xi32> to vector<16xi32>
      %swap3A_1767 = vector.shape_cast %select_n3A_1763 : vector<16xi32> to vector<16xi32>
      tpu.vector_store %arg6[%swap3A_1764], %swap3A_1767 {strides = array<i32>} : memref<25600xi32, #tpu.memory_space<vmem>>, vector<16xi32>,
      %mul3A_1768 = arith.constant 128 : i32
      %mul3A_1769 = arith.muli %add3A_1587, %mul3A_1768 : i32
      %dma_wait3A_1770 = tpu.memref_slice %arg6[%mul3A_1769] : memref<25600xi32, #tpu.memory_space<vmem>> -> memref<128xi32, #tpu.memory_space<vmem>>
      %dma_wait3A_1771 = arith.constant 0 : i32
      %dma_wait3A_1772 = arith.constant 0 : i32
      %dma_wait3A_1773 = tpu.memref_slice %arg4[%dma_wait3A_1771, %dma_wait3A_1772] : memref<100001x128xf32, #tpu.memory_space<hbm>> -> memref<100001x128xf32, #tpu.memory_space<hbm>>
      tpu.wait_indirect_dma semaphore(%arg16 : memref<!tpu.dma_semaphore, #tpu.memory_space<semaphore_mem>>) src(%dma_wait3A_1773 : memref<100001x128xf32, #tpu.memory_space<hbm>>) dst(%arg11 : memref<128x128xf32, #tpu.memory_space<vmem>>)
      %mul3A_1774 = arith.constant 128 : i32
      %mul3A_1775 = arith.muli %add3A_1587, %mul3A_1774 : i32
      %add3A_1776 = arith.addi %mul3A_2, %mul3A_1775 : i32
      %dma_start3A_1777 = arith.constant 0 : i32
      %dma_start3A_1778 = tpu.memref_slice %arg5[%add3A_1776, %dma_start3A_1777] : memref<819200x128xf32, #tpu.memory_space<hbm>> -> memref<128x128xf32, #tpu.memory_space<hbm>>
      %dma_start3A_1779 = arith.constant 0 : i32
      %dma_start3A_1780 = tpu.memref_slice %arg5[%add3A_1776, %dma_start3A_1779] : memref<819200x128xf32, #tpu.memory_space<hbm>> -> memref<128x128xf32, #tpu.memory_space<hbm>>
      tpu.enqueue_dma source(%arg11 : memref<128x128xf32, #tpu.memory_space<vmem>>) target(%dma_start3A_1780 : memref<128x128xf32, #tpu.memory_space<hbm>>) target_semaphore(%arg21 : memref<!tpu.dma_semaphore, #tpu.memory_space<semaphore_mem>>)
      %mul3A_1781 = arith.constant 128 : i32
      %mul3A_1782 = arith.muli %add3A_1587, %mul3A_1781 : i32
      %add3A_1783 = arith.addi %mul3A_2, %mul3A_1782 : i32
      %dma_wait3A_1784 = arith.constant 0 : i32
      %dma_wait3A_1785 = tpu.memref_slice %arg5[%add3A_1783, %dma_wait3A_1784] : memref<819200x128xf32, #tpu.memory_space<hbm>> -> memref<128x128xf32, #tpu.memory_space<hbm>>
      %dma_wait3A_1786 = arith.constant 0 : i32
      %dma_wait3A_1787 = tpu.memref_slice %arg5[%add3A_1783, %dma_wait3A_1786] : memref<819200x128xf32, #tpu.memory_space<hbm>> -> memref<128x128xf32, #tpu.memory_space<hbm>>
      tpu.wait_dma2 semaphore(%arg21 : memref<!tpu.dma_semaphore, #tpu.memory_space<semaphore_mem>>) src(%arg11 : memref<128x128xf32, #tpu.memory_space<vmem>>) dst(%dma_wait3A_1787 : memref<128x128xf32, #tpu.memory_space<hbm>>)
      %add3A_1788 = arith.constant 5 : i32
      %add3A_1789 = arith.addi %add3A_1587, %add3A_1788 : i32
      %mul3A_1790 = arith.constant 128 : i32
      %mul3A_1791 = arith.muli %add3A_1789, %mul3A_1790 : i32
      %dma_start3A_1792 = tpu.memref_slice %arg6[%mul3A_1791] : memref<25600xi32, #tpu.memory_space<vmem>> -> memref<128xi32, #tpu.memory_space<vmem>>
      %dma_start3A_1793 = arith.constant 0 : i32
      %dma_start3A_1794 = arith.constant 0 : i32
      %dma_start3A_1795 = tpu.memref_slice %arg4[%dma_start3A_1793, %dma_start3A_1794] : memref<100001x128xf32, #tpu.memory_space<hbm>> -> memref<100001x128xf32, #tpu.memory_space<hbm>>
      tpu.enqueue_indirect_dma source(%dma_start3A_1795 : memref<100001x128xf32, #tpu.memory_space<hbm>>) target(%arg11 : memref<128x128xf32, #tpu.memory_space<vmem>>) offsets(%dma_start3A_1792 : memref<128xi32, #tpu.memory_space<vmem>>) semaphore(%arg16 : memref<!tpu.dma_semaphore, #tpu.memory_space<semaphore_mem>>)
      %add3A_1796 = arith.constant 4 : i32
      %add3A_1797 = arith.addi %add3A_955, %add3A_1796 : i32
      %add3A_1798 = arith.constant 5 : i32
      %add3A_1799 = arith.addi %add3A_1797, %add3A_1798 : i32
      %mul3A_1800 = arith.constant 128 : i32
      %mul3A_1801 = arith.muli %add3A_1799, %mul3A_1800 : i32
      %add3A_1802 = arith.constant 0 : i32
      %add3A_1803 = arith.addi %mul3A_1801, %add3A_1802 : i32
      %add3A_1804 = arith.addi %mul3A_2, %add3A_1803 : i32
      %add3A_1805 = vector.broadcast %add3A_1804 : i32 to vector<16xi32>
      %add3A_1806 = arith.addi %add3A_1805, %iota3A : vector<16xi32>
      %rem3A_1807 = arith.constant 200 : i32
      %rem3A_1808 = vector.broadcast %rem3A_1807 : i32 to vector<16xi32>
      %rem3A_1809 = arith.remsi %add3A_1806, %rem3A_1808 : vector<16xi32>
      %get3A_1810 = arith.index_cast %add3A_1803 : i32 to index
      %get3A_1811 = tpu.vector_load %arg6[%get3A_1810] {strides = array<i32>} : memref<25600xi32, #tpu.memory_space<vmem>>, vector<16xi32>,
      %get3A_1812 = vector.shape_cast %get3A_1811 : vector<16xi32> to vector<16xi32>
      %lt3A_1813 = arith.cmpi slt, %rem3A_1809, %get3A_4 : vector<16xi32>
      %add3A_1814 = arith.constant 1 : i32
      %add3A_1815 = vector.broadcast %add3A_1814 : i32 to vector<16xi32>
      %add3A_1816 = arith.addi %get3A_1812, %add3A_1815 : vector<16xi32>
      %jit3A_1817 = arith.constant 0 : i32
      %broadcast_in_dim3A_1818 = vector.broadcast %jit3A_1817 : i32 to vector<16xi32>
      %select_n3A_1819 = arith.select %lt3A_1813, %add3A_1816, %broadcast_in_dim3A_1818 : vector<16xi1>, vector<16xi32>
      %swap3A_1820 = arith.index_cast %add3A_1803 : i32 to index
      %swap3A_1821 = tpu.vector_load %arg6[%swap3A_1820] {strides = array<i32>} : memref<25600xi32, #tpu.memory_space<vmem>>, vector<16xi32>,
      %swap3A_1822 = vector.shape_cast %swap3A_1821 : vector<16xi32> to vector<16xi32>
      %swap3A_1823 = vector.shape_cast %select_n3A_1819 : vector<16xi32> to vector<16xi32>
      tpu.vector_store %arg6[%swap3A_1820], %swap3A_1823 {strides = array<i32>} : memref<25600xi32, #tpu.memory_space<vmem>>, vector<16xi32>,
      %add3A_1824 = arith.constant 16 : i32
      %add3A_1825 = arith.addi %mul3A_1801, %add3A_1824 : i32
      %add3A_1826 = arith.addi %mul3A_2, %add3A_1825 : i32
      %add3A_1827 = vector.broadcast %add3A_1826 : i32 to vector<16xi32>
      %add3A_1828 = arith.addi %add3A_1827, %iota3A : vector<16xi32>
      %rem3A_1829 = arith.constant 200 : i32
      %rem3A_1830 = vector.broadcast %rem3A_1829 : i32 to vector<16xi32>
      %rem3A_1831 = arith.remsi %add3A_1828, %rem3A_1830 : vector<16xi32>
      %get3A_1832 = arith.index_cast %add3A_1825 : i32 to index
      %get3A_1833 = tpu.vector_load %arg6[%get3A_1832] {strides = array<i32>} : memref<25600xi32, #tpu.memory_space<vmem>>, vector<16xi32>,
      %get3A_1834 = vector.shape_cast %get3A_1833 : vector<16xi32> to vector<16xi32>
      %lt3A_1835 = arith.cmpi slt, %rem3A_1831, %get3A_4 : vector<16xi32>
      %add3A_1836 = arith.constant 1 : i32
      %add3A_1837 = vector.broadcast %add3A_1836 : i32 to vector<16xi32>
      %add3A_1838 = arith.addi %get3A_1834, %add3A_1837 : vector<16xi32>
      %jit3A_1839 = arith.constant 0 : i32
      %broadcast_in_dim3A_1840 = vector.broadcast %jit3A_1839 : i32 to vector<16xi32>
      %select_n3A_1841 = arith.select %lt3A_1835, %add3A_1838, %broadcast_in_dim3A_1840 : vector<16xi1>, vector<16xi32>
      %swap3A_1842 = arith.index_cast %add3A_1825 : i32 to index
      %swap3A_1843 = tpu.vector_load %arg6[%swap3A_1842] {strides = array<i32>} : memref<25600xi32, #tpu.memory_space<vmem>>, vector<16xi32>,
      %swap3A_1844 = vector.shape_cast %swap3A_1843 : vector<16xi32> to vector<16xi32>
      %swap3A_1845 = vector.shape_cast %select_n3A_1841 : vector<16xi32> to vector<16xi32>
      tpu.vector_store %arg6[%swap3A_1842], %swap3A_1845 {strides = array<i32>} : memref<25600xi32, #tpu.memory_space<vmem>>, vector<16xi32>,
      %add3A_1846 = arith.constant 32 : i32
      %add3A_1847 = arith.addi %mul3A_1801, %add3A_1846 : i32
      %add3A_1848 = arith.addi %mul3A_2, %add3A_1847 : i32
      %add3A_1849 = vector.broadcast %add3A_1848 : i32 to vector<16xi32>
      %add3A_1850 = arith.addi %add3A_1849, %iota3A : vector<16xi32>
      %rem3A_1851 = arith.constant 200 : i32
      %rem3A_1852 = vector.broadcast %rem3A_1851 : i32 to vector<16xi32>
      %rem3A_1853 = arith.remsi %add3A_1850, %rem3A_1852 : vector<16xi32>
      %get3A_1854 = arith.index_cast %add3A_1847 : i32 to index
      %get3A_1855 = tpu.vector_load %arg6[%get3A_1854] {strides = array<i32>} : memref<25600xi32, #tpu.memory_space<vmem>>, vector<16xi32>,
      %get3A_1856 = vector.shape_cast %get3A_1855 : vector<16xi32> to vector<16xi32>
      %lt3A_1857 = arith.cmpi slt, %rem3A_1853, %get3A_4 : vector<16xi32>
      %add3A_1858 = arith.constant 1 : i32
      %add3A_1859 = vector.broadcast %add3A_1858 : i32 to vector<16xi32>
      %add3A_1860 = arith.addi %get3A_1856, %add3A_1859 : vector<16xi32>
      %jit3A_1861 = arith.constant 0 : i32
      %broadcast_in_dim3A_1862 = vector.broadcast %jit3A_1861 : i32 to vector<16xi32>
      %select_n3A_1863 = arith.select %lt3A_1857, %add3A_1860, %broadcast_in_dim3A_1862 : vector<16xi1>, vector<16xi32>
      %swap3A_1864 = arith.index_cast %add3A_1847 : i32 to index
      %swap3A_1865 = tpu.vector_load %arg6[%swap3A_1864] {strides = array<i32>} : memref<25600xi32, #tpu.memory_space<vmem>>, vector<16xi32>,
      %swap3A_1866 = vector.shape_cast %swap3A_1865 : vector<16xi32> to vector<16xi32>
      %swap3A_1867 = vector.shape_cast %select_n3A_1863 : vector<16xi32> to vector<16xi32>
      tpu.vector_store %arg6[%swap3A_1864], %swap3A_1867 {strides = array<i32>} : memref<25600xi32, #tpu.memory_space<vmem>>, vector<16xi32>,
      %add3A_1868 = arith.constant 48 : i32
      %add3A_1869 = arith.addi %mul3A_1801, %add3A_1868 : i32
      %add3A_1870 = arith.addi %mul3A_2, %add3A_1869 : i32
      %add3A_1871 = vector.broadcast %add3A_1870 : i32 to vector<16xi32>
      %add3A_1872 = arith.addi %add3A_1871, %iota3A : vector<16xi32>
      %rem3A_1873 = arith.constant 200 : i32
      %rem3A_1874 = vector.broadcast %rem3A_1873 : i32 to vector<16xi32>
      %rem3A_1875 = arith.remsi %add3A_1872, %rem3A_1874 : vector<16xi32>
      %get3A_1876 = arith.index_cast %add3A_1869 : i32 to index
      %get3A_1877 = tpu.vector_load %arg6[%get3A_1876] {strides = array<i32>} : memref<25600xi32, #tpu.memory_space<vmem>>, vector<16xi32>,
      %get3A_1878 = vector.shape_cast %get3A_1877 : vector<16xi32> to vector<16xi32>
      %lt3A_1879 = arith.cmpi slt, %rem3A_1875, %get3A_4 : vector<16xi32>
      %add3A_1880 = arith.constant 1 : i32
      %add3A_1881 = vector.broadcast %add3A_1880 : i32 to vector<16xi32>
      %add3A_1882 = arith.addi %get3A_1878, %add3A_1881 : vector<16xi32>
      %jit3A_1883 = arith.constant 0 : i32
      %broadcast_in_dim3A_1884 = vector.broadcast %jit3A_1883 : i32 to vector<16xi32>
      %select_n3A_1885 = arith.select %lt3A_1879, %add3A_1882, %broadcast_in_dim3A_1884 : vector<16xi1>, vector<16xi32>
      %swap3A_1886 = arith.index_cast %add3A_1869 : i32 to index
      %swap3A_1887 = tpu.vector_load %arg6[%swap3A_1886] {strides = array<i32>} : memref<25600xi32, #tpu.memory_space<vmem>>, vector<16xi32>,
      %swap3A_1888 = vector.shape_cast %swap3A_1887 : vector<16xi32> to vector<16xi32>
      %swap3A_1889 = vector.shape_cast %select_n3A_1885 : vector<16xi32> to vector<16xi32>
      tpu.vector_store %arg6[%swap3A_1886], %swap3A_1889 {strides = array<i32>} : memref<25600xi32, #tpu.memory_space<vmem>>, vector<16xi32>,
      %add3A_1890 = arith.constant 64 : i32
      %add3A_1891 = arith.addi %mul3A_1801, %add3A_1890 : i32
      %add3A_1892 = arith.addi %mul3A_2, %add3A_1891 : i32
      %add3A_1893 = vector.broadcast %add3A_1892 : i32 to vector<16xi32>
      %add3A_1894 = arith.addi %add3A_1893, %iota3A : vector<16xi32>
      %rem3A_1895 = arith.constant 200 : i32
      %rem3A_1896 = vector.broadcast %rem3A_1895 : i32 to vector<16xi32>
      %rem3A_1897 = arith.remsi %add3A_1894, %rem3A_1896 : vector<16xi32>
      %get3A_1898 = arith.index_cast %add3A_1891 : i32 to index
      %get3A_1899 = tpu.vector_load %arg6[%get3A_1898] {strides = array<i32>} : memref<25600xi32, #tpu.memory_space<vmem>>, vector<16xi32>,
      %get3A_1900 = vector.shape_cast %get3A_1899 : vector<16xi32> to vector<16xi32>
      %lt3A_1901 = arith.cmpi slt, %rem3A_1897, %get3A_4 : vector<16xi32>
      %add3A_1902 = arith.constant 1 : i32
      %add3A_1903 = vector.broadcast %add3A_1902 : i32 to vector<16xi32>
      %add3A_1904 = arith.addi %get3A_1900, %add3A_1903 : vector<16xi32>
      %jit3A_1905 = arith.constant 0 : i32
      %broadcast_in_dim3A_1906 = vector.broadcast %jit3A_1905 : i32 to vector<16xi32>
      %select_n3A_1907 = arith.select %lt3A_1901, %add3A_1904, %broadcast_in_dim3A_1906 : vector<16xi1>, vector<16xi32>
      %swap3A_1908 = arith.index_cast %add3A_1891 : i32 to index
      %swap3A_1909 = tpu.vector_load %arg6[%swap3A_1908] {strides = array<i32>} : memref<25600xi32, #tpu.memory_space<vmem>>, vector<16xi32>,
      %swap3A_1910 = vector.shape_cast %swap3A_1909 : vector<16xi32> to vector<16xi32>
      %swap3A_1911 = vector.shape_cast %select_n3A_1907 : vector<16xi32> to vector<16xi32>
      tpu.vector_store %arg6[%swap3A_1908], %swap3A_1911 {strides = array<i32>} : memref<25600xi32, #tpu.memory_space<vmem>>, vector<16xi32>,
      %add3A_1912 = arith.constant 80 : i32
      %add3A_1913 = arith.addi %mul3A_1801, %add3A_1912 : i32
      %add3A_1914 = arith.addi %mul3A_2, %add3A_1913 : i32
      %add3A_1915 = vector.broadcast %add3A_1914 : i32 to vector<16xi32>
      %add3A_1916 = arith.addi %add3A_1915, %iota3A : vector<16xi32>
      %rem3A_1917 = arith.constant 200 : i32
      %rem3A_1918 = vector.broadcast %rem3A_1917 : i32 to vector<16xi32>
      %rem3A_1919 = arith.remsi %add3A_1916, %rem3A_1918 : vector<16xi32>
      %get3A_1920 = arith.index_cast %add3A_1913 : i32 to index
      %get3A_1921 = tpu.vector_load %arg6[%get3A_1920] {strides = array<i32>} : memref<25600xi32, #tpu.memory_space<vmem>>, vector<16xi32>,
      %get3A_1922 = vector.shape_cast %get3A_1921 : vector<16xi32> to vector<16xi32>
      %lt3A_1923 = arith.cmpi slt, %rem3A_1919, %get3A_4 : vector<16xi32>
      %add3A_1924 = arith.constant 1 : i32
      %add3A_1925 = vector.broadcast %add3A_1924 : i32 to vector<16xi32>
      %add3A_1926 = arith.addi %get3A_1922, %add3A_1925 : vector<16xi32>
      %jit3A_1927 = arith.constant 0 : i32
      %broadcast_in_dim3A_1928 = vector.broadcast %jit3A_1927 : i32 to vector<16xi32>
      %select_n3A_1929 = arith.select %lt3A_1923, %add3A_1926, %broadcast_in_dim3A_1928 : vector<16xi1>, vector<16xi32>
      %swap3A_1930 = arith.index_cast %add3A_1913 : i32 to index
      %swap3A_1931 = tpu.vector_load %arg6[%swap3A_1930] {strides = array<i32>} : memref<25600xi32, #tpu.memory_space<vmem>>, vector<16xi32>,
      %swap3A_1932 = vector.shape_cast %swap3A_1931 : vector<16xi32> to vector<16xi32>
      %swap3A_1933 = vector.shape_cast %select_n3A_1929 : vector<16xi32> to vector<16xi32>
      tpu.vector_store %arg6[%swap3A_1930], %swap3A_1933 {strides = array<i32>} : memref<25600xi32, #tpu.memory_space<vmem>>, vector<16xi32>,
      %add3A_1934 = arith.constant 96 : i32
      %add3A_1935 = arith.addi %mul3A_1801, %add3A_1934 : i32
      %add3A_1936 = arith.addi %mul3A_2, %add3A_1935 : i32
      %add3A_1937 = vector.broadcast %add3A_1936 : i32 to vector<16xi32>
      %add3A_1938 = arith.addi %add3A_1937, %iota3A : vector<16xi32>
      %rem3A_1939 = arith.constant 200 : i32
      %rem3A_1940 = vector.broadcast %rem3A_1939 : i32 to vector<16xi32>
      %rem3A_1941 = arith.remsi %add3A_1938, %rem3A_1940 : vector<16xi32>
      %get3A_1942 = arith.index_cast %add3A_1935 : i32 to index
      %get3A_1943 = tpu.vector_load %arg6[%get3A_1942] {strides = array<i32>} : memref<25600xi32, #tpu.memory_space<vmem>>, vector<16xi32>,
      %get3A_1944 = vector.shape_cast %get3A_1943 : vector<16xi32> to vector<16xi32>
      %lt3A_1945 = arith.cmpi slt, %rem3A_1941, %get3A_4 : vector<16xi32>
      %add3A_1946 = arith.constant 1 : i32
      %add3A_1947 = vector.broadcast %add3A_1946 : i32 to vector<16xi32>
      %add3A_1948 = arith.addi %get3A_1944, %add3A_1947 : vector<16xi32>
      %jit3A_1949 = arith.constant 0 : i32
      %broadcast_in_dim3A_1950 = vector.broadcast %jit3A_1949 : i32 to vector<16xi32>
      %select_n3A_1951 = arith.select %lt3A_1945, %add3A_1948, %broadcast_in_dim3A_1950 : vector<16xi1>, vector<16xi32>
      %swap3A_1952 = arith.index_cast %add3A_1935 : i32 to index
      %swap3A_1953 = tpu.vector_load %arg6[%swap3A_1952] {strides = array<i32>} : memref<25600xi32, #tpu.memory_space<vmem>>, vector<16xi32>,
      %swap3A_1954 = vector.shape_cast %swap3A_1953 : vector<16xi32> to vector<16xi32>
      %swap3A_1955 = vector.shape_cast %select_n3A_1951 : vector<16xi32> to vector<16xi32>
      tpu.vector_store %arg6[%swap3A_1952], %swap3A_1955 {strides = array<i32>} : memref<25600xi32, #tpu.memory_space<vmem>>, vector<16xi32>,
      %add3A_1956 = arith.constant 112 : i32
      %add3A_1957 = arith.addi %mul3A_1801, %add3A_1956 : i32
      %add3A_1958 = arith.addi %mul3A_2, %add3A_1957 : i32
      %add3A_1959 = vector.broadcast %add3A_1958 : i32 to vector<16xi32>
      %add3A_1960 = arith.addi %add3A_1959, %iota3A : vector<16xi32>
      %rem3A_1961 = arith.constant 200 : i32
      %rem3A_1962 = vector.broadcast %rem3A_1961 : i32 to vector<16xi32>
      %rem3A_1963 = arith.remsi %add3A_1960, %rem3A_1962 : vector<16xi32>
      %get3A_1964 = arith.index_cast %add3A_1957 : i32 to index
      %get3A_1965 = tpu.vector_load %arg6[%get3A_1964] {strides = array<i32>} : memref<25600xi32, #tpu.memory_space<vmem>>, vector<16xi32>,
      %get3A_1966 = vector.shape_cast %get3A_1965 : vector<16xi32> to vector<16xi32>
      %lt3A_1967 = arith.cmpi slt, %rem3A_1963, %get3A_4 : vector<16xi32>
      %add3A_1968 = arith.constant 1 : i32
      %add3A_1969 = vector.broadcast %add3A_1968 : i32 to vector<16xi32>
      %add3A_1970 = arith.addi %get3A_1966, %add3A_1969 : vector<16xi32>
      %jit3A_1971 = arith.constant 0 : i32
      %broadcast_in_dim3A_1972 = vector.broadcast %jit3A_1971 : i32 to vector<16xi32>
      %select_n3A_1973 = arith.select %lt3A_1967, %add3A_1970, %broadcast_in_dim3A_1972 : vector<16xi1>, vector<16xi32>
      %swap3A_1974 = arith.index_cast %add3A_1957 : i32 to index
      %swap3A_1975 = tpu.vector_load %arg6[%swap3A_1974] {strides = array<i32>} : memref<25600xi32, #tpu.memory_space<vmem>>, vector<16xi32>,
      %swap3A_1976 = vector.shape_cast %swap3A_1975 : vector<16xi32> to vector<16xi32>
      %swap3A_1977 = vector.shape_cast %select_n3A_1973 : vector<16xi32> to vector<16xi32>
      tpu.vector_store %arg6[%swap3A_1974], %swap3A_1977 {strides = array<i32>} : memref<25600xi32, #tpu.memory_space<vmem>>, vector<16xi32>,
      %mul3A_1978 = arith.constant 128 : i32
      %mul3A_1979 = arith.muli %add3A_1797, %mul3A_1978 : i32
      %dma_wait3A_1980 = tpu.memref_slice %arg6[%mul3A_1979] : memref<25600xi32, #tpu.memory_space<vmem>> -> memref<128xi32, #tpu.memory_space<vmem>>
      %dma_wait3A_1981 = arith.constant 0 : i32
      %dma_wait3A_1982 = arith.constant 0 : i32
      %dma_wait3A_1983 = tpu.memref_slice %arg4[%dma_wait3A_1981, %dma_wait3A_1982] : memref<100001x128xf32, #tpu.memory_space<hbm>> -> memref<100001x128xf32, #tpu.memory_space<hbm>>
      tpu.wait_indirect_dma semaphore(%arg17 : memref<!tpu.dma_semaphore, #tpu.memory_space<semaphore_mem>>) src(%dma_wait3A_1983 : memref<100001x128xf32, #tpu.memory_space<hbm>>) dst(%arg12 : memref<128x128xf32, #tpu.memory_space<vmem>>)
      %mul3A_1984 = arith.constant 128 : i32
      %mul3A_1985 = arith.muli %add3A_1797, %mul3A_1984 : i32
      %add3A_1986 = arith.addi %mul3A_2, %mul3A_1985 : i32
      %dma_start3A_1987 = arith.constant 0 : i32
      %dma_start3A_1988 = tpu.memref_slice %arg5[%add3A_1986, %dma_start3A_1987] : memref<819200x128xf32, #tpu.memory_space<hbm>> -> memref<128x128xf32, #tpu.memory_space<hbm>>
      %dma_start3A_1989 = arith.constant 0 : i32
      %dma_start3A_1990 = tpu.memref_slice %arg5[%add3A_1986, %dma_start3A_1989] : memref<819200x128xf32, #tpu.memory_space<hbm>> -> memref<128x128xf32, #tpu.memory_space<hbm>>
      tpu.enqueue_dma source(%arg12 : memref<128x128xf32, #tpu.memory_space<vmem>>) target(%dma_start3A_1990 : memref<128x128xf32, #tpu.memory_space<hbm>>) target_semaphore(%arg22 : memref<!tpu.dma_semaphore, #tpu.memory_space<semaphore_mem>>)
      %mul3A_1991 = arith.constant 128 : i32
      %mul3A_1992 = arith.muli %add3A_1797, %mul3A_1991 : i32
      %add3A_1993 = arith.addi %mul3A_2, %mul3A_1992 : i32
      %dma_wait3A_1994 = arith.constant 0 : i32
      %dma_wait3A_1995 = tpu.memref_slice %arg5[%add3A_1993, %dma_wait3A_1994] : memref<819200x128xf32, #tpu.memory_space<hbm>> -> memref<128x128xf32, #tpu.memory_space<hbm>>
      %dma_wait3A_1996 = arith.constant 0 : i32
      %dma_wait3A_1997 = tpu.memref_slice %arg5[%add3A_1993, %dma_wait3A_1996] : memref<819200x128xf32, #tpu.memory_space<hbm>> -> memref<128x128xf32, #tpu.memory_space<hbm>>
      tpu.wait_dma2 semaphore(%arg22 : memref<!tpu.dma_semaphore, #tpu.memory_space<semaphore_mem>>) src(%arg12 : memref<128x128xf32, #tpu.memory_space<vmem>>) dst(%dma_wait3A_1997 : memref<128x128xf32, #tpu.memory_space<hbm>>)
      %add3A_1998 = arith.constant 5 : i32
      %add3A_1999 = arith.addi %add3A_1797, %add3A_1998 : i32
      %mul3A_2000 = arith.constant 128 : i32
      %mul3A_2001 = arith.muli %add3A_1999, %mul3A_2000 : i32
      %dma_start3A_2002 = tpu.memref_slice %arg6[%mul3A_2001] : memref<25600xi32, #tpu.memory_space<vmem>> -> memref<128xi32, #tpu.memory_space<vmem>>
      %dma_start3A_2003 = arith.constant 0 : i32
      %dma_start3A_2004 = arith.constant 0 : i32
      %dma_start3A_2005 = tpu.memref_slice %arg4[%dma_start3A_2003, %dma_start3A_2004] : memref<100001x128xf32, #tpu.memory_space<hbm>> -> memref<100001x128xf32, #tpu.memory_space<hbm>>
      tpu.enqueue_indirect_dma source(%dma_start3A_2005 : memref<100001x128xf32, #tpu.memory_space<hbm>>) target(%arg12 : memref<128x128xf32, #tpu.memory_space<vmem>>) offsets(%dma_start3A_2002 : memref<128xi32, #tpu.memory_space<vmem>>) semaphore(%arg17 : memref<!tpu.dma_semaphore, #tpu.memory_space<semaphore_mem>>)
    }
    %scan3A_866 = arith.constant 39 : i32
    %dma_wait3A = arith.constant 24960 : i32
    %dma_wait3A_867 = tpu.memref_slice %arg6[%dma_wait3A] : memref<25600xi32, #tpu.memory_space<vmem>> -> memref<128xi32, #tpu.memory_space<vmem>>
    %dma_wait3A_868 = arith.constant 0 : i32
    %dma_wait3A_869 = arith.constant 0 : i32
    %dma_wait3A_870 = tpu.memref_slice %arg4[%dma_wait3A_868, %dma_wait3A_869] : memref<100001x128xf32, #tpu.memory_space<hbm>> -> memref<100001x128xf32, #tpu.memory_space<hbm>>
    tpu.wait_indirect_dma semaphore(%arg13 : memref<!tpu.dma_semaphore, #tpu.memory_space<semaphore_mem>>) src(%dma_wait3A_870 : memref<100001x128xf32, #tpu.memory_space<hbm>>) dst(%arg8 : memref<128x128xf32, #tpu.memory_space<vmem>>)
    %add3A_871 = arith.constant 24960 : i32
    %add3A_872 = arith.addi %mul3A_2, %add3A_871 : i32
    %dma_start3A_873 = arith.constant 0 : i32
    %dma_start3A_874 = tpu.memref_slice %arg5[%add3A_872, %dma_start3A_873] : memref<819200x128xf32, #tpu.memory_space<hbm>> -> memref<128x128xf32, #tpu.memory_space<hbm>>
    %dma_start3A_875 = arith.constant 0 : i32
    %dma_start3A_876 = tpu.memref_slice %arg5[%add3A_872, %dma_start3A_875] : memref<819200x128xf32, #tpu.memory_space<hbm>> -> memref<128x128xf32, #tpu.memory_space<hbm>>
    tpu.enqueue_dma source(%arg8 : memref<128x128xf32, #tpu.memory_space<vmem>>) target(%dma_start3A_876 : memref<128x128xf32, #tpu.memory_space<hbm>>) target_semaphore(%arg18 : memref<!tpu.dma_semaphore, #tpu.memory_space<semaphore_mem>>)
    %dma_wait3A_877 = arith.constant 25088 : i32
    %dma_wait3A_878 = tpu.memref_slice %arg6[%dma_wait3A_877] : memref<25600xi32, #tpu.memory_space<vmem>> -> memref<128xi32, #tpu.memory_space<vmem>>
    %dma_wait3A_879 = arith.constant 0 : i32
    %dma_wait3A_880 = arith.constant 0 : i32
    %dma_wait3A_881 = tpu.memref_slice %arg4[%dma_wait3A_879, %dma_wait3A_880] : memref<100001x128xf32, #tpu.memory_space<hbm>> -> memref<100001x128xf32, #tpu.memory_space<hbm>>
    tpu.wait_indirect_dma semaphore(%arg14 : memref<!tpu.dma_semaphore, #tpu.memory_space<semaphore_mem>>) src(%dma_wait3A_881 : memref<100001x128xf32, #tpu.memory_space<hbm>>) dst(%arg9 : memref<128x128xf32, #tpu.memory_space<vmem>>)
    %add3A_882 = arith.constant 25088 : i32
    %add3A_883 = arith.addi %mul3A_2, %add3A_882 : i32
    %dma_start3A_884 = arith.constant 0 : i32
    %dma_start3A_885 = tpu.memref_slice %arg5[%add3A_883, %dma_start3A_884] : memref<819200x128xf32, #tpu.memory_space<hbm>> -> memref<128x128xf32, #tpu.memory_space<hbm>>
    %dma_start3A_886 = arith.constant 0 : i32
    %dma_start3A_887 = tpu.memref_slice %arg5[%add3A_883, %dma_start3A_886] : memref<819200x128xf32, #tpu.memory_space<hbm>> -> memref<128x128xf32, #tpu.memory_space<hbm>>
    tpu.enqueue_dma source(%arg9 : memref<128x128xf32, #tpu.memory_space<vmem>>) target(%dma_start3A_887 : memref<128x128xf32, #tpu.memory_space<hbm>>) target_semaphore(%arg19 : memref<!tpu.dma_semaphore, #tpu.memory_space<semaphore_mem>>)
    %dma_wait3A_888 = arith.constant 25216 : i32
    %dma_wait3A_889 = tpu.memref_slice %arg6[%dma_wait3A_888] : memref<25600xi32, #tpu.memory_space<vmem>> -> memref<128xi32, #tpu.memory_space<vmem>>
    %dma_wait3A_890 = arith.constant 0 : i32
    %dma_wait3A_891 = arith.constant 0 : i32
    %dma_wait3A_892 = tpu.memref_slice %arg4[%dma_wait3A_890, %dma_wait3A_891] : memref<100001x128xf32, #tpu.memory_space<hbm>> -> memref<100001x128xf32, #tpu.memory_space<hbm>>
    tpu.wait_indirect_dma semaphore(%arg15 : memref<!tpu.dma_semaphore, #tpu.memory_space<semaphore_mem>>) src(%dma_wait3A_892 : memref<100001x128xf32, #tpu.memory_space<hbm>>) dst(%arg10 : memref<128x128xf32, #tpu.memory_space<vmem>>)
    %add3A_893 = arith.constant 25216 : i32
    %add3A_894 = arith.addi %mul3A_2, %add3A_893 : i32
    %dma_start3A_895 = arith.constant 0 : i32
    %dma_start3A_896 = tpu.memref_slice %arg5[%add3A_894, %dma_start3A_895] : memref<819200x128xf32, #tpu.memory_space<hbm>> -> memref<128x128xf32, #tpu.memory_space<hbm>>
    %dma_start3A_897 = arith.constant 0 : i32
    %dma_start3A_898 = tpu.memref_slice %arg5[%add3A_894, %dma_start3A_897] : memref<819200x128xf32, #tpu.memory_space<hbm>> -> memref<128x128xf32, #tpu.memory_space<hbm>>
    tpu.enqueue_dma source(%arg10 : memref<128x128xf32, #tpu.memory_space<vmem>>) target(%dma_start3A_898 : memref<128x128xf32, #tpu.memory_space<hbm>>) target_semaphore(%arg20 : memref<!tpu.dma_semaphore, #tpu.memory_space<semaphore_mem>>)
    %dma_wait3A_899 = arith.constant 25344 : i32
    %dma_wait3A_900 = tpu.memref_slice %arg6[%dma_wait3A_899] : memref<25600xi32, #tpu.memory_space<vmem>> -> memref<128xi32, #tpu.memory_space<vmem>>
    %dma_wait3A_901 = arith.constant 0 : i32
    %dma_wait3A_902 = arith.constant 0 : i32
    %dma_wait3A_903 = tpu.memref_slice %arg4[%dma_wait3A_901, %dma_wait3A_902] : memref<100001x128xf32, #tpu.memory_space<hbm>> -> memref<100001x128xf32, #tpu.memory_space<hbm>>
    tpu.wait_indirect_dma semaphore(%arg16 : memref<!tpu.dma_semaphore, #tpu.memory_space<semaphore_mem>>) src(%dma_wait3A_903 : memref<100001x128xf32, #tpu.memory_space<hbm>>) dst(%arg11 : memref<128x128xf32, #tpu.memory_space<vmem>>)
    %add3A_904 = arith.constant 25344 : i32
    %add3A_905 = arith.addi %mul3A_2, %add3A_904 : i32
    %dma_start3A_906 = arith.constant 0 : i32
    %dma_start3A_907 = tpu.memref_slice %arg5[%add3A_905, %dma_start3A_906] : memref<819200x128xf32, #tpu.memory_space<hbm>> -> memref<128x128xf32, #tpu.memory_space<hbm>>
    %dma_start3A_908 = arith.constant 0 : i32
    %dma_start3A_909 = tpu.memref_slice %arg5[%add3A_905, %dma_start3A_908] : memref<819200x128xf32, #tpu.memory_space<hbm>> -> memref<128x128xf32, #tpu.memory_space<hbm>>
    tpu.enqueue_dma source(%arg11 : memref<128x128xf32, #tpu.memory_space<vmem>>) target(%dma_start3A_909 : memref<128x128xf32, #tpu.memory_space<hbm>>) target_semaphore(%arg21 : memref<!tpu.dma_semaphore, #tpu.memory_space<semaphore_mem>>)
    %dma_wait3A_910 = arith.constant 25472 : i32
    %dma_wait3A_911 = tpu.memref_slice %arg6[%dma_wait3A_910] : memref<25600xi32, #tpu.memory_space<vmem>> -> memref<128xi32, #tpu.memory_space<vmem>>
    %dma_wait3A_912 = arith.constant 0 : i32
    %dma_wait3A_913 = arith.constant 0 : i32
    %dma_wait3A_914 = tpu.memref_slice %arg4[%dma_wait3A_912, %dma_wait3A_913] : memref<100001x128xf32, #tpu.memory_space<hbm>> -> memref<100001x128xf32, #tpu.memory_space<hbm>>
    tpu.wait_indirect_dma semaphore(%arg17 : memref<!tpu.dma_semaphore, #tpu.memory_space<semaphore_mem>>) src(%dma_wait3A_914 : memref<100001x128xf32, #tpu.memory_space<hbm>>) dst(%arg12 : memref<128x128xf32, #tpu.memory_space<vmem>>)
    %add3A_915 = arith.constant 25472 : i32
    %add3A_916 = arith.addi %mul3A_2, %add3A_915 : i32
    %dma_start3A_917 = arith.constant 0 : i32
    %dma_start3A_918 = tpu.memref_slice %arg5[%add3A_916, %dma_start3A_917] : memref<819200x128xf32, #tpu.memory_space<hbm>> -> memref<128x128xf32, #tpu.memory_space<hbm>>
    %dma_start3A_919 = arith.constant 0 : i32
    %dma_start3A_920 = tpu.memref_slice %arg5[%add3A_916, %dma_start3A_919] : memref<819200x128xf32, #tpu.memory_space<hbm>> -> memref<128x128xf32, #tpu.memory_space<hbm>>
    tpu.enqueue_dma source(%arg12 : memref<128x128xf32, #tpu.memory_space<vmem>>) target(%dma_start3A_920 : memref<128x128xf32, #tpu.memory_space<hbm>>) target_semaphore(%arg22 : memref<!tpu.dma_semaphore, #tpu.memory_space<semaphore_mem>>)
    %add3A_921 = arith.constant 24960 : i32
    %add3A_922 = arith.addi %mul3A_2, %add3A_921 : i32
    %dma_wait3A_923 = arith.constant 0 : i32
    %dma_wait3A_924 = tpu.memref_slice %arg5[%add3A_922, %dma_wait3A_923] : memref<819200x128xf32, #tpu.memory_space<hbm>> -> memref<128x128xf32, #tpu.memory_space<hbm>>
    %dma_wait3A_925 = arith.constant 0 : i32
    %dma_wait3A_926 = tpu.memref_slice %arg5[%add3A_922, %dma_wait3A_925] : memref<819200x128xf32, #tpu.memory_space<hbm>> -> memref<128x128xf32, #tpu.memory_space<hbm>>
    tpu.wait_dma2 semaphore(%arg18 : memref<!tpu.dma_semaphore, #tpu.memory_space<semaphore_mem>>) src(%arg8 : memref<128x128xf32, #tpu.memory_space<vmem>>) dst(%dma_wait3A_926 : memref<128x128xf32, #tpu.memory_space<hbm>>)
    %add3A_927 = arith.constant 25088 : i32
    %add3A_928 = arith.addi %mul3A_2, %add3A_927 : i32
    %dma_wait3A_929 = arith.constant 0 : i32
    %dma_wait3A_930 = tpu.memref_slice %arg5[%add3A_928, %dma_wait3A_929] : memref<819200x128xf32, #tpu.memory_space<hbm>> -> memref<128x128xf32, #tpu.memory_space<hbm>>
    %dma_wait3A_931 = arith.constant 0 : i32
    %dma_wait3A_932 = tpu.memref_slice %arg5[%add3A_928, %dma_wait3A_931] : memref<819200x128xf32, #tpu.memory_space<hbm>> -> memref<128x128xf32, #tpu.memory_space<hbm>>
    tpu.wait_dma2 semaphore(%arg19 : memref<!tpu.dma_semaphore, #tpu.memory_space<semaphore_mem>>) src(%arg9 : memref<128x128xf32, #tpu.memory_space<vmem>>) dst(%dma_wait3A_932 : memref<128x128xf32, #tpu.memory_space<hbm>>)
    %add3A_933 = arith.constant 25216 : i32
    %add3A_934 = arith.addi %mul3A_2, %add3A_933 : i32
    %dma_wait3A_935 = arith.constant 0 : i32
    %dma_wait3A_936 = tpu.memref_slice %arg5[%add3A_934, %dma_wait3A_935] : memref<819200x128xf32, #tpu.memory_space<hbm>> -> memref<128x128xf32, #tpu.memory_space<hbm>>
    %dma_wait3A_937 = arith.constant 0 : i32
    %dma_wait3A_938 = tpu.memref_slice %arg5[%add3A_934, %dma_wait3A_937] : memref<819200x128xf32, #tpu.memory_space<hbm>> -> memref<128x128xf32, #tpu.memory_space<hbm>>
    tpu.wait_dma2 semaphore(%arg20 : memref<!tpu.dma_semaphore, #tpu.memory_space<semaphore_mem>>) src(%arg10 : memref<128x128xf32, #tpu.memory_space<vmem>>) dst(%dma_wait3A_938 : memref<128x128xf32, #tpu.memory_space<hbm>>)
    %add3A_939 = arith.constant 25344 : i32
    %add3A_940 = arith.addi %mul3A_2, %add3A_939 : i32
    %dma_wait3A_941 = arith.constant 0 : i32
    %dma_wait3A_942 = tpu.memref_slice %arg5[%add3A_940, %dma_wait3A_941] : memref<819200x128xf32, #tpu.memory_space<hbm>> -> memref<128x128xf32, #tpu.memory_space<hbm>>
    %dma_wait3A_943 = arith.constant 0 : i32
    %dma_wait3A_944 = tpu.memref_slice %arg5[%add3A_940, %dma_wait3A_943] : memref<819200x128xf32, #tpu.memory_space<hbm>> -> memref<128x128xf32, #tpu.memory_space<hbm>>
    tpu.wait_dma2 semaphore(%arg21 : memref<!tpu.dma_semaphore, #tpu.memory_space<semaphore_mem>>) src(%arg11 : memref<128x128xf32, #tpu.memory_space<vmem>>) dst(%dma_wait3A_944 : memref<128x128xf32, #tpu.memory_space<hbm>>)
    %add3A_945 = arith.constant 25472 : i32
    %add3A_946 = arith.addi %mul3A_2, %add3A_945 : i32
    %dma_wait3A_947 = arith.constant 0 : i32
    %dma_wait3A_948 = tpu.memref_slice %arg5[%add3A_946, %dma_wait3A_947] : memref<819200x128xf32, #tpu.memory_space<hbm>> -> memref<128x128xf32, #tpu.memory_space<hbm>>
    %dma_wait3A_949 = arith.constant 0 : i32
    %dma_wait3A_950 = tpu.memref_slice %arg5[%add3A_946, %dma_wait3A_949] : memref<819200x128xf32, #tpu.memory_space<hbm>> -> memref<128x128xf32, #tpu.memory_space<hbm>>
    tpu.wait_dma2 semaphore(%arg22 : memref<!tpu.dma_semaphore, #tpu.memory_space<semaphore_mem>>) src(%arg12 : memref<128x128xf32, #tpu.memory_space<vmem>>) dst(%dma_wait3A_950 : memref<128x128xf32, #tpu.memory_space<hbm>>)
    return
  }
}

</mosaic_0001>

<sc_bundles>
// kernel: kernel.3.cloned.1.call-start
scs
__scs_entry_jumppad:
0x0: {  	(pc) =	sbr.rel $0x88, $3  }
0x1: {  	(tag) =	ssettag $0x0;
	lr =	simm.s32 $0x1  }
0x2: {  	[smem:$0x3F9E] =	sst lr;
	_ =	strace $0xD0000000  }
0x3: {  	_ = 	snop  }
0x4: {  	_ = 	snop  }
0x5: {  	_ = 	snop  }
0x6: {  	_ = 	snop  }
0x7: {  	_ = 	snop  }
__scs_overlays_trampoline_lowered:
0x8: {  	[smem:$0x3FAD] =	sst s0  }
0x9: {  	[smem:$0x3FAE] =	sst s1  }
0xa: {  	[smem:$0x3FAF] =	sst s2  }
0xb: {  	[smem:$0x3FB0] =	sst s3  }
0xc: {  	[smem:$0x3FB1] =	sst s4  }
0xd: {  	[smem:$0x3FB2] =	sst s5  }
0xe: {  	[smem:$0x3FB3] =	sst s6  }
0xf: {  	[smem:$0x3FB4] =	sst s7  }
0x10: {  	[smem:$0x3FB5] =	sst s8  }
0x11: {  	[smem:$0x3FB6] =	sst s9;
	s0 =	simm.s32 @!p0 $0x0  }
0x12: {  	s1 =	sld [smem:$0x3F9C];
	s0 =	simm.s32 @p0 $0x1  }
0x13: {  	[smem:$0x3FB7] =	sst s0;
	s0 =	simm.s32 @!p1 $0x0  }
0x14: {  	s2 =	sld [smem:$0x3F9B];
	s0 =	simm.s32 @p1 $0x1  }
0x15: {  	[smem:$0x3FB8] =	sst s0;
	s0 =	simm.s32 @!p2 $0x0  }
0x16: {  	s3 =	sld [smem:$0x3FDB];
	s0 =	simm.s32 @p2 $0x1  }
0x17: {  	s4 =	simm.s32 $0x1BF5;
	[smem:$0x3FBA] =	sst s0  }
0x18: {  	s0 =	sld [smem:$0x3F9D];
	_ =	swait.ge [sflag:s4], $0x0  }
0x19: {  	s7 =	sld [smem:$0x3F9E]  }
0x1a: {  	s8 =	sadd.s32 $0xFFFFE003, lr  }
0x1b: {  	s9 =	sadd.s32 $0xFFFFFEF7, lr;
	s5 =	simm.s32 $0xFFFFFFFF;
	p2 =	slt.u32 s8, $0xFFFFF086  }
0x1c: {  	p1 =	slt.u32 s9, $0xF7A;
	s5 =	simm.s32 @!p2 $0x0  }
0x1d: {  	s5 =	simm.s32 @p1 $0x1;
	p0 =	seq.s32 s7, s2  }
0x1e: {  	s7 =	smul.u32 @!p0 $0xF7A, s2;
	p2 =	seq.s32 @!p0 s5, $0x0  }
0x1f: {  	s9 =	smul.u32 $0xF7A, s1;
	s8 =	simm.s32 @!p0 $0x1BF5;
	p2 =	por !p2, p0  }
0x20: {  	[sflag:s8] =	ssyncset.s32 @!p0 $0xFFFFF086;
	s6 =	sadd.s32 @!p0 s3, s7;
	s7 =	simm.s32 @!p0 $0x108  }
0x21: {  	s3 =	sadd.s32 s3, s9;
	s6 =	sadd.s32 @!p0 $0x88, s6;
	s7 =	simm.s32 @p2 $0x1082  }
0x22: {  	[simem:s7], [sflag:s8] =	dma.local @!p0 [hbm:s6], $0xF7A  }
0x23: {  	s9 =	sor.u32 $0xD0000000, s2;
	s6 =	simm.s32 $0x108;
	_ =	swait.ge @!p0 [sflag:s8], $0x0  }
0x24: {  	s3 =	sadd.s32 $0x88, s3;
	s6 =	simm.s32 @!p1 $0x1082;
	[sflag:s4] =	ssyncset.s32 $0xFFFFF086  }
0x25: {  	[simem:s6], [sflag:s4] =	dma.local [hbm:s3], $0xF7A  }
0x26: {  	[smem:$0x3F9E] =	sst s1;
	(tag) =	ssettag s2;
	_ =	strace s9  }
0x27: {  	s1 =	sld [smem:$0x3FAE]  }
0x28: {  	s2 =	sld [smem:$0x3FAF]  }
0x29: {  	s4 =	sld [smem:$0x3FB1]  }
0x2a: {  	p0 =	seq.s32 s5, $0x0;
	s5 =	sld [smem:$0x3FB2]  }
0x2b: {  	s6 =	sld [smem:$0x3FB3]  }
0x2c: {  	s7 =	sld [smem:$0x3FB4]  }
0x2d: {  	s3 =	simm.s32 $0x108;
	s8 =	sld [smem:$0x3FB5]  }
0x2e: {  	s3 =	simm.s32 @!p0 $0x1082;
	s9 =	sld [smem:$0x3FB6]  }
0x2f: {  	lr =	sadd.s32 s0, s3;
	s0 =	sld [smem:$0x3FAD]  }
0x30: {  	s3 =	sld [smem:$0x3FB0]  }
0x31: {  	[smem:$0x3FB9] =	sst s10  }
0x32: {  	s10 =	sld [smem:$0x3FB7];
	_ =	sdelay $0x3  }
0x33: {  	p0 =	seq.s32 s10, $0x1;
	s10 =	sld [smem:$0x3FB9];
	_ =	sdelay $0x3  }
0x34: {  	[smem:$0x3FB9] =	sst s10  }
0x35: {  	s10 =	sld [smem:$0x3FB8];
	_ =	sdelay $0x3  }
0x36: {  	p1 =	seq.s32 s10, $0x1;
	s10 =	sld [smem:$0x3FB9];
	_ =	sdelay $0x3  }
0x37: {  	[smem:$0x3FB9] =	sst s10  }
0x38: {  	s10 =	sld [smem:$0x3FBA]  }
0x39: {  	_ = 	snop;
	(pc) =	sbr.ind lr, $3  }
0x3a: {  	_ = 	snop  }
0x3b: {  	_ = 	snop  }
0x3c: {  	p2 =	seq.s32 s10, $0x1;
	s10 =	sld [smem:$0x3FB9]  }
0x3d: {  	_ =	shalt  }
0x3e: {  	_ =	shalt  }
0x3f: {  	_ =	shalt  }
0x40: {  	_ =	shalt  }
0x41: {  	_ =	shalt  }
0x42: {  	_ =	shalt  }
0x43: {  	_ =	shalt  }
0x44: {  	_ =	shalt  }
0x45: {  	_ =	shalt  }
0x46: {  	_ =	shalt  }
0x47: {  	_ =	shalt  }
0x48: {  	_ =	shalt  }
0x49: {  	_ =	shalt  }
0x4a: {  	_ =	shalt  }
0x4b: {  	_ =	shalt  }
0x4c: {  	_ =	shalt  }
0x4d: {  	_ =	shalt  }
0x4e: {  	_ =	shalt  }
0x4f: {  	_ =	shalt  }
0x50: {  	_ =	shalt  }
0x51: {  	_ =	shalt  }
0x52: {  	_ =	shalt  }
0x53: {  	_ =	shalt  }
0x54: {  	_ =	shalt  }
0x55: {  	_ =	shalt  }
0x56: {  	_ =	shalt  }
0x57: {  	_ =	shalt  }
0x58: {  	_ =	shalt  }
0x59: {  	_ =	shalt  }
0x5a: {  	_ =	shalt  }
0x5b: {  	_ =	shalt  }
0x5c: {  	_ =	shalt  }
0x5d: {  	_ =	shalt  }
0x5e: {  	_ =	shalt  }
0x5f: {  	_ =	shalt  }
0x60: {  	_ =	shalt  }
0x61: {  	_ =	shalt  }
0x62: {  	_ =	shalt  }
0x63: {  	_ =	shalt  }
0x64: {  	_ =	shalt  }
0x65: {  	_ =	shalt  }
0x66: {  	_ =	shalt  }
0x67: {  	_ =	shalt  }
0x68: {  	_ =	shalt  }
0x69: {  	_ =	shalt  }
0x6a: {  	_ =	shalt  }
0x6b: {  	_ =	shalt  }
0x6c: {  	_ =	shalt  }
0x6d: {  	_ =	shalt  }
0x6e: {  	_ =	shalt  }
0x6f: {  	_ =	shalt  }
0x70: {  	_ =	shalt  }
0x71: {  	_ =	shalt  }
0x72: {  	_ =	shalt  }
0x73: {  	_ =	shalt  }
0x74: {  	_ =	shalt  }
0x75: {  	_ =	shalt  }
0x76: {  	_ =	shalt  }
0x77: {  	_ =	shalt  }
0x78: {  	_ =	shalt  }
0x79: {  	_ =	shalt  }
0x7a: {  	_ =	shalt  }
0x7b: {  	_ =	shalt  }
0x7c: {  	_ =	shalt  }
0x7d: {  	_ =	shalt  }
0x7e: {  	_ =	shalt  }
0x7f: {  	_ =	shalt  }
0x80: {  	_ =	shalt  }
0x81: {  	_ =	shalt  }
0x82: {  	_ =	shalt  }
0x83: {  	_ =	shalt  }
0x84: {  	_ =	shalt  }
0x85: {  	_ =	shalt  }
0x86: {  	_ =	shalt  }
0x87: {  	_ =	shalt  }
.Lfunc_end0:
.L_simem_size_0:
called_computation_lowered:
.L_overlay_start_0:
0x88: {  	s2 =	sld [smem:$0x3FD9]  }
0x89: {  	s3 =	sld [smem:$0x3FFE];
	_ =	sdelay $0x1  }
0x8a: {  	s1 =	srdreg.scid  }
0x8b: {  	s0 =	sand.u32 $0x1, s1  }
0x8c: {  	s17 =	sshll.u32 s0, $0xA;
	s2 =	sadd.s32 s3, s2  }
0x8d: {  	s2 =	sadd.s32 s2, s17  }
0x8e: {  	[smem:$0x3FC5] =	sst s2  }
0x8f: {  	_ = 	snop  }
0x90: {  	s2 =	sld [smem:$0x3FC7]  }
0x91: {  	s18 =	sld [smem:$0x3FD0];
	(tm) =	ssettm $0x1  }
0x92: {  	s4 =	sld [smem:$0x3FFB];
	_ =	sdelay $0x3  }
0x93: {  	_ =	strace s4  }
0x94: {  	s4 =	sld [smem:$0x3FFC];
	_ =	sdelay $0x3  }
0x95: {  	_ =	strace s4  }
0x96: {  	s4 =	sld [smem:$0x3FFD];
	_ =	sdelay $0x3  }
0x97: {  	_ =	strace s4  }
0x98: {  	_ =	strace $0x8FFFFFFF  }
0x99: {  	s19 =	sld [smem:$0x3FDB];
	_ =	sdelay $0x1  }
0x9a: {  	s5 =	simm.s32 $_scs_section_size  }
0x9b: {  	s6 =	simm.s32 $_size__tile_overlayer_lowered;
	s7 =	simm.s32 $_tile_overlayer_lowered  }
0x9c: {  	s22 =	simm.s32 $0x1BFF;
	s21 =	sshll.u32 s7, $0x1;
	s4 =	sadd.s32 s5, s19  }
0x9d: {  	s8 =	simm.s32 $0x0;
	s20 =	sshll.u32 s6, $0x1;
	s6 =	sadd.s32 s21, s4  }
0x9e: {  	[timem:s8], [sflag:s22] =	dma.local [hbm:s6], s20  }
0x9f: {  	_ =	swait.ge [sflag:s22], s20  }
0xa0: {  	s5 =	ssub.s32 $0x0, s20;
	[sflag:s22] =	ssyncset.done $0x0  }
0xa1: {  	[sflag:s22] =	ssyncadd.s32 s5;
	_ =	sdelay $0x1  }
0xa2: {  	s23 =	simm.s32 $0x1B8B  }
0xa3: {  	_ =	swait.ge [sflag:s23], $0x1  }
0xa4: {  	[sflag:s23] =	ssyncset.done $0x0  }
0xa5: {  	s25 =	simm.s32 $0x1B8E;
	s24 =	sld [smem:$0x3FFE];
	[sflag:s23] =	ssyncadd.s32 $0xFFFFFFFF  }
0xa6: {  	s26 =	simm.s32 $execute0_lowered;
	[smem:$0x3FD2] =	sst s25  }
0xa7: {  	s6 =	sshll.u32 s26, $0x1;
	_ =	strace $0x80000046;
	[dreg:$0x1] =	wrdreg $0xFFFFFFFF  }
0xa8: {  	s28 =	simm.s32 $_size_execute0_lowered;
	s4 =	sadd.s32 s4, s6;
	[dreg:$0x0] =	wrdreg $0x0  }
0xa9: {  	s6 =	sshll.u32 s28, $0x1;
	[dreg:$0x2] =	wrdreg s4  }
0xaa: {  	[dreg:$0x3] =	wrdreg s6  }
0xab: {  	[dreg:$0x4] =	wrdreg $0xC0  }
0xac: {  	_ =	task [dreg:s8], $0x5FFFF  }
0xad: {  	[dreg:$0x1] =	wrdreg $0xFFFFFFFF  }
0xae: {  	[dreg:$0x0] =	wrdreg $0x60  }
0xaf: {  	[dreg:$0x2] =	wrdreg s24  }
0xb0: {  	[dreg:$0x3] =	wrdreg s2  }
0xb1: {  	[dreg:$0x4] =	wrdreg s18  }
0xb2: {  	[dreg:$0x5] =	wrdreg $0x9  }
0xb3: {  	_ =	task.clear_ibuf [dreg:s8], $0x6FFFF;
	_ =	strace $0x90000046  }
0xb4: {  	s29 =	simm.s32 $0x9;
	_ =	strace $0x80000048  }
0xb5: {  	_ =	swait.ge [sflag:s29], $0x1  }
0xb6: {  	[sflag:s29] =	ssyncadd.s32 $0xFFFFFFFF  }
0xb7: {  	_ =	strace $0x90000048  }
0xb8: {  	_ =	sfence  }
0xb9: {  	s30 =	sld [smem:$0x0];
	_ =	sdelay $0x2  }
0xba: {  	s31 =	sshll.u32 s1, $0xD;
	s1 =	sshrl.u32 s1, $0x2  }
0xbb: {  	s3 =	sand.u32 $0x4000, s31;
	s1 =	sadd.s32 s1, s30  }
0xbc: {  	s0 =	sor.u32 s3, s0;
	s1 =	sshll.u32 s1, $0x11  }
0xbd: {  	s0 =	sor.u32 s1, s0  }
0xbe: {  	s0 =	sadd.s32 $0x8F2B, s0  }
0xbf: {  	[sflag:s0] =	ssyncadd.remote.s32 $0x1  }
0xc0: {  	_ =	sfence.sel $0xFFFF  }
0xc1: {  	[dreg:$0x0] =	wrdreg $0xFFFFFFFF;
	(pc) =	sbr.abs _section_cstart, $3  }
0xc2: {  	[dreg:$0x1] =	wrdreg $0xFFFFFFFF  }
0xc3: {  	_ =	task.clear_ibuf [dreg:s8], $0x2FFFF;
	_ =	strace $0x9FFFFFFF  }
0xc4: {  	(tm) =	ssettm $0x7FFFFFFF  }
0xc5: {  	_ =	shalt  }
tec
execute0_lowered:
.L_overlay_start_1:
0x0: {  	(tag) =	ssettag $0x1  }
0x1: {  	s0 =	srdreg.scid;
	s16 =	stileid.u32  }
0x2: {  	s0 =	sand.u32 $0x1, s0;
	s1 =	sshll.u32 s16, $0x1  }
0x3: {  	s4 =	sor.u32 s0, s1  }
0x4: {  	s2 =	smul.u32 $0x6400, s4  }
0x5: {  	v0 =	vlaneseq.u32  }
0x6: {  	v1 =	vor.u32 s2, v0;
	s10 =	sor.u32 $0x10, s2  }
0x7: {  	s11 =	sor.u32 $0x20, s2;
	v2 =	vmulhi.u32 $0x51EB851F, v1;
	v3 =	vor.u32 s10, v0  }
0x8: {  	s12 =	sor.u32 $0x30, s2;
	v5 =	vor.u32 s11, v0;
	v4 =	vmulhi.u32 $0x51EB851F, v3  }
0x9: {  	s13 =	sor.u32 $0x40, s2;
	v7 =	vor.u32 s12, v0;
	v6 =	vmulhi.u32 $0x51EB851F, v5  }
0xa: {  	s18 =	sor.u32 $0x80, s2;
	v9 =	vor.u32 s13, v0;
	v8 =	vmulhi.u32 $0x51EB851F, v7  }
0xb: {  	s19 =	sor.u32 $0x90, s2;
	v12 =	vor.u32 s18, v0;
	v10 =	vmulhi.u32 $0x51EB851F, v9  }
0xc: {  	s7 =	sor.u32 $0x140, s2;
	v14 =	vor.u32 s19, v0;
	v13 =	vmulhi.u32 $0x51EB851F, v12  }
0xd: {  	s8 =	sor.u32 $0x150, s2;
	v24 =	vor.u32 s7, v0;
	v15 =	vmulhi.u32 $0x51EB851F, v14  }
0xe: {  	s17 =	sor.u32 $0x70, s2;
	s9 =	sor.u32 $0x160, s2;
	v26 =	vor.u32 s8, v0;
	v25 =	vmulhi.u32 $0x51EB851F, v24  }
0xf: {  	s20 =	sor.u32 $0xA0, s2;
	v11 =	vor.u32 s17, v0;
	v28 =	vor.u32 s9, v0;
	s13 =	sor.u32 $0x1A0, s2;
	v27 =	vmulhi.u32 $0x51EB851F, v26  }
0x10: {  	s22 =	sor.u32 $0xC0, s2;
	v16 =	vor.u32 s20, v0;
	s17 =	sor.u32 $0x1F0, s2;
	v29 =	vmulhi.u32 $0x51EB851F, v28;
	v30 =	vor.u32 s13, v0  }
0x11: {  	s23 =	sor.u32 $0xD0, s2;
	v17 =	vor.u32 s22, v0;
	s18 =	sor.u32 $0x200, s2;
	v51 =	vor.u32 s17, v0;
	v31 =	vmulhi.u32 $0x51EB851F, v30  }
0x12: {  	s26 =	sor.u32 $0x100, s2;
	v18 =	vor.u32 s23, v0;
	s20 =	sor.u32 $0x210, s2;
	v36 =	vor.u32 s18, v0;
	v52 =	vmulhi.u32 $0x51EB851F, v51  }
0x13: {  	v23 =	vor.u32 s26, v0;
	s22 =	sor.u32 $0x230, s2;
	v38 =	vor.u32 s20, v0;
	v37 =	vmulhi.u32 $0x51EB851F, v36  }
0x14: {  	s23 =	sor.u32 $0x240, s2;
	v39 =	vor.u32 s22, v0;
	v2 =	vshrl.u32 v2, $0x6;
	v54 =	vmulhi.u32 $0x51EB851F, v38  }
0x15: {  	v41 =	vor.u32 s23, v0;
	v40 =	vmulhi.u32 $0x51EB851F, v39;
	v2 =	vmul.u32 $0xC8, v2  }
0x16: {  	v4 =	vshrl.u32 v4, $0x6;
	v6 =	vshrl.u32 v6, $0x6;
	v13 =	vshrl.u32 v13, $0x6  }
0x17: {  	v25 =	vshrl.u32 v25, $0x6;
	v4 =	vmul.u32 $0xC8, v4;
	v6 =	vmul.u32 $0xC8, v6  }
0x18: {  	v58 =	vmulhi.u32 $0x51EB851F, v41;
	v13 =	vmul.u32 $0xC8, v13;
	v25 =	vmul.u32 $0xC8, v25  }
0x19: {  	s14 =	sor.u32 $0x50, s2;
	v1 =	vsub.s32 v1, v2;
	v2 =	vsub.s32 v3, v4;
	v3 =	vsub.s32 v5, v6  }
0x1a: {  	s15 =	sor.u32 $0x60, s2;
	v4 =	vshrl.u32 v8, $0x6;
	v5 =	vshrl.u32 v10, $0x6;
	v6 =	vor.u32 s14, v0;
	s14 =	sor.u32 $0x1B0, s2  }
0x1b: {  	v10 =	vor.u32 s15, v0;
	s15 =	sor.u32 $0x1E0, s2;
	v8 =	vmulhi.u32 $0x51EB851F, v6;
	v32 =	vor.u32 s14, v0  }
0x1c: {  	v4 =	vmul.u32 $0xC8, v4;
	v49 =	vor.u32 s15, v0;
	v33 =	vmulhi.u32 $0x51EB851F, v32  }
0x1d: {  	v31 =	vshrl.u32 v31, $0x6;
	v5 =	vmul.u32 $0xC8, v5;
	v50 =	vmulhi.u32 $0x51EB851F, v49  }
0x1e: {  	v53 =	vshrl.u32 v37, $0x6;
	v4 =	vsub.s32 v7, v4;
	v7 =	vmulhi.u32 $0x51EB851F, v10  }
0x1f: {  	v56 =	vshrl.u32 v54, $0x6;
	s14 =	sor.u32 $0x260, s2;
	v5 =	vsub.s32 v9, v5;
	v9 =	vmulhi.u32 $0x51EB851F, v11  }
0x20: {  	v43 =	vor.u32 s14, v0;
	v8 =	vshrl.u32 v8, $0x6;
	v7 =	vshrl.u32 v7, $0x6  }
0x21: {  	v8 =	vmul.u32 $0xC8, v8;
	v9 =	vshrl.u32 v9, $0x6;
	v7 =	vmul.u32 $0xC8, v7  }
0x22: {  	v40 =	vshrl.u32 v40, $0x6;
	v44 =	vmulhi.u32 $0x51EB851F, v43;
	v9 =	vmul.u32 $0xC8, v9  }
0x23: {  	v6 =	vsub.s32 v6, v8;
	v7 =	vsub.s32 v10, v7;
	v10 =	vmulhi.u32 $0x51EB851F, v16  }
0x24: {  	s21 =	sor.u32 $0xB0, s2;
	v8 =	vsub.s32 v11, v9;
	v9 =	vsub.s32 v12, v13;
	v11 =	vshrl.u32 v15, $0x6  }
0x25: {  	v12 =	vor.u32 s21, v0;
	v11 =	vmul.u32 $0xC8, v11;
	v10 =	vshrl.u32 v10, $0x6  }
0x26: {  	v31 =	vmul.u32 $0xC8, v31;
	v15 =	vmulhi.u32 $0x51EB851F, v12;
	v13 =	vmul.u32 $0xC8, v10  }
0x27: {  	s24 =	sor.u32 $0xE0, s2;
	v40 =	vmul.u32 $0xC8, v40;
	v10 =	vsub.s32 v14, v11;
	v14 =	vmulhi.u32 $0x51EB851F, v17  }
0x28: {  	v11 =	vsub.s32 v16, v13;
	v13 =	vmulhi.u32 $0x51EB851F, v18;
	v16 =	vor.u32 s24, v0  }
0x29: {  	v15 =	vshrl.u32 v15, $0x6;
	v14 =	vshrl.u32 v14, $0x6;
	v19 =	vmulhi.u32 $0x51EB851F, v16  }
0x2a: {  	s25 =	sor.u32 $0xF0, s2;
	v15 =	vmul.u32 $0xC8, v15;
	v14 =	vmul.u32 $0xC8, v14;
	v13 =	vshrl.u32 v13, $0x6  }
0x2b: {  	v20 =	vmul.u32 $0xC8, v13;
	v13 =	vshrl.u32 v19, $0x6;
	v19 =	vor.u32 s25, v0  }
0x2c: {  	v61 =	vshrl.u32 v44, $0x6;
	v21 =	vmul.u32 $0xC8, v13;
	v22 =	vmulhi.u32 $0x51EB851F, v19  }
0x2d: {  	v12 =	vsub.s32 v12, v15;
	v13 =	vsub.s32 v17, v14;
	v17 =	vmulhi.u32 $0x51EB851F, v23  }
0x2e: {  	s3 =	sor.u32 $0x110, s2;
	v14 =	vsub.s32 v18, v20;
	v15 =	vsub.s32 v16, v21;
	v16 =	vshrl.u32 v22, $0x6  }
0x2f: {  	s5 =	sor.u32 $0x120, s2;
	v18 =	vor.u32 s3, v0;
	v17 =	vshrl.u32 v17, $0x6;
	v16 =	vmul.u32 $0xC8, v16  }
0x30: {  	s6 =	sor.u32 $0x130, s2;
	v20 =	vmulhi.u32 $0x51EB851F, v18;
	v21 =	vor.u32 s5, v0;
	v17 =	vmul.u32 $0xC8, v17  }
0x31: {  	s21 =	sor.u32 $0x220, s2;
	v22 =	vor.u32 s6, v0;
	v16 =	vsub.s32 v19, v16;
	v19 =	vmulhi.u32 $0x51EB851F, v21  }
0x32: {  	v55 =	vor.u32 s21, v0;
	v17 =	vsub.s32 v23, v17;
	v23 =	vmulhi.u32 $0x51EB851F, v22  }
0x33: {  	v57 =	vmulhi.u32 $0x51EB851F, v55;
	v20 =	vshrl.u32 v20, $0x6;
	v19 =	vshrl.u32 v19, $0x6  }
0x34: {  	v20 =	vmul.u32 $0xC8, v20;
	v23 =	vshrl.u32 v23, $0x6;
	v19 =	vmul.u32 $0xC8, v19  }
0x35: {  	v48 =	vmul.u32 $0xC8, v61;
	v37 =	vshrl.u32 v57, $0x6;
	v23 =	vmul.u32 $0xC8, v23  }
0x36: {  	v37 =	vmul.u32 $0xC8, v37;
	v18 =	vsub.s32 v18, v20;
	v19 =	vsub.s32 v21, v19  }
0x37: {  	s10 =	sor.u32 $0x170, s2;
	s12 =	sor.u32 $0x190, s2;
	v20 =	vsub.s32 v22, v23;
	v21 =	vsub.s32 v24, v25;
	v22 =	vshrl.u32 v27, $0x6  }
0x38: {  	v23 =	vshrl.u32 v29, $0x6;
	v24 =	vor.u32 s10, v0;
	v29 =	vor.u32 s12, v0;
	s12 =	sor.u32 $0x250, s2  }
0x39: {  	s28 =	simm.s32 $0x7;
	s29 =	simm.s32 $0x3;
	s11 =	sor.u32 $0x180, s2;
	v22 =	vmul.u32 $0xC8, v22;
	v25 =	vmulhi.u32 $0x51EB851F, v24;
	v42 =	vor.u32 s12, v0  }
0x3a: {  	s4 =	smul.u32 $0x320000, s4;
	s7 =	sor.u32 $0x1D0, s2;
	s3 =	sor.u32 $0x1C0, s2;
	v27 =	vor.u32 s11, v0;
	v23 =	vmul.u32 $0xC8, v23;
	v59 =	vmulhi.u32 $0x51EB851F, v42  }
0x3b: {  	s8 =	sshrl.u32 s2, $0x3;
	s13 =	smul.u32 $0xC8000, s16;
	v34 =	vor.u32 s3, v0;
	s2 =	sor.u32 $0x270, s2;
	v22 =	vsub.s32 v26, v22;
	v26 =	vmulhi.u32 $0x51EB851F, v27  }
0x3c: {  	s30 =	simm.s32 $0x8;
	s31 =	simm.s32 $0x4;
	s16 =	smul.u32 $0xC800, s16;
	v45 =	vor.u32 s2, v0;
	v23 =	vsub.s32 v28, v23;
	v28 =	vmulhi.u32 $0x51EB851F, v29  }
0x3d: {  	s1 =	rddreg [dreg:$0x1];
	s4 =	sshrl.u32 s4, $0x3;
	s15 =	smul.u32 $0x64000, s0;
	v46 =	vmulhi.u32 $0x51EB851F, v45;
	v25 =	vshrl.u32 v25, $0x6;
	v26 =	vshrl.u32 v26, $0x6  }
0x3e: {  	s9 =	ssub.s32 $0x2, s0;
	s17 =	simm.s32 $0xA480;
	s0 =	smul.u32 $0x6400, s0;
	v25 =	vmul.u32 $0xC8, v25;
	v28 =	vshrl.u32 v28, $0x6;
	v26 =	vmul.u32 $0xC8, v26  }
0x3f: {  	s23 =	simm.s32 $0x16480;
	s18 =	simm.s32 $0x0;
	s14 =	simm.s32 $0xB;
	v35 =	vmulhi.u32 $0x51EB851F, v34;
	v60 =	vshrl.u32 v59, $0x6;
	v28 =	vmul.u32 $0xC8, v28  }
0x40: {  	s0 =	sadd.s32 s0, s16;
	s16 =	simm.s32 $0x6480;
	s6 =	rddreg [dreg:$0x0];
	v62 =	vshrl.u32 v46, $0x6;
	v24 =	vsub.s32 v24, v25;
	v25 =	vsub.s32 v27, v26  }
0x41: {  	s21 =	simm.s32 $0x12480;
	s5 =	rddreg [dreg:$0x2];
	s3 =	simm.s32 $0x0;
	v26 =	vsub.s32 v29, v28;
	v27 =	vsub.s32 v30, v31;
	v28 =	vshrl.u32 v33, $0x6  }
0x42: {  	[smem:$0x7FF] =	sst s3;
	s8 =	sadd.s32 s8, s6;
	s6 =	sadd.s32 $0x19400, s6;
	v29 =	vshrl.u32 v35, $0x6;
	v30 =	vor.u32 s7, v0;
	v33 =	vmul.u32 $0xC8, v53  }
0x43: {  	s4 =	sadd.s32 s5, s4;
	_ =	strace $0x80000047;
	[dreg:$0x5] =	wrdreg s6;
	v28 =	vmul.u32 $0xC8, v28;
	v29 =	vmul.u32 $0xC8, v29;
	v31 =	vmulhi.u32 $0x51EB851F, v30  }
0x44: {  	s26 =	sadd.s32 s13, s5;
	s19 =	sadd.s32 $0x400, s8;
	[dreg:$0x4] =	wrdreg s0;
	v63 =	vmul.u32 $0xC8, v60;
	v44 =	vmul.u32 $0xC8, v62;
	v33 =	vsub.s32 v36, v33  }
0x45: {  	s13 =	simm.s32 $0xA;
	s24 =	sadd.s32 $0x61800, s4;
	[dreg:$0x6] =	wrdreg s19;
	v28 =	vsub.s32 v32, v28;
	v29 =	vsub.s32 v34, v29;
	v31 =	vshrl.u32 v31, $0x6  }
0x46: {  	s25 =	sadd.s32 $0x62000, s4;
	s8 =	sadd.s32 $0x62800, s4;
	[dreg:$0x7] =	wrdreg s24;
	v32 =	vshrl.u32 v50, $0x6;
	v34 =	vshrl.u32 v52, $0x6;
	v31 =	vmul.u32 $0xC8, v31  }
0x47: {  	s0 =	simm.s32 $0x5;
	[dreg:$0x8] =	wrdreg s25;
	s19 =	simm.s32 $0xE480;
	v36 =	vshrl.u32 v58, $0x6;
	v32 =	vmul.u32 $0xC8, v32;
	v34 =	vmul.u32 $0xC8, v34  }
0x48: {  	s24 =	simm.s32 $0x1;
	s25 =	simm.s32 $0x6;
	s10 =	sshrl.u32 s9, $0x1;
	v35 =	vsub.s32 v55, v37;
	v47 =	vmul.u32 $0xC8, v36;
	v30 =	vsub.s32 v30, v31  }
0x49: {  	s11 =	ssub.s32 s9, s10;
	s9 =	sadd.s32 $0x63000, s4;
	s10 =	sadd.s32 $0x63800, s4;
	v31 =	vsub.s32 v49, v32;
	v32 =	vsub.s32 v51, v34;
	v34 =	vmul.u32 $0xC8, v56  }
0x4a: {  	s4 =	sadd.s32 s15, s26;
	s15 =	simm.s32 $0x80;
	s26 =	simm.s32 $0x2;
	v36 =	vsub.s32 v39, v40;
	v39 =	vsub.s32 v43, v48;
	v40 =	vsub.s32 v45, v44  }
0x4b: {  	s2 =	simm.s32 $0x9;
	s11 =	smax.u32 s11, $0x1;
	s22 =	sadd.s32 $0x2000, s4;
	v37 =	vsub.s32 v41, v47;
	v34 =	vsub.s32 v38, v34;
	v38 =	vsub.s32 v42, v63  }
.LBB2_1:
0x4c: {  	s4 =	rddreg [dreg:$0x5];
	s5 =	simm.s32 $0x6400  }
0x4d: {  	[tilespmem:s5], [sflag:$0xB] =	stream.linear.gather [hbm4b:s4+s3], $0x80, $0x38;
	[tilespmem:$0x1A480] =	vst v63  }
0x4e: {  	_ =	swait.ge [sflag:s14], $0x80  }
0x4f: {  	[sflag:s14] =	ssyncset.done $0x0  }
0x50: {  	s6 =	rddreg [dreg:$0x6];
	[sflag:s14] =	ssyncadd.s32 $0xFFFFFF80  }
0x51: {  	[tilespmem:s3], [sflag:$0xB] =	stream.linear.gather [hbm4b:s6+s3], $0x6400, $0x38;
	[tilespmem:$0x1A480] =	vst v63  }
0x52: {  	_ =	swait.ge [sflag:s14], $0x6400  }
0x53: {  	[sflag:s14] =	ssyncset.done $0x0  }
0x54: {  	[sflag:s14] =	ssyncadd.s32 $0xFFFF9C00  }
0x55: {  	v41 =	vld [tilespmem:$0x6400]  }
0x56: {  	v42 =	vld [tilespmem:$0x0]  }
0x57: {  	v43 =	vld [tilespmem:$0x10]  }
0x58: {  	v44 =	vld [tilespmem:$0x20]  }
0x59: {  	v45 =	vld [tilespmem:$0x30]  }
0x5a: {  	v46 =	vld [tilespmem:$0x40]  }
0x5b: {  	v47 =	vld [tilespmem:$0x50];
	vm0 =	vlt.s32 v1, v41;
	v42 =	vadd.s32 $0x1, v42  }
0x5c: {  	v48 =	vld [tilespmem:$0x60];
	vm13 =	vlt.s32 v2, v41;
	v43 =	vadd.s32 $0x1, v43;
	v42 =	vnsel vm0, $0x0, v42  }
0x5d: {  	v63 =	vld [tilespmem:$0x70];
	vm14 =	vlt.s32 v3, v41;
	v62 =	vadd.s32 $0x1, v44;
	v61 =	vnsel vm13, $0x0, v43;
	[tilespmem:$0x0] =	vst v42  }
0x5e: {  	vm15 =	vlt.s32 v4, v41;
	v50 =	vadd.s32 $0x1, v45;
	v49 =	vnsel vm14, $0x0, v62;
	[tilespmem:$0x10] =	vst v61  }
0x5f: {  	vm4 =	vlt.s32 v5, v41;
	v52 =	vadd.s32 $0x1, v46;
	v51 =	vnsel vm15, $0x0, v50;
	[tilespmem:$0x20] =	vst v49  }
0x60: {  	vm5 =	vlt.s32 v6, v41;
	v54 =	vadd.s32 $0x1, v47;
	v53 =	vnsel vm4, $0x0, v52;
	[tilespmem:$0x30] =	vst v51  }
0x61: {  	vm6 =	vlt.s32 v7, v41;
	v56 =	vadd.s32 $0x1, v48;
	v55 =	vnsel vm5, $0x0, v54;
	[tilespmem:$0x40] =	vst v53  }
0x62: {  	vm7 =	vlt.s32 v8, v41;
	v58 =	vadd.s32 $0x1, v63;
	v57 =	vnsel vm6, $0x0, v56;
	[tilespmem:$0x50] =	vst v55  }
0x63: {  	v59 =	vnsel vm7, $0x0, v58;
	[tilespmem:$0x60] =	vst v57  }
0x64: {  	[tilespmem:$0x70] =	vst v59  }
0x65: {  	[tilespmem:s16], [sflag:$0x1] =	stream.indirect.gather [hbm4b:s1+s15], $0x80, s3, s15, $0xb8;
	[tilespmem:$0x1A480] =	vst v63  }
0x66: {  	v60 =	vld [tilespmem:$0x80]  }
0x67: {  	v61 =	vld [tilespmem:$0x90]  }
0x68: {  	v62 =	vld [tilespmem:$0xA0]  }
0x69: {  	v63 =	vld [tilespmem:$0xB0]  }
0x6a: {  	v52 =	vld [tilespmem:$0xC0]  }
0x6b: {  	vm8 =	vlt.s32 v9, v41;
	v53 =	vld [tilespmem:$0xD0];
	v42 =	vadd.s32 $0x1, v60  }
0x6c: {  	vm9 =	vlt.s32 v10, v41;
	v54 =	vld [tilespmem:$0xE0];
	v43 =	vadd.s32 $0x1, v61;
	v42 =	vnsel vm8, $0x0, v42  }
0x6d: {  	vm10 =	vlt.s32 v11, v41;
	v57 =	vld [tilespmem:$0xF0];
	v56 =	vadd.s32 $0x1, v62;
	v55 =	vnsel vm9, $0x0, v43;
	[tilespmem:$0x80] =	vst v42  }
0x6e: {  	vm11 =	vlt.s32 v12, v41;
	v59 =	vadd.s32 $0x1, v63;
	v58 =	vnsel vm10, $0x0, v56;
	[tilespmem:$0x90] =	vst v55  }
0x6f: {  	vm12 =	vlt.s32 v13, v41;
	v61 =	vadd.s32 $0x1, v52;
	v60 =	vnsel vm11, $0x0, v59;
	[tilespmem:$0xA0] =	vst v58  }
0x70: {  	vm13 =	vlt.s32 v14, v41;
	v63 =	vadd.s32 $0x1, v53;
	v62 =	vnsel vm12, $0x0, v61;
	[tilespmem:$0xB0] =	vst v60  }
0x71: {  	vm14 =	vlt.s32 v15, v41;
	v46 =	vadd.s32 $0x1, v54;
	v45 =	vnsel vm13, $0x0, v63;
	[tilespmem:$0xC0] =	vst v62  }
0x72: {  	vm15 =	vlt.s32 v16, v41;
	v48 =	vadd.s32 $0x1, v57;
	v47 =	vnsel vm14, $0x0, v46;
	[tilespmem:$0xD0] =	vst v45  }
0x73: {  	v49 =	vnsel vm15, $0x0, v48;
	[tilespmem:$0xE0] =	vst v47  }
0x74: {  	[tilespmem:$0xF0] =	vst v49  }
0x75: {  	[tilespmem:s17], [sflag:$0x2] =	stream.indirect.gather [hbm4b:s1+s15], $0x80, s15, s15, $0xb8;
	[tilespmem:$0x1A480] =	vst v63  }
0x76: {  	v50 =	vld [tilespmem:$0x100]  }
0x77: {  	v51 =	vld [tilespmem:$0x110]  }
0x78: {  	v52 =	vld [tilespmem:$0x120]  }
0x79: {  	v53 =	vld [tilespmem:$0x130]  }
0x7a: {  	v54 =	vld [tilespmem:$0x140]  }
0x7b: {  	vm4 =	vlt.s32 v17, v41;
	v55 =	vld [tilespmem:$0x150];
	v42 =	vadd.s32 $0x1, v50  }
0x7c: {  	vm5 =	vlt.s32 v18, v41;
	v56 =	vld [tilespmem:$0x160];
	v43 =	vadd.s32 $0x1, v51;
	v42 =	vnsel vm4, $0x0, v42  }
0x7d: {  	vm6 =	vlt.s32 v19, v41;
	v59 =	vld [tilespmem:$0x170];
	v58 =	vadd.s32 $0x1, v52;
	v57 =	vnsel vm5, $0x0, v43;
	[tilespmem:$0x100] =	vst v42  }
0x7e: {  	vm7 =	vlt.s32 v20, v41;
	v61 =	vadd.s32 $0x1, v53;
	v60 =	vnsel vm6, $0x0, v58;
	[tilespmem:$0x110] =	vst v57  }
0x7f: {  	vm8 =	vlt.s32 v21, v41;
	v63 =	vadd.s32 $0x1, v54;
	v62 =	vnsel vm7, $0x0, v61;
	[tilespmem:$0x120] =	vst v60  }
0x80: {  	vm9 =	vlt.s32 v22, v41;
	v46 =	vadd.s32 $0x1, v55;
	v45 =	vnsel vm8, $0x0, v63;
	[tilespmem:$0x130] =	vst v62  }
0x81: {  	vm10 =	vlt.s32 v23, v41;
	v48 =	vadd.s32 $0x1, v56;
	v47 =	vnsel vm9, $0x0, v46;
	[tilespmem:$0x140] =	vst v45  }
0x82: {  	vm11 =	vlt.s32 v24, v41;
	v50 =	vadd.s32 $0x1, v59;
	v49 =	vnsel vm10, $0x0, v48;
	[tilespmem:$0x150] =	vst v47  }
0x83: {  	v51 =	vnsel vm11, $0x0, v50;
	[tilespmem:$0x160] =	vst v49  }
0x84: {  	s7 =	simm.s32 $0x100;
	[tilespmem:$0x170] =	vst v51  }
0x85: {  	[tilespmem:s19], [sflag:$0x3] =	stream.indirect.gather [hbm4b:s1+s15], $0x80, s7, s15, $0xb8;
	[tilespmem:$0x1A480] =	vst v63  }
0x86: {  	v52 =	vld [tilespmem:$0x180]  }
0x87: {  	v53 =	vld [tilespmem:$0x190]  }
0x88: {  	v54 =	vld [tilespmem:$0x1A0]  }
0x89: {  	v55 =	vld [tilespmem:$0x1B0]  }
0x8a: {  	v56 =	vld [tilespmem:$0x1C0]  }
0x8b: {  	vm12 =	vlt.s32 v25, v41;
	v57 =	vld [tilespmem:$0x1D0];
	v42 =	vadd.s32 $0x1, v52  }
0x8c: {  	vm13 =	vlt.s32 v26, v41;
	v58 =	vld [tilespmem:$0x1E0];
	v43 =	vadd.s32 $0x1, v53;
	v42 =	vnsel vm12, $0x0, v42  }
0x8d: {  	vm14 =	vlt.s32 v27, v41;
	v61 =	vld [tilespmem:$0x1F0];
	v60 =	vadd.s32 $0x1, v54;
	v59 =	vnsel vm13, $0x0, v43;
	[tilespmem:$0x180] =	vst v42  }
0x8e: {  	vm15 =	vlt.s32 v28, v41;
	v63 =	vadd.s32 $0x1, v55;
	v62 =	vnsel vm14, $0x0, v60;
	[tilespmem:$0x190] =	vst v59  }
0x8f: {  	vm4 =	vlt.s32 v29, v41;
	v49 =	vadd.s32 $0x1, v56;
	v45 =	vnsel vm15, $0x0, v63;
	[tilespmem:$0x1A0] =	vst v62  }
0x90: {  	vm5 =	vlt.s32 v30, v41;
	v51 =	vadd.s32 $0x1, v57;
	v50 =	vnsel vm4, $0x0, v49;
	[tilespmem:$0x1B0] =	vst v45  }
0x91: {  	vm6 =	vlt.s32 v31, v41;
	v53 =	vadd.s32 $0x1, v58;
	v52 =	vnsel vm5, $0x0, v51;
	[tilespmem:$0x1C0] =	vst v50  }
0x92: {  	vm7 =	vlt.s32 v32, v41;
	v55 =	vadd.s32 $0x1, v61;
	v54 =	vnsel vm6, $0x0, v53;
	[tilespmem:$0x1D0] =	vst v52  }
0x93: {  	v56 =	vnsel vm7, $0x0, v55;
	[tilespmem:$0x1E0] =	vst v54  }
0x94: {  	s12 =	simm.s32 $0x180;
	[tilespmem:$0x1F0] =	vst v56  }
0x95: {  	[tilespmem:s21], [sflag:$0x4] =	stream.indirect.gather [hbm4b:s1+s15], $0x80, s12, s15, $0xb8;
	[tilespmem:$0x1A480] =	vst v63  }
0x96: {  	v57 =	vld [tilespmem:$0x200]  }
0x97: {  	v58 =	vld [tilespmem:$0x210]  }
0x98: {  	v59 =	vld [tilespmem:$0x220]  }
0x99: {  	v60 =	vld [tilespmem:$0x230]  }
0x9a: {  	v61 =	vld [tilespmem:$0x240]  }
0x9b: {  	vm8 =	vlt.s32 v33, v41;
	v62 =	vld [tilespmem:$0x250];
	v42 =	vadd.s32 $0x1, v57  }
0x9c: {  	vm9 =	vlt.s32 v34, v41;
	v63 =	vld [tilespmem:$0x260];
	v43 =	vadd.s32 $0x1, v58;
	v42 =	vnsel vm8, $0x0, v42  }
0x9d: {  	vm10 =	vlt.s32 v35, v41;
	v52 =	vld [tilespmem:$0x270];
	v51 =	vadd.s32 $0x1, v59;
	v50 =	vnsel vm9, $0x0, v43;
	[tilespmem:$0x200] =	vst v42  }
0x9e: {  	vm11 =	vlt.s32 v36, v41;
	v54 =	vadd.s32 $0x1, v60;
	v53 =	vnsel vm10, $0x0, v51;
	[tilespmem:$0x210] =	vst v50  }
0x9f: {  	vm12 =	vlt.s32 v37, v41;
	v56 =	vadd.s32 $0x1, v61;
	v55 =	vnsel vm11, $0x0, v54;
	[tilespmem:$0x220] =	vst v53  }
0xa0: {  	vm13 =	vlt.s32 v38, v41;
	v58 =	vadd.s32 $0x1, v62;
	v57 =	vnsel vm12, $0x0, v56;
	[tilespmem:$0x230] =	vst v55  }
0xa1: {  	vm14 =	vlt.s32 v39, v41;
	v60 =	vadd.s32 $0x1, v63;
	v59 =	vnsel vm13, $0x0, v58;
	[tilespmem:$0x240] =	vst v57  }
0xa2: {  	vm15 =	vlt.s32 v40, v41;
	v62 =	vadd.s32 $0x1, v52;
	v61 =	vnsel vm14, $0x0, v60;
	[tilespmem:$0x250] =	vst v59  }
0xa3: {  	v63 =	vnsel vm15, $0x0, v62;
	[tilespmem:$0x260] =	vst v61  }
0xa4: {  	s20 =	simm.s32 $0x200;
	[tilespmem:$0x270] =	vst v63  }
0xa5: {  	[tilespmem:s23], [sflag:$0x5] =	stream.indirect.gather [hbm4b:s1+s15], $0x80, s20, s15, $0xb8;
	[tilespmem:$0x1A480] =	vst v63  }
0xa6: {  	s4 =	simm.s32 $0x0;
	s12 =	smov.u32 s22;
	s20 =	simm.s32 $0x4F0  }
.LBB2_2:
0xa7: {  	s5 =	rddreg [dreg:$0x4]  }
0xa8: {  	s5 =	sadd.s32 s4, s5  }
0xa9: {  	s6 =	sadd.s32 $0x280, s5  }
0xaa: {  	v42 =	vor.u32 s6, v0  }
0xab: {  	v43 =	vmulhi.u32 $0x51EB851F, v42  }
0xac: {  	v44 =	vld [tilespmem:s20+$0xFFFFFD90]  }
0xad: {  	v43 =	vshrl.u32 v43, $0x6  }
0xae: {  	v43 =	vmul.u32 $0xC8, v43  }
0xaf: {  	s7 =	sadd.s32 $0x290, s5  }
0xb0: {  	v53 =	vor.u32 s7, v0;
	v42 =	vsub.s32 v42, v43  }
0xb1: {  	v54 =	vmulhi.u32 $0x51EB851F, v53;
	v52 =	vadd.s32 $0x1, v44;
	vm0 =	vlt.s32 v42, v41  }
0xb2: {  	v55 =	vld [tilespmem:s20+$0xFFFFFDA0];
	v42 =	vnsel vm0, $0x0, v52  }
0xb3: {  	[tilespmem:s20+$0xFFFFFD90] =	vst v42;
	v42 =	vshrl.u32 v54, $0x6  }
0xb4: {  	v42 =	vmul.u32 $0xC8, v42  }
0xb5: {  	s7 =	sadd.s32 $0x2A0, s5  }
0xb6: {  	v57 =	vor.u32 s7, v0;
	v42 =	vsub.s32 v53, v42  }
0xb7: {  	v56 =	vadd.s32 $0x1, v55;
	v58 =	vmulhi.u32 $0x51EB851F, v57;
	vm13 =	vlt.s32 v42, v41  }
0xb8: {  	v59 =	vld [tilespmem:s20+$0xFFFFFDB0];
	v42 =	vnsel vm13, $0x0, v56  }
0xb9: {  	[tilespmem:s20+$0xFFFFFDA0] =	vst v42;
	v42 =	vshrl.u32 v58, $0x6  }
0xba: {  	v42 =	vmul.u32 $0xC8, v42  }
0xbb: {  	s7 =	sadd.s32 $0x2B0, s5  }
0xbc: {  	v61 =	vor.u32 s7, v0;
	v42 =	vsub.s32 v57, v42  }
0xbd: {  	v60 =	vadd.s32 $0x1, v59;
	v62 =	vmulhi.u32 $0x51EB851F, v61;
	vm14 =	vlt.s32 v42, v41  }
0xbe: {  	v63 =	vld [tilespmem:s20+$0xFFFFFDC0];
	v42 =	vnsel vm14, $0x0, v60  }
0xbf: {  	[tilespmem:s20+$0xFFFFFDB0] =	vst v42;
	v42 =	vshrl.u32 v62, $0x6  }
0xc0: {  	v42 =	vmul.u32 $0xC8, v42  }
0xc1: {  	s7 =	sadd.s32 $0x2C0, s5  }
0xc2: {  	v49 =	vor.u32 s7, v0;
	v42 =	vsub.s32 v61, v42  }
0xc3: {  	v48 =	vadd.s32 $0x1, v63;
	v50 =	vmulhi.u32 $0x51EB851F, v49;
	vm15 =	vlt.s32 v42, v41  }
0xc4: {  	v51 =	vld [tilespmem:s20+$0xFFFFFDD0];
	v42 =	vnsel vm15, $0x0, v48  }
0xc5: {  	[tilespmem:s20+$0xFFFFFDC0] =	vst v42;
	v42 =	vshrl.u32 v50, $0x6  }
0xc6: {  	v42 =	vmul.u32 $0xC8, v42  }
0xc7: {  	s7 =	sadd.s32 $0x2D0, s5  }
0xc8: {  	v53 =	vor.u32 s7, v0;
	v42 =	vsub.s32 v49, v42  }
0xc9: {  	v52 =	vadd.s32 $0x1, v51;
	v54 =	vmulhi.u32 $0x51EB851F, v53;
	vm4 =	vlt.s32 v42, v41  }
0xca: {  	v55 =	vld [tilespmem:s20+$0xFFFFFDE0];
	v42 =	vnsel vm4, $0x0, v52  }
0xcb: {  	[tilespmem:s20+$0xFFFFFDD0] =	vst v42;
	v42 =	vshrl.u32 v54, $0x6  }
0xcc: {  	v42 =	vmul.u32 $0xC8, v42  }
0xcd: {  	s7 =	sadd.s32 $0x2E0, s5  }
0xce: {  	v57 =	vor.u32 s7, v0;
	v42 =	vsub.s32 v53, v42  }
0xcf: {  	v56 =	vadd.s32 $0x1, v55;
	v58 =	vmulhi.u32 $0x51EB851F, v57;
	vm5 =	vlt.s32 v42, v41  }
0xd0: {  	v59 =	vld [tilespmem:s20+$0xFFFFFDF0];
	v42 =	vnsel vm5, $0x0, v56  }
0xd1: {  	[tilespmem:s20+$0xFFFFFDE0] =	vst v42;
	v42 =	vshrl.u32 v58, $0x6  }
0xd2: {  	v42 =	vmul.u32 $0xC8, v42  }
0xd3: {  	s7 =	sadd.s32 $0x2F0, s5  }
0xd4: {  	v61 =	vor.u32 s7, v0;
	v42 =	vsub.s32 v57, v42  }
0xd5: {  	v60 =	vadd.s32 $0x1, v59;
	v62 =	vmulhi.u32 $0x51EB851F, v61;
	vm6 =	vlt.s32 v42, v41  }
0xd6: {  	v63 =	vld [tilespmem:s20+$0xFFFFFE00];
	v42 =	vnsel vm6, $0x0, v60  }
0xd7: {  	[tilespmem:s20+$0xFFFFFDF0] =	vst v42;
	v42 =	vshrl.u32 v62, $0x6  }
0xd8: {  	v42 =	vmul.u32 $0xC8, v42;
	_ =	sdelay $0x1  }
0xd9: {  	v42 =	vsub.s32 v61, v42  }
0xda: {  	v48 =	vadd.s32 $0x1, v63;
	vm7 =	vlt.s32 v42, v41  }
0xdb: {  	v42 =	vnsel vm7, $0x0, v48  }
0xdc: {  	[tilespmem:s20+$0xFFFFFE00] =	vst v42  }
0xdd: {  	_ =	swait.ge [sflag:s24], $0x4000  }
0xde: {  	[sflag:s24] =	ssyncset.done $0x0  }
0xdf: {  	s7 =	sadd.s32 $0xFFFFE000, s12;
	[sflag:s24] =	ssyncadd.s32 $0xFFFFC000  }
0xe0: {  	[hbm4b:s7+s3] =	stream.linear.scatter [tilespmem:s16], [sflag:$0x6], $0x4000, $0x38;
	[tilespmem:$0x1A480] =	vst v63  }
0xe1: {  	_ =	swait.ge [sflag:s25], $0x4000  }
0xe2: {  	s6 =	sadd.s32 $0x300, s5;
	[sflag:s25] =	ssyncset.done $0x0  }
0xe3: {  	v49 =	vor.u32 s6, v0;
	s7 =	sadd.s32 $0xFFFFFD90, s20;
	[sflag:s25] =	ssyncadd.s32 $0xFFFFC000  }
0xe4: {  	v50 =	vmulhi.u32 $0x51EB851F, v49;
	[tilespmem:s16], [sflag:$0x1] =	stream.indirect.gather [hbm4b:s1+s15], $0x80, s7, s15, $0xb8;
	[tilespmem:$0x1A480] =	vst v63  }
0xe5: {  	v51 =	vld [tilespmem:s20+$0xFFFFFE10]  }
0xe6: {  	v43 =	vshrl.u32 v50, $0x6  }
0xe7: {  	v43 =	vmul.u32 $0xC8, v43  }
0xe8: {  	s7 =	sadd.s32 $0x310, s5  }
0xe9: {  	v42 =	vsub.s32 v49, v43;
	v53 =	vor.u32 s7, v0  }
0xea: {  	vm8 =	vlt.s32 v42, v41;
	v54 =	vmulhi.u32 $0x51EB851F, v53;
	v52 =	vadd.s32 $0x1, v51  }
0xeb: {  	v55 =	vld [tilespmem:s20+$0xFFFFFE20];
	v42 =	vnsel vm8, $0x0, v52  }
0xec: {  	[tilespmem:s20+$0xFFFFFE10] =	vst v42;
	v42 =	vshrl.u32 v54, $0x6  }
0xed: {  	v42 =	vmul.u32 $0xC8, v42  }
0xee: {  	s7 =	sadd.s32 $0x320, s5  }
0xef: {  	v57 =	vor.u32 s7, v0;
	v42 =	vsub.s32 v53, v42  }
0xf0: {  	v58 =	vmulhi.u32 $0x51EB851F, v57;
	v56 =	vadd.s32 $0x1, v55;
	vm9 =	vlt.s32 v42, v41  }
0xf1: {  	v59 =	vld [tilespmem:s20+$0xFFFFFE30];
	v42 =	vnsel vm9, $0x0, v56  }
0xf2: {  	[tilespmem:s20+$0xFFFFFE20] =	vst v42;
	v42 =	vshrl.u32 v58, $0x6  }
0xf3: {  	v42 =	vmul.u32 $0xC8, v42  }
0xf4: {  	s7 =	sadd.s32 $0x330, s5  }
0xf5: {  	v61 =	vor.u32 s7, v0;
	v42 =	vsub.s32 v57, v42  }
0xf6: {  	v62 =	vmulhi.u32 $0x51EB851F, v61;
	v60 =	vadd.s32 $0x1, v59;
	vm10 =	vlt.s32 v42, v41  }
0xf7: {  	v63 =	vld [tilespmem:s20+$0xFFFFFE40];
	v42 =	vnsel vm10, $0x0, v60  }
0xf8: {  	[tilespmem:s20+$0xFFFFFE30] =	vst v42;
	v42 =	vshrl.u32 v62, $0x6  }
0xf9: {  	v42 =	vmul.u32 $0xC8, v42  }
0xfa: {  	s7 =	sadd.s32 $0x340, s5  }
0xfb: {  	v49 =	vor.u32 s7, v0;
	v42 =	vsub.s32 v61, v42  }
0xfc: {  	v50 =	vmulhi.u32 $0x51EB851F, v49;
	v48 =	vadd.s32 $0x1, v63;
	vm11 =	vlt.s32 v42, v41  }
0xfd: {  	v51 =	vld [tilespmem:s20+$0xFFFFFE50];
	v42 =	vnsel vm11, $0x0, v48  }
0xfe: {  	[tilespmem:s20+$0xFFFFFE40] =	vst v42;
	v42 =	vshrl.u32 v50, $0x6  }
0xff: {  	v42 =	vmul.u32 $0xC8, v42  }
0x100: {  	s7 =	sadd.s32 $0x350, s5  }
0x101: {  	v53 =	vor.u32 s7, v0;
	v42 =	vsub.s32 v49, v42  }
0x102: {  	v52 =	vadd.s32 $0x1, v51;
	v54 =	vmulhi.u32 $0x51EB851F, v53;
	vm12 =	vlt.s32 v42, v41  }
0x103: {  	v55 =	vld [tilespmem:s20+$0xFFFFFE60];
	v42 =	vnsel vm12, $0x0, v52  }
0x104: {  	[tilespmem:s20+$0xFFFFFE50] =	vst v42;
	v42 =	vshrl.u32 v54, $0x6  }
0x105: {  	v42 =	vmul.u32 $0xC8, v42  }
0x106: {  	s7 =	sadd.s32 $0x360, s5  }
0x107: {  	v57 =	vor.u32 s7, v0;
	v42 =	vsub.s32 v53, v42  }
0x108: {  	v56 =	vadd.s32 $0x1, v55;
	v58 =	vmulhi.u32 $0x51EB851F, v57;
	vm13 =	vlt.s32 v42, v41  }
0x109: {  	v59 =	vld [tilespmem:s20+$0xFFFFFE70];
	v42 =	vnsel vm13, $0x0, v56  }
0x10a: {  	[tilespmem:s20+$0xFFFFFE60] =	vst v42;
	v42 =	vshrl.u32 v58, $0x6  }
0x10b: {  	v42 =	vmul.u32 $0xC8, v42  }
0x10c: {  	s7 =	sadd.s32 $0x370, s5  }
0x10d: {  	v61 =	vor.u32 s7, v0;
	v42 =	vsub.s32 v57, v42  }
0x10e: {  	v60 =	vadd.s32 $0x1, v59;
	v62 =	vmulhi.u32 $0x51EB851F, v61;
	vm14 =	vlt.s32 v42, v41  }
0x10f: {  	v63 =	vld [tilespmem:s20+$0xFFFFFE80];
	v42 =	vnsel vm14, $0x0, v60  }
0x110: {  	[tilespmem:s20+$0xFFFFFE70] =	vst v42;
	v42 =	vshrl.u32 v62, $0x6  }
0x111: {  	v42 =	vmul.u32 $0xC8, v42;
	_ =	sdelay $0x1  }
0x112: {  	v42 =	vsub.s32 v61, v42  }
0x113: {  	v48 =	vadd.s32 $0x1, v63;
	vm15 =	vlt.s32 v42, v41  }
0x114: {  	v42 =	vnsel vm15, $0x0, v48  }
0x115: {  	[tilespmem:s20+$0xFFFFFE80] =	vst v42  }
0x116: {  	_ =	swait.ge [sflag:s26], $0x4000  }
0x117: {  	[sflag:s26] =	ssyncset.done $0x0  }
0x118: {  	s7 =	sadd.s32 $0xFFFFE800, s12;
	[sflag:s26] =	ssyncadd.s32 $0xFFFFC000  }
0x119: {  	[hbm4b:s7+s3] =	stream.linear.scatter [tilespmem:s17], [sflag:$0x7], $0x4000, $0x38;
	[tilespmem:$0x1A480] =	vst v63  }
0x11a: {  	_ =	swait.ge [sflag:s28], $0x4000  }
0x11b: {  	s6 =	sadd.s32 $0x380, s5;
	[sflag:s28] =	ssyncset.done $0x0  }
0x11c: {  	v49 =	vor.u32 s6, v0;
	s7 =	sadd.s32 $0xFFFFFE10, s20;
	[sflag:s28] =	ssyncadd.s32 $0xFFFFC000  }
0x11d: {  	v50 =	vmulhi.u32 $0x51EB851F, v49;
	[tilespmem:s17], [sflag:$0x2] =	stream.indirect.gather [hbm4b:s1+s15], $0x80, s7, s15, $0xb8;
	[tilespmem:$0x1A480] =	vst v63  }
0x11e: {  	v51 =	vld [tilespmem:s20+$0xFFFFFE90]  }
0x11f: {  	v43 =	vshrl.u32 v50, $0x6  }
0x120: {  	v43 =	vmul.u32 $0xC8, v43  }
0x121: {  	s7 =	sadd.s32 $0x390, s5  }
0x122: {  	v42 =	vsub.s32 v49, v43;
	v53 =	vor.u32 s7, v0  }
0x123: {  	vm4 =	vlt.s32 v42, v41;
	v54 =	vmulhi.u32 $0x51EB851F, v53;
	v52 =	vadd.s32 $0x1, v51  }
0x124: {  	v55 =	vld [tilespmem:s20+$0xFFFFFEA0];
	v42 =	vnsel vm4, $0x0, v52  }
0x125: {  	[tilespmem:s20+$0xFFFFFE90] =	vst v42;
	v42 =	vshrl.u32 v54, $0x6  }
0x126: {  	v42 =	vmul.u32 $0xC8, v42  }
0x127: {  	s7 =	sadd.s32 $0x3A0, s5  }
0x128: {  	v57 =	vor.u32 s7, v0;
	v42 =	vsub.s32 v53, v42  }
0x129: {  	v58 =	vmulhi.u32 $0x51EB851F, v57;
	v56 =	vadd.s32 $0x1, v55;
	vm5 =	vlt.s32 v42, v41  }
0x12a: {  	v59 =	vld [tilespmem:s20+$0xFFFFFEB0];
	v42 =	vnsel vm5, $0x0, v56  }
0x12b: {  	[tilespmem:s20+$0xFFFFFEA0] =	vst v42;
	v42 =	vshrl.u32 v58, $0x6  }
0x12c: {  	v42 =	vmul.u32 $0xC8, v42  }
0x12d: {  	s7 =	sadd.s32 $0x3B0, s5  }
0x12e: {  	v61 =	vor.u32 s7, v0;
	v42 =	vsub.s32 v57, v42  }
0x12f: {  	v62 =	vmulhi.u32 $0x51EB851F, v61;
	v60 =	vadd.s32 $0x1, v59;
	vm6 =	vlt.s32 v42, v41  }
0x130: {  	v63 =	vld [tilespmem:s20+$0xFFFFFEC0];
	v42 =	vnsel vm6, $0x0, v60  }
0x131: {  	[tilespmem:s20+$0xFFFFFEB0] =	vst v42;
	v42 =	vshrl.u32 v62, $0x6  }
0x132: {  	v42 =	vmul.u32 $0xC8, v42  }
0x133: {  	s7 =	sadd.s32 $0x3C0, s5  }
0x134: {  	v49 =	vor.u32 s7, v0;
	v42 =	vsub.s32 v61, v42  }
0x135: {  	v50 =	vmulhi.u32 $0x51EB851F, v49;
	v48 =	vadd.s32 $0x1, v63;
	vm7 =	vlt.s32 v42, v41  }
0x136: {  	v51 =	vld [tilespmem:s20+$0xFFFFFED0];
	v42 =	vnsel vm7, $0x0, v48  }
0x137: {  	[tilespmem:s20+$0xFFFFFEC0] =	vst v42;
	v42 =	vshrl.u32 v50, $0x6  }
0x138: {  	v42 =	vmul.u32 $0xC8, v42  }
0x139: {  	s7 =	sadd.s32 $0x3D0, s5  }
0x13a: {  	v53 =	vor.u32 s7, v0;
	v42 =	vsub.s32 v49, v42  }
0x13b: {  	v52 =	vadd.s32 $0x1, v51;
	v54 =	vmulhi.u32 $0x51EB851F, v53;
	vm8 =	vlt.s32 v42, v41  }
0x13c: {  	v55 =	vld [tilespmem:s20+$0xFFFFFEE0];
	v42 =	vnsel vm8, $0x0, v52  }
0x13d: {  	[tilespmem:s20+$0xFFFFFED0] =	vst v42;
	v42 =	vshrl.u32 v54, $0x6  }
0x13e: {  	v42 =	vmul.u32 $0xC8, v42  }
0x13f: {  	s7 =	sadd.s32 $0x3E0, s5  }
0x140: {  	v57 =	vor.u32 s7, v0;
	v42 =	vsub.s32 v53, v42  }
0x141: {  	v56 =	vadd.s32 $0x1, v55;
	v58 =	vmulhi.u32 $0x51EB851F, v57;
	vm9 =	vlt.s32 v42, v41  }
0x142: {  	v59 =	vld [tilespmem:s20+$0xFFFFFEF0];
	v42 =	vnsel vm9, $0x0, v56  }
0x143: {  	[tilespmem:s20+$0xFFFFFEE0] =	vst v42;
	v42 =	vshrl.u32 v58, $0x6  }
0x144: {  	v42 =	vmul.u32 $0xC8, v42  }
0x145: {  	s7 =	sadd.s32 $0x3F0, s5  }
0x146: {  	v61 =	vor.u32 s7, v0;
	v42 =	vsub.s32 v57, v42  }
0x147: {  	v60 =	vadd.s32 $0x1, v59;
	v62 =	vmulhi.u32 $0x51EB851F, v61;
	vm10 =	vlt.s32 v42, v41  }
0x148: {  	v63 =	vld [tilespmem:s20+$0xFFFFFF00];
	v42 =	vnsel vm10, $0x0, v60  }
0x149: {  	[tilespmem:s20+$0xFFFFFEF0] =	vst v42;
	v42 =	vshrl.u32 v62, $0x6  }
0x14a: {  	v42 =	vmul.u32 $0xC8, v42;
	_ =	sdelay $0x1  }
0x14b: {  	v42 =	vsub.s32 v61, v42  }
0x14c: {  	v48 =	vadd.s32 $0x1, v63;
	vm11 =	vlt.s32 v42, v41  }
0x14d: {  	v42 =	vnsel vm11, $0x0, v48  }
0x14e: {  	[tilespmem:s20+$0xFFFFFF00] =	vst v42  }
0x14f: {  	_ =	swait.ge [sflag:s29], $0x4000  }
0x150: {  	[sflag:s29] =	ssyncset.done $0x0  }
0x151: {  	s7 =	sadd.s32 $0xFFFFF000, s12;
	[sflag:s29] =	ssyncadd.s32 $0xFFFFC000  }
0x152: {  	[hbm4b:s7+s3] =	stream.linear.scatter [tilespmem:s19], [sflag:$0x8], $0x4000, $0x38;
	[tilespmem:$0x1A480] =	vst v63  }
0x153: {  	_ =	swait.ge [sflag:s30], $0x4000  }
0x154: {  	s6 =	sadd.s32 $0x400, s5;
	[sflag:s30] =	ssyncset.done $0x0  }
0x155: {  	v49 =	vor.u32 s6, v0;
	s7 =	sadd.s32 $0xFFFFFE90, s20;
	[sflag:s30] =	ssyncadd.s32 $0xFFFFC000  }
0x156: {  	v50 =	vmulhi.u32 $0x51EB851F, v49;
	[tilespmem:s19], [sflag:$0x3] =	stream.indirect.gather [hbm4b:s1+s15], $0x80, s7, s15, $0xb8;
	[tilespmem:$0x1A480] =	vst v63  }
0x157: {  	v51 =	vld [tilespmem:s20+$0xFFFFFF10]  }
0x158: {  	v43 =	vshrl.u32 v50, $0x6  }
0x159: {  	v43 =	vmul.u32 $0xC8, v43  }
0x15a: {  	s7 =	sadd.s32 $0x410, s5  }
0x15b: {  	v42 =	vsub.s32 v49, v43;
	v53 =	vor.u32 s7, v0  }
0x15c: {  	vm12 =	vlt.s32 v42, v41;
	v54 =	vmulhi.u32 $0x51EB851F, v53;
	v52 =	vadd.s32 $0x1, v51  }
0x15d: {  	v55 =	vld [tilespmem:s20+$0xFFFFFF20];
	v42 =	vnsel vm12, $0x0, v52  }
0x15e: {  	[tilespmem:s20+$0xFFFFFF10] =	vst v42;
	v42 =	vshrl.u32 v54, $0x6  }
0x15f: {  	v42 =	vmul.u32 $0xC8, v42  }
0x160: {  	s7 =	sadd.s32 $0x420, s5  }
0x161: {  	v57 =	vor.u32 s7, v0;
	v42 =	vsub.s32 v53, v42  }
0x162: {  	v58 =	vmulhi.u32 $0x51EB851F, v57;
	v56 =	vadd.s32 $0x1, v55;
	vm13 =	vlt.s32 v42, v41  }
0x163: {  	v59 =	vld [tilespmem:s20+$0xFFFFFF30];
	v42 =	vnsel vm13, $0x0, v56  }
0x164: {  	[tilespmem:s20+$0xFFFFFF20] =	vst v42;
	v42 =	vshrl.u32 v58, $0x6  }
0x165: {  	v42 =	vmul.u32 $0xC8, v42  }
0x166: {  	s7 =	sadd.s32 $0x430, s5  }
0x167: {  	v61 =	vor.u32 s7, v0;
	v42 =	vsub.s32 v57, v42  }
0x168: {  	v62 =	vmulhi.u32 $0x51EB851F, v61;
	v60 =	vadd.s32 $0x1, v59;
	vm14 =	vlt.s32 v42, v41  }
0x169: {  	v63 =	vld [tilespmem:s20+$0xFFFFFF40];
	v42 =	vnsel vm14, $0x0, v60  }
0x16a: {  	[tilespmem:s20+$0xFFFFFF30] =	vst v42;
	v42 =	vshrl.u32 v62, $0x6  }
0x16b: {  	v42 =	vmul.u32 $0xC8, v42  }
0x16c: {  	s7 =	sadd.s32 $0x440, s5  }
0x16d: {  	v49 =	vor.u32 s7, v0;
	v42 =	vsub.s32 v61, v42  }
0x16e: {  	v50 =	vmulhi.u32 $0x51EB851F, v49;
	v48 =	vadd.s32 $0x1, v63;
	vm15 =	vlt.s32 v42, v41  }
0x16f: {  	v51 =	vld [tilespmem:s20+$0xFFFFFF50];
	v42 =	vnsel vm15, $0x0, v48  }
0x170: {  	[tilespmem:s20+$0xFFFFFF40] =	vst v42;
	v42 =	vshrl.u32 v50, $0x6  }
0x171: {  	v42 =	vmul.u32 $0xC8, v42  }
0x172: {  	s7 =	sadd.s32 $0x450, s5  }
0x173: {  	v53 =	vor.u32 s7, v0;
	v42 =	vsub.s32 v49, v42  }
0x174: {  	v52 =	vadd.s32 $0x1, v51;
	v54 =	vmulhi.u32 $0x51EB851F, v53;
	vm4 =	vlt.s32 v42, v41  }
0x175: {  	v55 =	vld [tilespmem:s20+$0xFFFFFF60];
	v42 =	vnsel vm4, $0x0, v52  }
0x176: {  	[tilespmem:s20+$0xFFFFFF50] =	vst v42;
	v42 =	vshrl.u32 v54, $0x6  }
0x177: {  	v42 =	vmul.u32 $0xC8, v42  }
0x178: {  	s7 =	sadd.s32 $0x460, s5  }
0x179: {  	v57 =	vor.u32 s7, v0;
	v42 =	vsub.s32 v53, v42  }
0x17a: {  	v56 =	vadd.s32 $0x1, v55;
	v58 =	vmulhi.u32 $0x51EB851F, v57;
	vm5 =	vlt.s32 v42, v41  }
0x17b: {  	v59 =	vld [tilespmem:s20+$0xFFFFFF70];
	v42 =	vnsel vm5, $0x0, v56  }
0x17c: {  	[tilespmem:s20+$0xFFFFFF60] =	vst v42;
	v42 =	vshrl.u32 v58, $0x6  }
0x17d: {  	v42 =	vmul.u32 $0xC8, v42  }
0x17e: {  	s7 =	sadd.s32 $0x470, s5  }
0x17f: {  	v61 =	vor.u32 s7, v0;
	v42 =	vsub.s32 v57, v42  }
0x180: {  	v60 =	vadd.s32 $0x1, v59;
	v62 =	vmulhi.u32 $0x51EB851F, v61;
	vm6 =	vlt.s32 v42, v41  }
0x181: {  	v63 =	vld [tilespmem:s20+$0xFFFFFF80];
	v42 =	vnsel vm6, $0x0, v60  }
0x182: {  	[tilespmem:s20+$0xFFFFFF70] =	vst v42;
	v42 =	vshrl.u32 v62, $0x6  }
0x183: {  	v42 =	vmul.u32 $0xC8, v42;
	_ =	sdelay $0x1  }
0x184: {  	v42 =	vsub.s32 v61, v42  }
0x185: {  	v48 =	vadd.s32 $0x1, v63;
	vm7 =	vlt.s32 v42, v41  }
0x186: {  	v42 =	vnsel vm7, $0x0, v48  }
0x187: {  	[tilespmem:s20+$0xFFFFFF80] =	vst v42  }
0x188: {  	_ =	swait.ge [sflag:s31], $0x4000  }
0x189: {  	[sflag:s31] =	ssyncset.done $0x0  }
0x18a: {  	s7 =	sadd.s32 $0xFFFFF800, s12;
	[sflag:s31] =	ssyncadd.s32 $0xFFFFC000  }
0x18b: {  	[hbm4b:s7+s3] =	stream.linear.scatter [tilespmem:s21], [sflag:$0x9], $0x4000, $0x38;
	[tilespmem:$0x1A480] =	vst v63  }
0x18c: {  	_ =	swait.ge [sflag:s2], $0x4000  }
0x18d: {  	s6 =	sadd.s32 $0x480, s5;
	[sflag:s2] =	ssyncset.done $0x0  }
0x18e: {  	v49 =	vor.u32 s6, v0;
	s7 =	sadd.s32 $0xFFFFFF10, s20;
	[sflag:s2] =	ssyncadd.s32 $0xFFFFC000  }
0x18f: {  	v50 =	vmulhi.u32 $0x51EB851F, v49;
	[tilespmem:s21], [sflag:$0x4] =	stream.indirect.gather [hbm4b:s1+s15], $0x80, s7, s15, $0xb8;
	[tilespmem:$0x1A480] =	vst v63  }
0x190: {  	v51 =	vld [tilespmem:s20+$0xFFFFFF90]  }
0x191: {  	v43 =	vshrl.u32 v50, $0x6  }
0x192: {  	v43 =	vmul.u32 $0xC8, v43  }
0x193: {  	s7 =	sadd.s32 $0x490, s5  }
0x194: {  	v42 =	vsub.s32 v49, v43;
	v53 =	vor.u32 s7, v0  }
0x195: {  	vm8 =	vlt.s32 v42, v41;
	v54 =	vmulhi.u32 $0x51EB851F, v53;
	v52 =	vadd.s32 $0x1, v51  }
0x196: {  	v55 =	vld [tilespmem:s20+$0xFFFFFFA0];
	v42 =	vnsel vm8, $0x0, v52  }
0x197: {  	[tilespmem:s20+$0xFFFFFF90] =	vst v42;
	v42 =	vshrl.u32 v54, $0x6  }
0x198: {  	v42 =	vmul.u32 $0xC8, v42  }
0x199: {  	s7 =	sadd.s32 $0x4A0, s5  }
0x19a: {  	v57 =	vor.u32 s7, v0;
	v42 =	vsub.s32 v53, v42  }
0x19b: {  	v58 =	vmulhi.u32 $0x51EB851F, v57;
	v56 =	vadd.s32 $0x1, v55;
	vm9 =	vlt.s32 v42, v41  }
0x19c: {  	v59 =	vld [tilespmem:s20+$0xFFFFFFB0];
	v42 =	vnsel vm9, $0x0, v56  }
0x19d: {  	[tilespmem:s20+$0xFFFFFFA0] =	vst v42;
	v42 =	vshrl.u32 v58, $0x6  }
0x19e: {  	v42 =	vmul.u32 $0xC8, v42  }
0x19f: {  	s7 =	sadd.s32 $0x4B0, s5  }
0x1a0: {  	v61 =	vor.u32 s7, v0;
	v42 =	vsub.s32 v57, v42  }
0x1a1: {  	v62 =	vmulhi.u32 $0x51EB851F, v61;
	v60 =	vadd.s32 $0x1, v59;
	vm10 =	vlt.s32 v42, v41  }
0x1a2: {  	v63 =	vld [tilespmem:s20+$0xFFFFFFC0];
	v42 =	vnsel vm10, $0x0, v60  }
0x1a3: {  	[tilespmem:s20+$0xFFFFFFB0] =	vst v42;
	v42 =	vshrl.u32 v62, $0x6  }
0x1a4: {  	v42 =	vmul.u32 $0xC8, v42  }
0x1a5: {  	s7 =	sadd.s32 $0x4C0, s5  }
0x1a6: {  	v48 =	vor.u32 s7, v0;
	v42 =	vsub.s32 v61, v42  }
0x1a7: {  	v49 =	vmulhi.u32 $0x51EB851F, v48;
	v47 =	vadd.s32 $0x1, v63;
	vm11 =	vlt.s32 v42, v41  }
0x1a8: {  	v50 =	vld [tilespmem:s20+$0xFFFFFFD0];
	v42 =	vnsel vm11, $0x0, v47  }
0x1a9: {  	[tilespmem:s20+$0xFFFFFFC0] =	vst v42;
	v42 =	vshrl.u32 v49, $0x6  }
0x1aa: {  	v42 =	vmul.u32 $0xC8, v42  }
0x1ab: {  	s7 =	sadd.s32 $0x4D0, s5  }
0x1ac: {  	v52 =	vor.u32 s7, v0;
	v42 =	vsub.s32 v48, v42  }
0x1ad: {  	v51 =	vadd.s32 $0x1, v50;
	v53 =	vmulhi.u32 $0x51EB851F, v52;
	vm12 =	vlt.s32 v42, v41  }
0x1ae: {  	v54 =	vld [tilespmem:s20+$0xFFFFFFE0];
	v42 =	vnsel vm12, $0x0, v51  }
0x1af: {  	[tilespmem:s20+$0xFFFFFFD0] =	vst v42;
	v42 =	vshrl.u32 v53, $0x6  }
0x1b0: {  	v42 =	vmul.u32 $0xC8, v42  }
0x1b1: {  	s7 =	sadd.s32 $0x4E0, s5  }
0x1b2: {  	v56 =	vor.u32 s7, v0;
	v42 =	vsub.s32 v52, v42  }
0x1b3: {  	v55 =	vadd.s32 $0x1, v54;
	v57 =	vmulhi.u32 $0x51EB851F, v56;
	vm13 =	vlt.s32 v42, v41  }
0x1b4: {  	v58 =	vld [tilespmem:s20+$0xFFFFFFF0];
	v42 =	vnsel vm13, $0x0, v55  }
0x1b5: {  	[tilespmem:s20+$0xFFFFFFE0] =	vst v42;
	v42 =	vshrl.u32 v57, $0x6  }
0x1b6: {  	v42 =	vmul.u32 $0xC8, v42  }
0x1b7: {  	s5 =	sadd.s32 $0x4F0, s5  }
0x1b8: {  	v60 =	vor.u32 s5, v0;
	v42 =	vsub.s32 v56, v42  }
0x1b9: {  	v59 =	vadd.s32 $0x1, v58;
	v61 =	vmulhi.u32 $0x51EB851F, v60;
	vm14 =	vlt.s32 v42, v41  }
0x1ba: {  	v62 =	vld [tilespmem:s20+$0x0];
	v42 =	vnsel vm14, $0x0, v59  }
0x1bb: {  	[tilespmem:s20+$0xFFFFFFF0] =	vst v42;
	v42 =	vshrl.u32 v61, $0x6  }
0x1bc: {  	v42 =	vmul.u32 $0xC8, v42;
	_ =	sdelay $0x1  }
0x1bd: {  	v42 =	vsub.s32 v60, v42  }
0x1be: {  	v63 =	vadd.s32 $0x1, v62;
	vm15 =	vlt.s32 v42, v41  }
0x1bf: {  	v42 =	vnsel vm15, $0x0, v63  }
0x1c0: {  	[tilespmem:s20+$0x0] =	vst v42  }
0x1c1: {  	_ =	swait.ge [sflag:s0], $0x4000  }
0x1c2: {  	[sflag:s0] =	ssyncset.done $0x0  }
0x1c3: {  	p0 =	sne.s32 s4, $0x5F00;
	[sflag:s0] =	ssyncadd.s32 $0xFFFFC000  }
0x1c4: {  	[hbm4b:s12+s3] =	stream.linear.scatter [tilespmem:s23], [sflag:$0xA], $0x4000, $0x38;
	[tilespmem:$0x1A480] =	vst v63  }
.Ltmp0:
0x1c5: {  	_ = 	snop;
	(pc) =	sbr.rel @p0 .LBB2_2-.Ltmp0, $4  }
0x1c6: {  	_ =	swait.ge [sflag:s13], $0x4000  }
0x1c7: {  	s4 =	sadd.s32 $0x280, s4;
	s7 =	sadd.s32 $0xFFFFFF90, s20;
	[sflag:s13] =	ssyncset.done $0x0  }
0x1c8: {  	s20 =	sadd.s32 $0x280, s20;
	s12 =	sadd.s32 $0x2800, s12;
	[sflag:s13] =	ssyncadd.s32 $0xFFFFC000  }
0x1c9: {  	[tilespmem:s23], [sflag:$0x5] =	stream.indirect.gather [hbm4b:s1+s15], $0x80, s7, s15, $0xb8;
	[tilespmem:$0x1A480] =	vst v63  }
0x1ca: {  	_ =	swait.ge [sflag:s24], $0x4000  }
0x1cb: {  	[sflag:s24] =	ssyncset.done $0x0  }
0x1cc: {  	s4 =	rddreg [dreg:$0x7];
	[sflag:s24] =	ssyncadd.s32 $0xFFFFC000  }
0x1cd: {  	[hbm4b:s4+s3] =	stream.linear.scatter [tilespmem:s16], [sflag:$0x6], $0x4000, $0x38;
	[tilespmem:$0x1A480] =	vst v63  }
0x1ce: {  	_ =	swait.ge [sflag:s26], $0x4000  }
0x1cf: {  	[sflag:s26] =	ssyncset.done $0x0  }
0x1d0: {  	s20 =	rddreg [dreg:$0x8];
	[sflag:s26] =	ssyncadd.s32 $0xFFFFC000  }
0x1d1: {  	[hbm4b:s20+s3] =	stream.linear.scatter [tilespmem:s17], [sflag:$0x7], $0x4000, $0x38;
	[tilespmem:$0x1A480] =	vst v63  }
0x1d2: {  	_ =	swait.ge [sflag:s29], $0x4000  }
0x1d3: {  	[sflag:s29] =	ssyncset.done $0x0  }
0x1d4: {  	[sflag:s29] =	ssyncadd.s32 $0xFFFFC000  }
0x1d5: {  	[hbm4b:s8+s3] =	stream.linear.scatter [tilespmem:s19], [sflag:$0x8], $0x4000, $0x38;
	[tilespmem:$0x1A480] =	vst v63  }
0x1d6: {  	_ =	swait.ge [sflag:s31], $0x4000  }
0x1d7: {  	[sflag:s31] =	ssyncset.done $0x0  }
0x1d8: {  	[sflag:s31] =	ssyncadd.s32 $0xFFFFC000  }
0x1d9: {  	[hbm4b:s9+s3] =	stream.linear.scatter [tilespmem:s21], [sflag:$0x9], $0x4000, $0x38;
	[tilespmem:$0x1A480] =	vst v63  }
0x1da: {  	_ =	swait.ge [sflag:s0], $0x4000  }
0x1db: {  	[sflag:s0] =	ssyncset.done $0x0  }
0x1dc: {  	[sflag:s0] =	ssyncadd.s32 $0xFFFFC000  }
0x1dd: {  	[hbm4b:s10+s3] =	stream.linear.scatter [tilespmem:s23], [sflag:$0xA], $0x4000, $0x38;
	[tilespmem:$0x1A480] =	vst v63  }
0x1de: {  	_ =	swait.ge [sflag:s25], $0x4000  }
0x1df: {  	[sflag:s25] =	ssyncset.done $0x0  }
0x1e0: {  	[sflag:s25] =	ssyncadd.s32 $0xFFFFC000  }
0x1e1: {  	_ =	swait.ge [sflag:s28], $0x4000  }
0x1e2: {  	[sflag:s28] =	ssyncset.done $0x0  }
0x1e3: {  	[sflag:s28] =	ssyncadd.s32 $0xFFFFC000  }
0x1e4: {  	_ =	swait.ge [sflag:s30], $0x4000  }
0x1e5: {  	[sflag:s30] =	ssyncset.done $0x0  }
0x1e6: {  	s18 =	sadd.s32 $0x1, s18;
	[sflag:s30] =	ssyncadd.s32 $0xFFFFC000  }
0x1e7: {  	p0 =	sne.s32 s18, s11;
	_ =	swait.ge [sflag:s2], $0x4000  }
.Ltmp1:
0x1e8: {  	[sflag:s2] =	ssyncset.done $0x0;
	(pc) =	sbr.rel @p0 .LBB2_1-.Ltmp1, $4  }
0x1e9: {  	[sflag:s2] =	ssyncadd.s32 $0xFFFFC000  }
0x1ea: {  	_ =	swait.ge [sflag:s13], $0x4000  }
0x1eb: {  	[sflag:s13] =	ssyncset.done $0x0  }
0x1ec: {  	[sflag:s13] =	ssyncadd.s32 $0xFFFFC000  }
0x1ed: {  	_ =	sfence.sel $0x180000  }
0x1ee: {  	[bflag:$0x0] =	sbarrier.arrive $0xFFFF  }
0x1ef: {  	_ =	strace $0x90000047  }
0x1f0: {  	s0 =	stileid.u32;
	[bflag:$0x2] =	sbarrier.arrive $0xFFFF  }
0x1f1: {  	p0 =	sne.s32 s0, $0x0;
	s0 =	rddreg [dreg:$0x3]  }
0x1f2: {  	s0 =	sadd.s32 @!p0 $0x100000, s0  }
0x1f3: {  	[sflag:s0] =	ssyncadd.tile.s32 @!p0 $0x1;
	_ =	shalt  }
.Lfunc_end2:
_tile_overlayer_lowered:
.L_overlay_start_2:
0x1f4: {  	(tag) =	ssettag $0x2  }
0x1f5: {  	s0 =	rddreg [dreg:$0x0];
	s2 =	stileid.u32  }
0x1f6: {  	s1 =	rddreg [dreg:$0x1];
	p0 =	sne.s32 s2, $0x0  }
0x1f7: {  	s3 =	rddreg [dreg:$0x2];
	[bflag:$0x3] =	sbarrier.arrive $0xFFFF;
	s2 =	simm.s32 @!p0 $0x1C0B  }
0x1f8: {  	[timem:s3], [sflag:s2] =	dma.local @!p0 [hbm:s0], s1  }
0x1f9: {  	s0 =	simm.s32 @!p0 $0xB  }
0x1fa: {  	_ =	swait.ge @!p0 [sflag:s0], s1  }
0x1fb: {  	s1 =	ssub.s32 @!p0 $0x0, s1;
	[sflag:s0] =	ssyncset.done @!p0 $0x0  }
0x1fc: {  	[sflag:s0] =	ssyncadd.s32 @!p0 s1  }
0x1fd: {  	[bflag:$0x3] =	sbarrier.arrive $0xFFFF  }
0x1fe: {  	_ =	shalt  }

</sc_bundles>
